<compile_context>
chip_gen: v7x
topology: tpu7x:2x2x1
jax: 0.10.2.dev20260603
libtpu: 0.0.44.dev20260713+nightly
codegen_flags: <defaults>
</compile_context>

<pallas_src>
import jax
import jax.numpy as jnp
from jax import lax
from jax.experimental import pallas as pl
from jax.experimental.pallas import tpu as pltpu
from jax.experimental.pallas import tpu_sc as plsc

W = 2048
H = 2048
NB = 20000

_LANES = 16
_GROUPS = NB // _LANES
_NC = 2
_NS = 16
_NW = _NC * _NS
_ROWS_PER_W = H // _NW
_BAND = 4
_PASSES = _ROWS_PER_W // _BAND
_CAP = 1280

_OFFS = [(dy, dx) for dy in (-1, 0, 1) for dx in (-1, 0, 1)]


def _sc_body(cxy_hbm, w_hbm, h_hbm, mnt_hbm,
             heat_out, size_out,
             cxy_v, w_v, h_v, mnt_v,
             mcxy, midx, bidx_a, bidx_b,
             bcxy_a, bcxy_b, hb_a, hb_b, s0_a, s0_b, s1_a, s1_b,
             cnt_s, sem, sem_in):
    cid = lax.axis_index("c")
    sid = lax.axis_index("s")
    wid = sid * _NC + cid

    pltpu.async_copy(cxy_hbm, cxy_v, sem_in)
    pltpu.async_copy(w_hbm, w_v, sem)
    pltpu.async_copy(h_hbm, h_v, sem)
    pltpu.async_copy(mnt_hbm, mnt_v, sem)

    zeros = jnp.zeros((_LANES,), jnp.float32)
    lane = lax.iota(jnp.int32, _LANES)
    region0 = wid * _ROWS_PER_W
    cnt_s[0] = 0
    cnt_s[1] = 0

    @plsc.parallel_loop(0, _BAND * (W // _LANES), unroll=4)
    def _(i):
        r = i // (W // _LANES)
        off = (i % (W // _LANES)) * _LANES
        for ref in (hb_a, hb_b, s0_a, s0_b, s1_a, s1_b):
            ref[r, pl.ds(off, _LANES)] = zeros

    pltpu.make_async_copy(cxy_hbm, cxy_v, sem_in).wait()

    l1_lo = (region0 - 1) * W
    l1_hi = (region0 + _ROWS_PER_W + 1) * W

    @plsc.parallel_loop(0, _GROUPS, unroll=4,
                        carry=jnp.zeros((_LANES,), jnp.int32))
    def l1_cnt(g, cnt):
        cxy = cxy_v[pl.ds(g * _LANES, _LANES)]
        m = (cxy >= l1_lo) & (cxy < l1_hi)
        mi = m.astype(jnp.int32)
        rank = plsc.cumsum(mi) - mi
        tgt = jnp.minimum(cnt + rank, _CAP - 1)
        plsc.store_scatter(mcxy, [tgt], cxy, mask=m)
        plsc.store_scatter(midx, [tgt], g * _LANES + lane, mask=m)
        return cnt + plsc.all_reduce_population_count(m)
    mcnt = jnp.max(l1_cnt)
    mgroups = (mcnt + _LANES - 1) // _LANES

    pltpu.make_async_copy(w_hbm, w_v, sem).wait()
    pltpu.make_async_copy(h_hbm, h_v, sem).wait()
    pltpu.make_async_copy(mnt_hbm, mnt_v, sem).wait()

    msplat = [mnt_v[j] for j in range(9)]

    def do_pass(p, parity, bcxy, bidx, hb, s0b, s1b):
        r0 = region0 + p * _BAND
        r_old = r0 - 2 * _BAND

        @pl.when(p >= 2)
        def _():
            pltpu.make_async_copy(hb, heat_out.at[pl.ds(r_old, _BAND)],
                                  sem).wait()
            pltpu.make_async_copy(s0b, size_out.at[0, pl.ds(r_old, _BAND)],
                                  sem).wait()
            pltpu.make_async_copy(s1b, size_out.at[1, pl.ds(r_old, _BAND)],
                                  sem).wait()

        oc = cnt_s[parity]

        @plsc.parallel_loop(0, (oc + _LANES - 1) // _LANES, unroll=2)
        def _(g):
            tail = lane < (oc - g * _LANES)
            cxy = bcxy[pl.ds(g * _LANES, _LANES)]
            cy = lax.shift_right_logical(cxy, 11)
            cx = cxy & (W - 1)
            row = cy - r_old
            s_ok = tail & (row >= 0) & (row < _BAND)
            srow = jnp.where(s_ok, row, 0)
            plsc.store_scatter(s0b, [srow, cx], zeros, mask=s_ok)
            plsc.store_scatter(s1b, [srow, cx], zeros, mask=s_ok)
            for dy in (-1, 0, 1):
                hrow = row + dy
                ok = tail & (hrow >= 0) & (hrow < _BAND)
                hr = jnp.where(ok, hrow, 0)
                for dx in (-1, 0, 1):
                    hc = jnp.clip(cx + dx, 0, W - 1)
                    plsc.store_scatter(hb, [hr, hc], zeros, mask=ok)

        l2_lo = (r0 - 1) * W
        l2_hi = (r0 + _BAND + 1) * W

        @plsc.parallel_loop(0, mgroups, unroll=2,
                            carry=jnp.zeros((_LANES,), jnp.int32))
        def l2_cnt(g, cnt):
            tail = lane < (mcnt - g * _LANES)
            cxy = mcxy[pl.ds(g * _LANES, _LANES)]
            m = tail & (cxy >= l2_lo) & (cxy < l2_hi)
            mi = m.astype(jnp.int32)
            rank = plsc.cumsum(mi) - mi
            tgt = jnp.minimum(cnt + rank, _CAP - 1)
            plsc.store_scatter(bcxy, [tgt], cxy, mask=m)
            plsc.store_scatter(bidx, [tgt],
                               midx[pl.ds(g * _LANES, _LANES)], mask=m)
            return cnt + plsc.all_reduce_population_count(m)
        bcnt = jnp.max(l2_cnt)
        cnt_s[parity] = bcnt

        def stamp(g, c):
            tail = lane < (bcnt - g * _LANES)
            cxy = bcxy[pl.ds(g * _LANES, _LANES)]
            cy = lax.shift_right_logical(cxy, 11)
            cx = cxy & (W - 1)
            row = cy - r0

            bi = bidx[pl.ds(g * _LANES, _LANES)]
            s_ok = tail & (row >= 0) & (row < _BAND)
            srow = jnp.where(s_ok, row, 0)
            plsc.store_scatter(s0b, [srow, cx],
                               plsc.load_gather(w_v, [bi], mask=tail),
                               mask=s_ok)
            plsc.store_scatter(s1b, [srow, cx],
                               plsc.load_gather(h_v, [bi], mask=tail),
                               mask=s_ok)

            valid = (tail & (cx >= 1) & (cx <= W - 2) &
                     (cy >= 1) & (cy <= H - 2))
            for j, (dy, dx) in enumerate(_OFFS):
                hrow = row + dy
                ok = valid & (hrow >= 0) & (hrow < _BAND)
                hr = jnp.where(ok, hrow, 0)
                hc = jnp.where(ok, cx + dx, 0)
                old = plsc.load_gather(hb, [hr, hc], mask=ok)
                plsc.store_scatter(hb, [hr, hc],
                                   jnp.maximum(old, msplat[j]), mask=ok)
            return c
        lax.fori_loop(0, (bcnt + _LANES - 1) // _LANES, stamp, 0)

        pltpu.async_copy(hb, heat_out.at[pl.ds(r0, _BAND)], sem)
        pltpu.async_copy(s0b, size_out.at[0, pl.ds(r0, _BAND)], sem)
        pltpu.async_copy(s1b, size_out.at[1, pl.ds(r0, _BAND)], sem)

    def band_pass(p, carry):
        @pl.when(p % 2 == 0)
        def _():
            do_pass(p, 0, bcxy_a, bidx_a, hb_a, s0_a, s1_a)

        @pl.when(p % 2 == 1)
        def _():
            do_pass(p, 1, bcxy_b, bidx_b, hb_b, s0_b, s1_b)
        return carry

    lax.fori_loop(0, _PASSES, band_pass, 0)

    for p, (hb, s0b, s1b) in ((_PASSES - 2, (hb_a, s0_a, s1_a)),
                              (_PASSES - 1, (hb_b, s0_b, s1_b))):
        r0 = region0 + p * _BAND
        pltpu.make_async_copy(hb, heat_out.at[pl.ds(r0, _BAND)], sem).wait()
        pltpu.make_async_copy(s0b, size_out.at[0, pl.ds(r0, _BAND)],
                              sem).wait()
        pltpu.make_async_copy(s1b, size_out.at[1, pl.ds(r0, _BAND)],
                              sem).wait()


@jax.jit
def _sc_call(cxy, wv, hv, mnt):
    f = pl.kernel(
        _sc_body,
        out_type=[
            jax.ShapeDtypeStruct((H, W), jnp.float32),
            jax.ShapeDtypeStruct((2, H, W), jnp.float32),
        ],
        mesh=plsc.VectorSubcoreMesh(core_axis_name="c", subcore_axis_name="s"),
        compiler_params=pltpu.CompilerParams(needs_layout_passes=False),
        scratch_types=[
            pltpu.VMEM((NB,), jnp.int32),
            pltpu.VMEM((NB,), jnp.float32),
            pltpu.VMEM((NB,), jnp.float32),
            pltpu.VMEM((9, _LANES), jnp.float32),
            pltpu.VMEM((_CAP,), jnp.int32),
            pltpu.VMEM((_CAP,), jnp.int32),
            pltpu.VMEM((_CAP,), jnp.int32),
            pltpu.VMEM((_CAP,), jnp.int32),
            pltpu.VMEM((_CAP,), jnp.int32),
            pltpu.VMEM((_CAP,), jnp.int32),
            pltpu.VMEM((_BAND, W), jnp.float32),
            pltpu.VMEM((_BAND, W), jnp.float32),
            pltpu.VMEM((_BAND, W), jnp.float32),
            pltpu.VMEM((_BAND, W), jnp.float32),
            pltpu.VMEM((_BAND, W), jnp.float32),
            pltpu.VMEM((_BAND, W), jnp.float32),
            pltpu.SMEM((2,), jnp.int32),
            pltpu.SemaphoreType.DMA,
            pltpu.SemaphoreType.DMA,
        ],
    )
    return f(cxy, wv, hv, mnt)


def kernel(boxes, mount):
    cxi = (boxes[:, 0] * W).astype(jnp.int32)
    cyi = (boxes[:, 1] * H).astype(jnp.int32)
    cxy = cyi * W + cxi
    wv = boxes[:, 2]
    hv = boxes[:, 3]
    mnt = jnp.broadcast_to(mount.reshape(9, 1), (9, _LANES))
    heat, size = _sc_call(cxy, wv, hv, mnt)
    return heat.reshape(1, 1, H, W), size.reshape(1, 2, H, W)

# --- scband reference (transcript-rebuilt; emitter-appended) ---
"""Pipeline reference for scband-soft-heat-map-16183436771723 (READ-ONLY COPY).

The authoritative reference and input builder live on the scoring server;
editing this copy changes nothing except your own understanding.
"""

import jax, jax.numpy as jnp
import numpy as np

W = 2048
H = 2048
NB = 20000


def _gaussian_2d(shape, sigma=1.0):
    m, n = int((shape[0] - 1.0) / 2.0), int((shape[1] - 1.0) / 2.0)
    y, x = np.ogrid[-m:m + 1, -n:n + 1]
    h = np.exp(-(x * x + y * y) / (2 * sigma * sigma))
    h[h < np.finfo(h.dtype).eps * h.max()] = 0
    return h


def setup_inputs(seed: int = 0) -> dict:
    key = jax.random.key(seed)
    boxes = jax.random.uniform(key, (NB, 4), dtype=jnp.float32)
    mount = _gaussian_2d((3, 3), sigma=1.0)
    mount = mount / mount.max()
    mount = jnp.asarray(mount, dtype=jnp.float32)  # buffer, shape (3, 3)
    return {"boxes": boxes, "mount": mount}


def reference(boxes, mount):
    w, h = W, H
    b = boxes.shape[0]
    cx = (boxes[:, 0] * w).astype(jnp.int32)
    cy = (boxes[:, 1] * h).astype(jnp.int32)

    # sizemap[:, cy, cx] = boxes[:, 2:4].T  (scatter-overwrite)
    sizemap = jnp.zeros((2, h, w), dtype=jnp.float32)
    sizemap = sizemap.at[:, cy, cx].set(boxes[:, 2:4].T)

    # Torch loop stamps a 3x3 gaussian mount via elementwise max, but only when
    # the sliced target is a full 3x3 window (i.e. the stamp lies fully inside
    # the image; negative y0/x0 or y1/x1 > bound yield a smaller/empty slice
    # and the box is skipped). Since max is order-independent and all values
    # are >= 0, this is exactly a masked scatter-max.
    valid = (cx >= 1) & (cx <= w - 2) & (cy >= 1) & (cy <= h - 2)
    dy, dx = jnp.meshgrid(jnp.arange(-1, 2), jnp.arange(-1, 2), indexing='ij')
    ys = cy[:, None] + dy.reshape(-1)[None, :]
    xs = cx[:, None] + dx.reshape(-1)[None, :]
    vals = jnp.broadcast_to(mount.reshape(-1)[None, :], (b, 9))
    vals = jnp.where(valid[:, None], vals, 0.0)
    ys = jnp.where(valid[:, None], ys, 0)
    xs = jnp.where(valid[:, None], xs, 0)
    img = jnp.zeros((h, w), dtype=jnp.float32)
    img = img.at[ys.reshape(-1), xs.reshape(-1)].max(vals.reshape(-1))
    heatmap = img.reshape(1, 1, h, w)
    return heatmap, sizemap[None]

if __name__ == "__main__":
    import jax
    _d = setup_inputs()
    print(jax.jit(kernel)(*tuple(_d.values())))

</pallas_src>

<mosaic_0001>
#map = affine_map<(d0, d1) -> (0)>
#map1 = affine_map<(d0, d1) -> (0, 0)>
#map2 = affine_map<(d0, d1) -> (0, 0, 0)>
module attributes {stable_mosaic.version = 14 : i64} {
  func.func @_sc_body(%arg0: i32, %arg1: i32, %arg2: memref<20000xi32, #tpu.memory_space<hbm>>, %arg3: memref<20000xf32, #tpu.memory_space<hbm>>, %arg4: memref<20000xf32, #tpu.memory_space<hbm>>, %arg5: memref<9x16xf32, #tpu.memory_space<hbm>>, %arg6: memref<2048x2048xf32, #tpu.memory_space<hbm>>, %arg7: memref<2x2048x2048xf32, #tpu.memory_space<hbm>>, %arg8: memref<20000xi32, #tpu.memory_space<vmem>>, %arg9: memref<20000xf32, #tpu.memory_space<vmem>>, %arg10: memref<20000xf32, #tpu.memory_space<vmem>>, %arg11: memref<9x16xf32, #tpu.memory_space<vmem>>, %arg12: memref<1280xi32, #tpu.memory_space<vmem>>, %arg13: memref<1280xi32, #tpu.memory_space<vmem>>, %arg14: memref<1280xi32, #tpu.memory_space<vmem>>, %arg15: memref<1280xi32, #tpu.memory_space<vmem>>, %arg16: memref<1280xi32, #tpu.memory_space<vmem>>, %arg17: memref<1280xi32, #tpu.memory_space<vmem>>, %arg18: memref<4x2048xf32, #tpu.memory_space<vmem>>, %arg19: memref<4x2048xf32, #tpu.memory_space<vmem>>, %arg20: memref<4x2048xf32, #tpu.memory_space<vmem>>, %arg21: memref<4x2048xf32, #tpu.memory_space<vmem>>, %arg22: memref<4x2048xf32, #tpu.memory_space<vmem>>, %arg23: memref<4x2048xf32, #tpu.memory_space<vmem>>, %arg24: memref<2xi32, #tpu.memory_space<smem>>, %arg25: memref<!tpu.dma_semaphore, #tpu.memory_space<semaphore_mem>>, %arg26: memref<!tpu.dma_semaphore, #tpu.memory_space<semaphore_mem>>) attributes {dimension_semantics = [#tpu.dimension_semantics<core_parallel>, #tpu.dimension_semantics<subcore_parallel>], iteration_bounds = array<i64: 2, 16>, scalar_prefetch = 0 : i64, scratch_operands = 19 : i64, tpu.core_type = #tpu.core_type<sc_vector_subcore>, window_params = [{transform_indices = #map}, {transform_indices = #map}, {transform_indices = #map}, {transform_indices = #map1}, {transform_indices = #map1}, {transform_indices = #map2}]} {
    %mul3A = arith.constant 2 : i32
    %mul3A_0 = arith.muli %arg1, %mul3A : i32
    %add3A = arith.addi %mul3A_0, %arg0 : i32
    tpu.enqueue_dma source(%arg2 : memref<20000xi32, #tpu.memory_space<hbm>>) target(%arg8 : memref<20000xi32, #tpu.memory_space<vmem>>) target_semaphore(%arg26 : memref<!tpu.dma_semaphore, #tpu.memory_space<semaphore_mem>>)
    tpu.enqueue_dma source(%arg3 : memref<20000xf32, #tpu.memory_space<hbm>>) target(%arg9 : memref<20000xf32, #tpu.memory_space<vmem>>) target_semaphore(%arg25 : memref<!tpu.dma_semaphore, #tpu.memory_space<semaphore_mem>>)
    tpu.enqueue_dma source(%arg4 : memref<20000xf32, #tpu.memory_space<hbm>>) target(%arg10 : memref<20000xf32, #tpu.memory_space<vmem>>) target_semaphore(%arg25 : memref<!tpu.dma_semaphore, #tpu.memory_space<semaphore_mem>>)
    tpu.enqueue_dma source(%arg5 : memref<9x16xf32, #tpu.memory_space<hbm>>) target(%arg11 : memref<9x16xf32, #tpu.memory_space<vmem>>) target_semaphore(%arg25 : memref<!tpu.dma_semaphore, #tpu.memory_space<semaphore_mem>>)
    %broadcast_in_dim3A = arith.constant 0.000000e+00 : f32
    %broadcast_in_dim3A_1 = vector.broadcast %broadcast_in_dim3A : f32 to vector<16xf32>
    %iota3A = tpu.iota {dimensions = array<i32: 0>} : vector<16xi32>
    %mul3A_2 = arith.constant 64 : i32
    %mul3A_3 = arith.muli %add3A, %mul3A_2 : i32
    %swap3A = arith.constant 0 : i32
    %swap3A_4 = arith.constant 0 : i32
    %swap3A_5 = arith.index_cast %swap3A_4 : i32 to index
    %swap3A_6 = memref.load %arg24[%swap3A_5] : memref<2xi32, #tpu.memory_space<smem>>
    memref.store %swap3A, %arg24[%swap3A_5] : memref<2xi32, #tpu.memory_space<smem>>
    %swap3A_7 = arith.constant 0 : i32
    %swap3A_8 = arith.constant 1 : i32
    %swap3A_9 = arith.index_cast %swap3A_8 : i32 to index
    %swap3A_10 = memref.load %arg24[%swap3A_9] : memref<2xi32, #tpu.memory_space<smem>>
    memref.store %swap3A_7, %arg24[%swap3A_9] : memref<2xi32, #tpu.memory_space<smem>>
    %parallel_loop3A = arith.constant 0 : i32
    %parallel_loop3A_11 = arith.constant 512 : i32
    %parallel_loop3A_12 = arith.constant 1 : i32
    scf.for %parallel_loop3A_135 = %parallel_loop3A to %parallel_loop3A_11 step %parallel_loop3A_12  : i32 {
      %parallel_loop3A_136 = arith.constant 128 : i32
      %parallel_loop3A_137 = arith.divsi %parallel_loop3A_135, %parallel_loop3A_136 : i32
      %parallel_loop3A_138 = arith.constant 0 : i32
      %parallel_loop3A_139 = arith.cmpi sgt, %parallel_loop3A_135, %parallel_loop3A_138 : i32
      %parallel_loop3A_140 = arith.extui %parallel_loop3A_139 : i1 to i32
      %parallel_loop3A_141 = arith.constant 0 : i32
      %parallel_loop3A_142 = arith.cmpi slt, %parallel_loop3A_135, %parallel_loop3A_141 : i32
      %parallel_loop3A_143 = arith.extui %parallel_loop3A_142 : i1 to i32
      %parallel_loop3A_144 = arith.subi %parallel_loop3A_140, %parallel_loop3A_143 : i32
      %parallel_loop3A_145 = arith.constant 0 : i32
      %parallel_loop3A_146 = arith.cmpi sgt, %parallel_loop3A_136, %parallel_loop3A_145 : i32
      %parallel_loop3A_147 = arith.extui %parallel_loop3A_146 : i1 to i32
      %parallel_loop3A_148 = arith.constant 0 : i32
      %parallel_loop3A_149 = arith.cmpi slt, %parallel_loop3A_136, %parallel_loop3A_148 : i32
      %parallel_loop3A_150 = arith.extui %parallel_loop3A_149 : i1 to i32
      %parallel_loop3A_151 = arith.subi %parallel_loop3A_147, %parallel_loop3A_150 : i32
      %parallel_loop3A_152 = arith.cmpi ne, %parallel_loop3A_144, %parallel_loop3A_151 : i32
      %parallel_loop3A_153 = arith.remsi %parallel_loop3A_135, %parallel_loop3A_136 : i32
      %parallel_loop3A_154 = arith.constant 0 : i32
      %parallel_loop3A_155 = arith.cmpi ne, %parallel_loop3A_153, %parallel_loop3A_154 : i32
      %parallel_loop3A_156 = arith.andi %parallel_loop3A_152, %parallel_loop3A_155 : i1
      %parallel_loop3A_157 = arith.constant 1 : i32
      %parallel_loop3A_158 = arith.subi %parallel_loop3A_137, %parallel_loop3A_157 : i32
      %parallel_loop3A_159 = arith.select %parallel_loop3A_156, %parallel_loop3A_158, %parallel_loop3A_137 : i32
      %parallel_loop3A_160 = arith.constant 128 : i32
      %parallel_loop3A_161 = arith.constant 0 : i32
      %parallel_loop3A_162 = arith.cmpi eq, %parallel_loop3A_160, %parallel_loop3A_161 : i32
      %parallel_loop3A_163 = arith.constant 1 : i32
      %parallel_loop3A_164 = arith.select %parallel_loop3A_162, %parallel_loop3A_163, %parallel_loop3A_160 : i32
      %parallel_loop3A_165 = arith.remsi %parallel_loop3A_135, %parallel_loop3A_164 : i32
      %parallel_loop3A_166 = arith.constant 0 : i32
      %parallel_loop3A_167 = arith.cmpi ne, %parallel_loop3A_165, %parallel_loop3A_166 : i32
      %parallel_loop3A_168 = arith.constant 0 : i32
      %parallel_loop3A_169 = arith.cmpi slt, %parallel_loop3A_165, %parallel_loop3A_168 : i32
      %parallel_loop3A_170 = arith.constant 0 : i32
      %parallel_loop3A_171 = arith.cmpi slt, %parallel_loop3A_164, %parallel_loop3A_170 : i32
      %parallel_loop3A_172 = arith.xori %parallel_loop3A_169, %parallel_loop3A_171 : i1
      %parallel_loop3A_173 = arith.andi %parallel_loop3A_172, %parallel_loop3A_167 : i1
      %parallel_loop3A_174 = arith.addi %parallel_loop3A_165, %parallel_loop3A_164 : i32
      %parallel_loop3A_175 = arith.select %parallel_loop3A_173, %parallel_loop3A_174, %parallel_loop3A_165 : i32
      %parallel_loop3A_176 = arith.constant 16 : i32
      %parallel_loop3A_177 = arith.muli %parallel_loop3A_175, %parallel_loop3A_176 : i32
      %parallel_loop3A_178 = arith.index_cast %parallel_loop3A_159 : i32 to index
      %parallel_loop3A_179 = arith.index_cast %parallel_loop3A_177 : i32 to index
      %parallel_loop3A_180 = tpu.vector_load %arg18[%parallel_loop3A_178, %parallel_loop3A_179] {strides = array<i32>} : memref<4x2048xf32, #tpu.memory_space<vmem>>, vector<16xf32>,
      tpu.vector_store %arg18[%parallel_loop3A_178, %parallel_loop3A_179], %broadcast_in_dim3A_1 {strides = array<i32>} : memref<4x2048xf32, #tpu.memory_space<vmem>>, vector<16xf32>,
      %parallel_loop3A_181 = arith.index_cast %parallel_loop3A_159 : i32 to index
      %parallel_loop3A_182 = arith.index_cast %parallel_loop3A_177 : i32 to index
      %parallel_loop3A_183 = tpu.vector_load %arg19[%parallel_loop3A_181, %parallel_loop3A_182] {strides = array<i32>} : memref<4x2048xf32, #tpu.memory_space<vmem>>, vector<16xf32>,
      tpu.vector_store %arg19[%parallel_loop3A_181, %parallel_loop3A_182], %broadcast_in_dim3A_1 {strides = array<i32>} : memref<4x2048xf32, #tpu.memory_space<vmem>>, vector<16xf32>,
      %parallel_loop3A_184 = arith.index_cast %parallel_loop3A_159 : i32 to index
      %parallel_loop3A_185 = arith.index_cast %parallel_loop3A_177 : i32 to index
      %parallel_loop3A_186 = tpu.vector_load %arg20[%parallel_loop3A_184, %parallel_loop3A_185] {strides = array<i32>} : memref<4x2048xf32, #tpu.memory_space<vmem>>, vector<16xf32>,
      tpu.vector_store %arg20[%parallel_loop3A_184, %parallel_loop3A_185], %broadcast_in_dim3A_1 {strides = array<i32>} : memref<4x2048xf32, #tpu.memory_space<vmem>>, vector<16xf32>,
      %parallel_loop3A_187 = arith.index_cast %parallel_loop3A_159 : i32 to index
      %parallel_loop3A_188 = arith.index_cast %parallel_loop3A_177 : i32 to index
      %parallel_loop3A_189 = tpu.vector_load %arg21[%parallel_loop3A_187, %parallel_loop3A_188] {strides = array<i32>} : memref<4x2048xf32, #tpu.memory_space<vmem>>, vector<16xf32>,
      tpu.vector_store %arg21[%parallel_loop3A_187, %parallel_loop3A_188], %broadcast_in_dim3A_1 {strides = array<i32>} : memref<4x2048xf32, #tpu.memory_space<vmem>>, vector<16xf32>,
      %parallel_loop3A_190 = arith.index_cast %parallel_loop3A_159 : i32 to index
      %parallel_loop3A_191 = arith.index_cast %parallel_loop3A_177 : i32 to index
      %parallel_loop3A_192 = tpu.vector_load %arg22[%parallel_loop3A_190, %parallel_loop3A_191] {strides = array<i32>} : memref<4x2048xf32, #tpu.memory_space<vmem>>, vector<16xf32>,
      tpu.vector_store %arg22[%parallel_loop3A_190, %parallel_loop3A_191], %broadcast_in_dim3A_1 {strides = array<i32>} : memref<4x2048xf32, #tpu.memory_space<vmem>>, vector<16xf32>,
      %parallel_loop3A_193 = arith.index_cast %parallel_loop3A_159 : i32 to index
      %parallel_loop3A_194 = arith.index_cast %parallel_loop3A_177 : i32 to index
      %parallel_loop3A_195 = tpu.vector_load %arg23[%parallel_loop3A_193, %parallel_loop3A_194] {strides = array<i32>} : memref<4x2048xf32, #tpu.memory_space<vmem>>, vector<16xf32>,
      tpu.vector_store %arg23[%parallel_loop3A_193, %parallel_loop3A_194], %broadcast_in_dim3A_1 {strides = array<i32>} : memref<4x2048xf32, #tpu.memory_space<vmem>>, vector<16xf32>,
    } {sc.loop_unroll_factor = 4 : i64, sc.parallel_access}
    tpu.wait_dma2 semaphore(%arg26 : memref<!tpu.dma_semaphore, #tpu.memory_space<semaphore_mem>>) src(%arg2 : memref<20000xi32, #tpu.memory_space<hbm>>) dst(%arg8 : memref<20000xi32, #tpu.memory_space<vmem>>)
    %sub3A = arith.constant 1 : i32
    %sub3A_13 = arith.subi %mul3A_3, %sub3A : i32
    %mul3A_14 = arith.constant 2048 : i32
    %mul3A_15 = arith.muli %sub3A_13, %mul3A_14 : i32
    %add3A_16 = arith.constant 64 : i32
    %add3A_17 = arith.addi %mul3A_3, %add3A_16 : i32
    %add3A_18 = arith.constant 1 : i32
    %add3A_19 = arith.addi %add3A_17, %add3A_18 : i32
    %mul3A_20 = arith.constant 2048 : i32
    %mul3A_21 = arith.muli %add3A_19, %mul3A_20 : i32
    %broadcast_in_dim3A_22 = arith.constant 0 : i32
    %broadcast_in_dim3A_23 = vector.broadcast %broadcast_in_dim3A_22 : i32 to vector<16xi32>
    %parallel_loop3A_24 = arith.constant 0 : i32
    %parallel_loop3A_25 = arith.constant 1250 : i32
    %parallel_loop3A_26 = arith.constant 1 : i32
    %parallel_loop3A_27 = scf.for %parallel_loop3A_135 = %parallel_loop3A_24 to %parallel_loop3A_25 step %parallel_loop3A_26 iter_args(%parallel_loop3A_136 = %broadcast_in_dim3A_23) -> (vector<16xi32>)  : i32 {
      %parallel_loop3A_137 = arith.constant 16 : i32
      %parallel_loop3A_138 = arith.muli %parallel_loop3A_135, %parallel_loop3A_137 : i32
      %parallel_loop3A_139 = arith.index_cast %parallel_loop3A_138 : i32 to index
      %parallel_loop3A_140 = tpu.vector_load %arg8[%parallel_loop3A_139] {strides = array<i32>} : memref<20000xi32, #tpu.memory_space<vmem>>, vector<16xi32>,
      %parallel_loop3A_141 = vector.broadcast %mul3A_15 : i32 to vector<16xi32>
      %parallel_loop3A_142 = arith.cmpi sge, %parallel_loop3A_140, %parallel_loop3A_141 : vector<16xi32>
      %parallel_loop3A_143 = vector.broadcast %mul3A_21 : i32 to vector<16xi32>
      %parallel_loop3A_144 = arith.cmpi slt, %parallel_loop3A_140, %parallel_loop3A_143 : vector<16xi32>
      %parallel_loop3A_145 = arith.andi %parallel_loop3A_142, %parallel_loop3A_144 : vector<16xi1>
      %parallel_loop3A_146 = arith.extui %parallel_loop3A_145 : vector<16xi1> to vector<16xi32>
      %parallel_loop3A_147 = arith.constant true
      %parallel_loop3A_148 = vector.broadcast %parallel_loop3A_147 : i1 to vector<16xi1>
      %parallel_loop3A_149 = tpu.scan <sum>, %parallel_loop3A_146 masked %parallel_loop3A_148 : vector<16xi32>, vector<16xi1> -> vector<16xi32>
      %parallel_loop3A_150 = arith.subi %parallel_loop3A_149, %parallel_loop3A_146 : vector<16xi32>
      %parallel_loop3A_151 = arith.addi %parallel_loop3A_136, %parallel_loop3A_150 : vector<16xi32>
      %parallel_loop3A_152 = arith.constant 1279 : i32
      %parallel_loop3A_153 = vector.broadcast %parallel_loop3A_152 : i32 to vector<16xi32>
      %parallel_loop3A_154 = arith.minsi %parallel_loop3A_151, %parallel_loop3A_153 : vector<16xi32>
      tpu.vector_store_idx %arg12[%parallel_loop3A_154], %parallel_loop3A_140 masked %parallel_loop3A_145 : memref<1280xi32, #tpu.memory_space<vmem>>[vector<16xi32>], vector<16xi32>, vector<16xi1>
      %parallel_loop3A_155 = arith.constant 16 : i32
      %parallel_loop3A_156 = arith.muli %parallel_loop3A_135, %parallel_loop3A_155 : i32
      %parallel_loop3A_157 = vector.broadcast %parallel_loop3A_156 : i32 to vector<16xi32>
      %parallel_loop3A_158 = arith.addi %parallel_loop3A_157, %iota3A : vector<16xi32>
      tpu.vector_store_idx %arg13[%parallel_loop3A_154], %parallel_loop3A_158 masked %parallel_loop3A_145 : memref<1280xi32, #tpu.memory_space<vmem>>[vector<16xi32>], vector<16xi32>, vector<16xi1>
      %parallel_loop3A_159 = tpu.all_reduce %parallel_loop3A_145 {dim = 0 : i64, kind = #tpu.reduction_kind<sum>} : vector<16xi1> -> vector<16xi32>
      %parallel_loop3A_160 = arith.addi %parallel_loop3A_136, %parallel_loop3A_159 : vector<16xi32>
      scf.yield %parallel_loop3A_160 : vector<16xi32>
    } {sc.loop_unroll_factor = 4 : i64, sc.parallel_access}
    %reduce_max3A = arith.constant true
    %reduce_max3A_28 = vector.broadcast %reduce_max3A : i1 to vector<16xi1>
    %reduce_max3A_29 = arith.constant -2147483648 : i32
    %reduce_max3A_30 = vector.broadcast %reduce_max3A_29 : i32 to vector<16xi32>
    %reduce_max3A_31 = arith.xori %parallel_loop3A_27, %reduce_max3A_30 : vector<16xi32>
    %reduce_max3A_32 = tpu.scan <max>, %reduce_max3A_31 masked %reduce_max3A_28 : vector<16xi32>, vector<16xi1> -> vector<16xi32>
    %reduce_max3A_33 = arith.xori %reduce_max3A_32, %reduce_max3A_30 : vector<16xi32>
    %reduce_max3A_34 = vector.extract %reduce_max3A_33[15] : i32 from vector<16xi32>
    %add3A_35 = arith.constant 16 : i32
    %add3A_36 = arith.addi %reduce_max3A_34, %add3A_35 : i32
    %sub3A_37 = arith.constant 1 : i32
    %sub3A_38 = arith.subi %add3A_36, %sub3A_37 : i32
    %jit3A = arith.constant 16 : i32
    %div3A = arith.divsi %sub3A_38, %jit3A : i32
    %sign3A = arith.constant 0 : i32
    %sign3A_39 = arith.cmpi sgt, %sub3A_38, %sign3A : i32
    %sign3A_40 = arith.extui %sign3A_39 : i1 to i32
    %sign3A_41 = arith.constant 0 : i32
    %sign3A_42 = arith.cmpi slt, %sub3A_38, %sign3A_41 : i32
    %sign3A_43 = arith.extui %sign3A_42 : i1 to i32
    %sign3A_44 = arith.subi %sign3A_40, %sign3A_43 : i32
    %sign3A_45 = arith.constant 0 : i32
    %sign3A_46 = arith.cmpi sgt, %jit3A, %sign3A_45 : i32
    %sign3A_47 = arith.extui %sign3A_46 : i1 to i32
    %sign3A_48 = arith.constant 0 : i32
    %sign3A_49 = arith.cmpi slt, %jit3A, %sign3A_48 : i32
    %sign3A_50 = arith.extui %sign3A_49 : i1 to i32
    %sign3A_51 = arith.subi %sign3A_47, %sign3A_50 : i32
    %ne3A = arith.cmpi ne, %sign3A_44, %sign3A_51 : i32
    %rem3A = arith.remsi %sub3A_38, %jit3A : i32
    %ne3A_52 = arith.constant 0 : i32
    %ne3A_53 = arith.cmpi ne, %rem3A, %ne3A_52 : i32
    %and3A = arith.andi %ne3A, %ne3A_53 : i1
    %sub3A_54 = arith.constant 1 : i32
    %sub3A_55 = arith.subi %div3A, %sub3A_54 : i32
    %select_n3A = arith.select %and3A, %sub3A_55, %div3A : i32
    tpu.wait_dma2 semaphore(%arg25 : memref<!tpu.dma_semaphore, #tpu.memory_space<semaphore_mem>>) src(%arg3 : memref<20000xf32, #tpu.memory_space<hbm>>) dst(%arg9 : memref<20000xf32, #tpu.memory_space<vmem>>)
    tpu.wait_dma2 semaphore(%arg25 : memref<!tpu.dma_semaphore, #tpu.memory_space<semaphore_mem>>) src(%arg4 : memref<20000xf32, #tpu.memory_space<hbm>>) dst(%arg10 : memref<20000xf32, #tpu.memory_space<vmem>>)
    tpu.wait_dma2 semaphore(%arg25 : memref<!tpu.dma_semaphore, #tpu.memory_space<semaphore_mem>>) src(%arg5 : memref<9x16xf32, #tpu.memory_space<hbm>>) dst(%arg11 : memref<9x16xf32, #tpu.memory_space<vmem>>)
    %get3A = arith.constant 0 : i32
    %get3A_56 = arith.index_cast %get3A : i32 to index
    %get3A_57 = arith.constant 0 : index
    %get3A_58 = tpu.vector_load %arg11[%get3A_56, %get3A_57] {strides = array<i32>} : memref<9x16xf32, #tpu.memory_space<vmem>>, vector<16xf32>,
    %get3A_59 = arith.constant 1 : i32
    %get3A_60 = arith.index_cast %get3A_59 : i32 to index
    %get3A_61 = arith.constant 0 : index
    %get3A_62 = tpu.vector_load %arg11[%get3A_60, %get3A_61] {strides = array<i32>} : memref<9x16xf32, #tpu.memory_space<vmem>>, vector<16xf32>,
    %get3A_63 = arith.constant 2 : i32
    %get3A_64 = arith.index_cast %get3A_63 : i32 to index
    %get3A_65 = arith.constant 0 : index
    %get3A_66 = tpu.vector_load %arg11[%get3A_64, %get3A_65] {strides = array<i32>} : memref<9x16xf32, #tpu.memory_space<vmem>>, vector<16xf32>,
    %get3A_67 = arith.constant 3 : i32
    %get3A_68 = arith.index_cast %get3A_67 : i32 to index
    %get3A_69 = arith.constant 0 : index
    %get3A_70 = tpu.vector_load %arg11[%get3A_68, %get3A_69] {strides = array<i32>} : memref<9x16xf32, #tpu.memory_space<vmem>>, vector<16xf32>,
    %get3A_71 = arith.constant 4 : i32
    %get3A_72 = arith.index_cast %get3A_71 : i32 to index
    %get3A_73 = arith.constant 0 : index
    %get3A_74 = tpu.vector_load %arg11[%get3A_72, %get3A_73] {strides = array<i32>} : memref<9x16xf32, #tpu.memory_space<vmem>>, vector<16xf32>,
    %get3A_75 = arith.constant 5 : i32
    %get3A_76 = arith.index_cast %get3A_75 : i32 to index
    %get3A_77 = arith.constant 0 : index
    %get3A_78 = tpu.vector_load %arg11[%get3A_76, %get3A_77] {strides = array<i32>} : memref<9x16xf32, #tpu.memory_space<vmem>>, vector<16xf32>,
    %get3A_79 = arith.constant 6 : i32
    %get3A_80 = arith.index_cast %get3A_79 : i32 to index
    %get3A_81 = arith.constant 0 : index
    %get3A_82 = tpu.vector_load %arg11[%get3A_80, %get3A_81] {strides = array<i32>} : memref<9x16xf32, #tpu.memory_space<vmem>>, vector<16xf32>,
    %get3A_83 = arith.constant 7 : i32
    %get3A_84 = arith.index_cast %get3A_83 : i32 to index
    %get3A_85 = arith.constant 0 : index
    %get3A_86 = tpu.vector_load %arg11[%get3A_84, %get3A_85] {strides = array<i32>} : memref<9x16xf32, #tpu.memory_space<vmem>>, vector<16xf32>,
    %get3A_87 = arith.constant 8 : i32
    %get3A_88 = arith.index_cast %get3A_87 : i32 to index
    %get3A_89 = arith.constant 0 : index
    %get3A_90 = tpu.vector_load %arg11[%get3A_88, %get3A_89] {strides = array<i32>} : memref<9x16xf32, #tpu.memory_space<vmem>>, vector<16xf32>,
    %scan3A = arith.constant 0 : i32
    %scan3A_91 = arith.constant 0 : i32
    %scan3A_92 = arith.constant 16 : i32
    %scan3A_93 = arith.addi %scan3A_91, %scan3A_92 : i32
    %scan3A_94 = arith.constant 1 : i32
    scf.for %scan3A_135 = %scan3A_91 to %scan3A_93 step %scan3A_94  : i32 {
      %jit3A_136 = arith.constant 2 : i32
      %eq3A = arith.constant 0 : i32
      %eq3A_137 = arith.cmpi eq, %jit3A_136, %eq3A : i32
      %jit3A_138 = arith.constant 1 : i32
      %select_n3A_139 = arith.select %eq3A_137, %jit3A_138, %jit3A_136 : i32
      %rem3A_140 = arith.remsi %scan3A_135, %select_n3A_139 : i32
      %ne3A_141 = arith.constant 0 : i32
      %ne3A_142 = arith.cmpi ne, %rem3A_140, %ne3A_141 : i32
      %lt3A = arith.constant 0 : i32
      %lt3A_143 = arith.cmpi slt, %rem3A_140, %lt3A : i32
      %lt3A_144 = arith.constant 0 : i32
      %lt3A_145 = arith.cmpi slt, %select_n3A_139, %lt3A_144 : i32
      %ne3A_146 = arith.xori %lt3A_143, %lt3A_145 : i1
      %and3A_147 = arith.andi %ne3A_146, %ne3A_142 : i1
      %add3A_148 = arith.addi %rem3A_140, %select_n3A_139 : i32
      %select_n3A_149 = arith.select %and3A_147, %add3A_148, %rem3A_140 : i32
      %eq3A_150 = arith.constant 0 : i32
      %eq3A_151 = arith.cmpi eq, %select_n3A_149, %eq3A_150 : i32
      %convert_element_type3A = arith.extui %eq3A_151 : i1 to i32
      %cond3A = arith.constant 0 : i32
      %cond3A_152 = arith.cmpi ne, %convert_element_type3A, %cond3A : i32
      scf.if %cond3A_152 {
        %mul3A_174 = arith.constant 4 : i32
        %mul3A_175 = arith.muli %scan3A_135, %mul3A_174 : i32
        %add3A_176 = arith.addi %mul3A_3, %mul3A_175 : i32
        %sub3A_177 = arith.constant 8 : i32
        %sub3A_178 = arith.subi %add3A_176, %sub3A_177 : i32
        %ge3A = arith.constant 2 : i32
        %ge3A_179 = arith.cmpi sge, %scan3A_135, %ge3A : i32
        %convert_element_type3A_180 = arith.extui %ge3A_179 : i1 to i32
        %cond3A_181 = arith.constant 0 : i32
        %cond3A_182 = arith.cmpi ne, %convert_element_type3A_180, %cond3A_181 : i32
        scf.if %cond3A_182 {
          %dma_wait3A_296 = arith.constant 0 : i32
          %dma_wait3A_297 = tpu.memref_slice %arg6[%sub3A_178, %dma_wait3A_296] : memref<2048x2048xf32, #tpu.memory_space<hbm>> -> memref<4x2048xf32, #tpu.memory_space<hbm>>
          %dma_wait3A_298 = arith.constant 0 : i32
          %dma_wait3A_299 = tpu.memref_slice %arg6[%sub3A_178, %dma_wait3A_298] : memref<2048x2048xf32, #tpu.memory_space<hbm>> -> memref<4x2048xf32, #tpu.memory_space<hbm>>
          tpu.wait_dma2 semaphore(%arg25 : memref<!tpu.dma_semaphore, #tpu.memory_space<semaphore_mem>>) src(%arg18 : memref<4x2048xf32, #tpu.memory_space<vmem>>) dst(%dma_wait3A_299 : memref<4x2048xf32, #tpu.memory_space<hbm>>)
          %dma_wait3A_300 = arith.constant 0 : i32
          %dma_wait3A_301 = arith.constant 0 : i32
          %dma_wait3A_302 = tpu.memref_slice %arg7[%dma_wait3A_300, %sub3A_178, %dma_wait3A_301] : memref<2x2048x2048xf32, #tpu.memory_space<hbm>> -> memref<1x4x2048xf32, #tpu.memory_space<hbm>>
          %dma_wait3A_303 = tpu.memref_squeeze %dma_wait3A_302 : memref<1x4x2048xf32, #tpu.memory_space<hbm>> -> memref<4x2048xf32, #tpu.memory_space<hbm>>
          %dma_wait3A_304 = arith.constant 0 : i32
          %dma_wait3A_305 = tpu.memref_slice %arg7[%dma_wait3A_300, %sub3A_178, %dma_wait3A_304] : memref<2x2048x2048xf32, #tpu.memory_space<hbm>> -> memref<1x4x2048xf32, #tpu.memory_space<hbm>>
          %dma_wait3A_306 = tpu.memref_squeeze %dma_wait3A_305 : memref<1x4x2048xf32, #tpu.memory_space<hbm>> -> memref<4x2048xf32, #tpu.memory_space<hbm>>
          tpu.wait_dma2 semaphore(%arg25 : memref<!tpu.dma_semaphore, #tpu.memory_space<semaphore_mem>>) src(%arg20 : memref<4x2048xf32, #tpu.memory_space<vmem>>) dst(%dma_wait3A_306 : memref<4x2048xf32, #tpu.memory_space<hbm>>)
          %dma_wait3A_307 = arith.constant 1 : i32
          %dma_wait3A_308 = arith.constant 0 : i32
          %dma_wait3A_309 = tpu.memref_slice %arg7[%dma_wait3A_307, %sub3A_178, %dma_wait3A_308] : memref<2x2048x2048xf32, #tpu.memory_space<hbm>> -> memref<1x4x2048xf32, #tpu.memory_space<hbm>>
          %dma_wait3A_310 = tpu.memref_squeeze %dma_wait3A_309 : memref<1x4x2048xf32, #tpu.memory_space<hbm>> -> memref<4x2048xf32, #tpu.memory_space<hbm>>
          %dma_wait3A_311 = arith.constant 0 : i32
          %dma_wait3A_312 = tpu.memref_slice %arg7[%dma_wait3A_307, %sub3A_178, %dma_wait3A_311] : memref<2x2048x2048xf32, #tpu.memory_space<hbm>> -> memref<1x4x2048xf32, #tpu.memory_space<hbm>>
          %dma_wait3A_313 = tpu.memref_squeeze %dma_wait3A_312 : memref<1x4x2048xf32, #tpu.memory_space<hbm>> -> memref<4x2048xf32, #tpu.memory_space<hbm>>
          tpu.wait_dma2 semaphore(%arg25 : memref<!tpu.dma_semaphore, #tpu.memory_space<semaphore_mem>>) src(%arg22 : memref<4x2048xf32, #tpu.memory_space<vmem>>) dst(%dma_wait3A_313 : memref<4x2048xf32, #tpu.memory_space<hbm>>)
        } else {
        }
        %get3A_183 = arith.constant 0 : i32
        %get3A_184 = arith.index_cast %get3A_183 : i32 to index
        %get3A_185 = memref.load %arg24[%get3A_184] : memref<2xi32, #tpu.memory_space<smem>>
        %add3A_186 = arith.constant 16 : i32
        %add3A_187 = arith.addi %get3A_185, %add3A_186 : i32
        %sub3A_188 = arith.constant 1 : i32
        %sub3A_189 = arith.subi %add3A_187, %sub3A_188 : i32
        %jit3A_190 = arith.constant 16 : i32
        %div3A_191 = arith.divsi %sub3A_189, %jit3A_190 : i32
        %sign3A_192 = arith.constant 0 : i32
        %sign3A_193 = arith.cmpi sgt, %sub3A_189, %sign3A_192 : i32
        %sign3A_194 = arith.extui %sign3A_193 : i1 to i32
        %sign3A_195 = arith.constant 0 : i32
        %sign3A_196 = arith.cmpi slt, %sub3A_189, %sign3A_195 : i32
        %sign3A_197 = arith.extui %sign3A_196 : i1 to i32
        %sign3A_198 = arith.subi %sign3A_194, %sign3A_197 : i32
        %sign3A_199 = arith.constant 0 : i32
        %sign3A_200 = arith.cmpi sgt, %jit3A_190, %sign3A_199 : i32
        %sign3A_201 = arith.extui %sign3A_200 : i1 to i32
        %sign3A_202 = arith.constant 0 : i32
        %sign3A_203 = arith.cmpi slt, %jit3A_190, %sign3A_202 : i32
        %sign3A_204 = arith.extui %sign3A_203 : i1 to i32
        %sign3A_205 = arith.subi %sign3A_201, %sign3A_204 : i32
        %ne3A_206 = arith.cmpi ne, %sign3A_198, %sign3A_205 : i32
        %rem3A_207 = arith.remsi %sub3A_189, %jit3A_190 : i32
        %ne3A_208 = arith.constant 0 : i32
        %ne3A_209 = arith.cmpi ne, %rem3A_207, %ne3A_208 : i32
        %and3A_210 = arith.andi %ne3A_206, %ne3A_209 : i1
        %sub3A_211 = arith.constant 1 : i32
        %sub3A_212 = arith.subi %div3A_191, %sub3A_211 : i32
        %select_n3A_213 = arith.select %and3A_210, %sub3A_212, %div3A_191 : i32
        %parallel_loop3A_214 = arith.constant 0 : i32
        %parallel_loop3A_215 = arith.constant 1 : i32
        scf.for %parallel_loop3A_296 = %parallel_loop3A_214 to %select_n3A_213 step %parallel_loop3A_215  : i32 {
          %parallel_loop3A_297 = arith.constant 16 : i32
          %parallel_loop3A_298 = arith.muli %parallel_loop3A_296, %parallel_loop3A_297 : i32
          %parallel_loop3A_299 = arith.subi %get3A_185, %parallel_loop3A_298 : i32
          %parallel_loop3A_300 = vector.broadcast %parallel_loop3A_299 : i32 to vector<16xi32>
          %parallel_loop3A_301 = arith.cmpi slt, %iota3A, %parallel_loop3A_300 : vector<16xi32>
          %parallel_loop3A_302 = arith.constant 16 : i32
          %parallel_loop3A_303 = arith.muli %parallel_loop3A_296, %parallel_loop3A_302 : i32
          %parallel_loop3A_304 = arith.index_cast %parallel_loop3A_303 : i32 to index
          %parallel_loop3A_305 = tpu.vector_load %arg16[%parallel_loop3A_304] {strides = array<i32>} : memref<1280xi32, #tpu.memory_space<vmem>>, vector<16xi32>,
          %parallel_loop3A_306 = arith.constant 11 : i32
          %parallel_loop3A_307 = vector.broadcast %parallel_loop3A_306 : i32 to vector<16xi32>
          %parallel_loop3A_308 = arith.shrui %parallel_loop3A_305, %parallel_loop3A_307 : vector<16xi32>
          %parallel_loop3A_309 = arith.constant 2047 : i32
          %parallel_loop3A_310 = vector.broadcast %parallel_loop3A_309 : i32 to vector<16xi32>
          %parallel_loop3A_311 = arith.andi %parallel_loop3A_305, %parallel_loop3A_310 : vector<16xi32>
          %parallel_loop3A_312 = vector.broadcast %sub3A_178 : i32 to vector<16xi32>
          %parallel_loop3A_313 = arith.subi %parallel_loop3A_308, %parallel_loop3A_312 : vector<16xi32>
          %parallel_loop3A_314 = arith.constant 0 : i32
          %parallel_loop3A_315 = vector.broadcast %parallel_loop3A_314 : i32 to vector<16xi32>
          %parallel_loop3A_316 = arith.cmpi sge, %parallel_loop3A_313, %parallel_loop3A_315 : vector<16xi32>
          %parallel_loop3A_317 = arith.andi %parallel_loop3A_301, %parallel_loop3A_316 : vector<16xi1>
          %parallel_loop3A_318 = arith.constant 4 : i32
          %parallel_loop3A_319 = vector.broadcast %parallel_loop3A_318 : i32 to vector<16xi32>
          %parallel_loop3A_320 = arith.cmpi slt, %parallel_loop3A_313, %parallel_loop3A_319 : vector<16xi32>
          %parallel_loop3A_321 = arith.andi %parallel_loop3A_317, %parallel_loop3A_320 : vector<16xi1>
          %parallel_loop3A_322 = arith.constant 0 : i32
          %parallel_loop3A_323 = vector.broadcast %parallel_loop3A_322 : i32 to vector<16xi32>
          %parallel_loop3A_324 = arith.select %parallel_loop3A_321, %parallel_loop3A_313, %parallel_loop3A_323 : vector<16xi1>, vector<16xi32>
          tpu.vector_store_idx %arg20[%parallel_loop3A_324, %parallel_loop3A_311], %broadcast_in_dim3A_1 masked %parallel_loop3A_321 : memref<4x2048xf32, #tpu.memory_space<vmem>>[vector<16xi32>, vector<16xi32>], vector<16xf32>, vector<16xi1>
          tpu.vector_store_idx %arg22[%parallel_loop3A_324, %parallel_loop3A_311], %broadcast_in_dim3A_1 masked %parallel_loop3A_321 : memref<4x2048xf32, #tpu.memory_space<vmem>>[vector<16xi32>, vector<16xi32>], vector<16xf32>, vector<16xi1>
          %parallel_loop3A_325 = arith.constant -1 : i32
          %parallel_loop3A_326 = vector.broadcast %parallel_loop3A_325 : i32 to vector<16xi32>
          %parallel_loop3A_327 = arith.addi %parallel_loop3A_313, %parallel_loop3A_326 : vector<16xi32>
          %parallel_loop3A_328 = arith.constant 0 : i32
          %parallel_loop3A_329 = vector.broadcast %parallel_loop3A_328 : i32 to vector<16xi32>
          %parallel_loop3A_330 = arith.cmpi sge, %parallel_loop3A_327, %parallel_loop3A_329 : vector<16xi32>
          %parallel_loop3A_331 = arith.andi %parallel_loop3A_301, %parallel_loop3A_330 : vector<16xi1>
          %parallel_loop3A_332 = arith.constant 4 : i32
          %parallel_loop3A_333 = vector.broadcast %parallel_loop3A_332 : i32 to vector<16xi32>
          %parallel_loop3A_334 = arith.cmpi slt, %parallel_loop3A_327, %parallel_loop3A_333 : vector<16xi32>
          %parallel_loop3A_335 = arith.andi %parallel_loop3A_331, %parallel_loop3A_334 : vector<16xi1>
          %parallel_loop3A_336 = arith.constant 0 : i32
          %parallel_loop3A_337 = vector.broadcast %parallel_loop3A_336 : i32 to vector<16xi32>
          %parallel_loop3A_338 = arith.select %parallel_loop3A_335, %parallel_loop3A_327, %parallel_loop3A_337 : vector<16xi1>, vector<16xi32>
          %parallel_loop3A_339 = arith.constant -1 : i32
          %parallel_loop3A_340 = vector.broadcast %parallel_loop3A_339 : i32 to vector<16xi32>
          %parallel_loop3A_341 = arith.addi %parallel_loop3A_311, %parallel_loop3A_340 : vector<16xi32>
          %parallel_loop3A_342 = arith.constant 0 : i32
          %parallel_loop3A_343 = arith.constant 2047 : i32
          %parallel_loop3A_344 = vector.broadcast %parallel_loop3A_342 : i32 to vector<16xi32>
          %parallel_loop3A_345 = arith.maxsi %parallel_loop3A_344, %parallel_loop3A_341 : vector<16xi32>
          %parallel_loop3A_346 = vector.broadcast %parallel_loop3A_343 : i32 to vector<16xi32>
          %parallel_loop3A_347 = arith.minsi %parallel_loop3A_346, %parallel_loop3A_345 : vector<16xi32>
          tpu.vector_store_idx %arg18[%parallel_loop3A_338, %parallel_loop3A_347], %broadcast_in_dim3A_1 masked %parallel_loop3A_335 : memref<4x2048xf32, #tpu.memory_space<vmem>>[vector<16xi32>, vector<16xi32>], vector<16xf32>, vector<16xi1>
          %parallel_loop3A_348 = arith.constant 0 : i32
          %parallel_loop3A_349 = vector.broadcast %parallel_loop3A_348 : i32 to vector<16xi32>
          %parallel_loop3A_350 = arith.addi %parallel_loop3A_311, %parallel_loop3A_349 : vector<16xi32>
          %parallel_loop3A_351 = arith.constant 0 : i32
          %parallel_loop3A_352 = arith.constant 2047 : i32
          %parallel_loop3A_353 = vector.broadcast %parallel_loop3A_351 : i32 to vector<16xi32>
          %parallel_loop3A_354 = arith.maxsi %parallel_loop3A_353, %parallel_loop3A_350 : vector<16xi32>
          %parallel_loop3A_355 = vector.broadcast %parallel_loop3A_352 : i32 to vector<16xi32>
          %parallel_loop3A_356 = arith.minsi %parallel_loop3A_355, %parallel_loop3A_354 : vector<16xi32>
          tpu.vector_store_idx %arg18[%parallel_loop3A_338, %parallel_loop3A_356], %broadcast_in_dim3A_1 masked %parallel_loop3A_335 : memref<4x2048xf32, #tpu.memory_space<vmem>>[vector<16xi32>, vector<16xi32>], vector<16xf32>, vector<16xi1>
          %parallel_loop3A_357 = arith.constant 1 : i32
          %parallel_loop3A_358 = vector.broadcast %parallel_loop3A_357 : i32 to vector<16xi32>
          %parallel_loop3A_359 = arith.addi %parallel_loop3A_311, %parallel_loop3A_358 : vector<16xi32>
          %parallel_loop3A_360 = arith.constant 0 : i32
          %parallel_loop3A_361 = arith.constant 2047 : i32
          %parallel_loop3A_362 = vector.broadcast %parallel_loop3A_360 : i32 to vector<16xi32>
          %parallel_loop3A_363 = arith.maxsi %parallel_loop3A_362, %parallel_loop3A_359 : vector<16xi32>
          %parallel_loop3A_364 = vector.broadcast %parallel_loop3A_361 : i32 to vector<16xi32>
          %parallel_loop3A_365 = arith.minsi %parallel_loop3A_364, %parallel_loop3A_363 : vector<16xi32>
          tpu.vector_store_idx %arg18[%parallel_loop3A_338, %parallel_loop3A_365], %broadcast_in_dim3A_1 masked %parallel_loop3A_335 : memref<4x2048xf32, #tpu.memory_space<vmem>>[vector<16xi32>, vector<16xi32>], vector<16xf32>, vector<16xi1>
          %parallel_loop3A_366 = arith.constant 0 : i32
          %parallel_loop3A_367 = vector.broadcast %parallel_loop3A_366 : i32 to vector<16xi32>
          %parallel_loop3A_368 = arith.addi %parallel_loop3A_313, %parallel_loop3A_367 : vector<16xi32>
          %parallel_loop3A_369 = arith.constant 0 : i32
          %parallel_loop3A_370 = vector.broadcast %parallel_loop3A_369 : i32 to vector<16xi32>
          %parallel_loop3A_371 = arith.cmpi sge, %parallel_loop3A_368, %parallel_loop3A_370 : vector<16xi32>
          %parallel_loop3A_372 = arith.andi %parallel_loop3A_301, %parallel_loop3A_371 : vector<16xi1>
          %parallel_loop3A_373 = arith.constant 4 : i32
          %parallel_loop3A_374 = vector.broadcast %parallel_loop3A_373 : i32 to vector<16xi32>
          %parallel_loop3A_375 = arith.cmpi slt, %parallel_loop3A_368, %parallel_loop3A_374 : vector<16xi32>
          %parallel_loop3A_376 = arith.andi %parallel_loop3A_372, %parallel_loop3A_375 : vector<16xi1>
          %parallel_loop3A_377 = arith.constant 0 : i32
          %parallel_loop3A_378 = vector.broadcast %parallel_loop3A_377 : i32 to vector<16xi32>
          %parallel_loop3A_379 = arith.select %parallel_loop3A_376, %parallel_loop3A_368, %parallel_loop3A_378 : vector<16xi1>, vector<16xi32>
          %parallel_loop3A_380 = arith.constant -1 : i32
          %parallel_loop3A_381 = vector.broadcast %parallel_loop3A_380 : i32 to vector<16xi32>
          %parallel_loop3A_382 = arith.addi %parallel_loop3A_311, %parallel_loop3A_381 : vector<16xi32>
          %parallel_loop3A_383 = arith.constant 0 : i32
          %parallel_loop3A_384 = arith.constant 2047 : i32
          %parallel_loop3A_385 = vector.broadcast %parallel_loop3A_383 : i32 to vector<16xi32>
          %parallel_loop3A_386 = arith.maxsi %parallel_loop3A_385, %parallel_loop3A_382 : vector<16xi32>
          %parallel_loop3A_387 = vector.broadcast %parallel_loop3A_384 : i32 to vector<16xi32>
          %parallel_loop3A_388 = arith.minsi %parallel_loop3A_387, %parallel_loop3A_386 : vector<16xi32>
          tpu.vector_store_idx %arg18[%parallel_loop3A_379, %parallel_loop3A_388], %broadcast_in_dim3A_1 masked %parallel_loop3A_376 : memref<4x2048xf32, #tpu.memory_space<vmem>>[vector<16xi32>, vector<16xi32>], vector<16xf32>, vector<16xi1>
          %parallel_loop3A_389 = arith.constant 0 : i32
          %parallel_loop3A_390 = vector.broadcast %parallel_loop3A_389 : i32 to vector<16xi32>
          %parallel_loop3A_391 = arith.addi %parallel_loop3A_311, %parallel_loop3A_390 : vector<16xi32>
          %parallel_loop3A_392 = arith.constant 0 : i32
          %parallel_loop3A_393 = arith.constant 2047 : i32
          %parallel_loop3A_394 = vector.broadcast %parallel_loop3A_392 : i32 to vector<16xi32>
          %parallel_loop3A_395 = arith.maxsi %parallel_loop3A_394, %parallel_loop3A_391 : vector<16xi32>
          %parallel_loop3A_396 = vector.broadcast %parallel_loop3A_393 : i32 to vector<16xi32>
          %parallel_loop3A_397 = arith.minsi %parallel_loop3A_396, %parallel_loop3A_395 : vector<16xi32>
          tpu.vector_store_idx %arg18[%parallel_loop3A_379, %parallel_loop3A_397], %broadcast_in_dim3A_1 masked %parallel_loop3A_376 : memref<4x2048xf32, #tpu.memory_space<vmem>>[vector<16xi32>, vector<16xi32>], vector<16xf32>, vector<16xi1>
          %parallel_loop3A_398 = arith.constant 1 : i32
          %parallel_loop3A_399 = vector.broadcast %parallel_loop3A_398 : i32 to vector<16xi32>
          %parallel_loop3A_400 = arith.addi %parallel_loop3A_311, %parallel_loop3A_399 : vector<16xi32>
          %parallel_loop3A_401 = arith.constant 0 : i32
          %parallel_loop3A_402 = arith.constant 2047 : i32
          %parallel_loop3A_403 = vector.broadcast %parallel_loop3A_401 : i32 to vector<16xi32>
          %parallel_loop3A_404 = arith.maxsi %parallel_loop3A_403, %parallel_loop3A_400 : vector<16xi32>
          %parallel_loop3A_405 = vector.broadcast %parallel_loop3A_402 : i32 to vector<16xi32>
          %parallel_loop3A_406 = arith.minsi %parallel_loop3A_405, %parallel_loop3A_404 : vector<16xi32>
          tpu.vector_store_idx %arg18[%parallel_loop3A_379, %parallel_loop3A_406], %broadcast_in_dim3A_1 masked %parallel_loop3A_376 : memref<4x2048xf32, #tpu.memory_space<vmem>>[vector<16xi32>, vector<16xi32>], vector<16xf32>, vector<16xi1>
          %parallel_loop3A_407 = arith.constant 1 : i32
          %parallel_loop3A_408 = vector.broadcast %parallel_loop3A_407 : i32 to vector<16xi32>
          %parallel_loop3A_409 = arith.addi %parallel_loop3A_313, %parallel_loop3A_408 : vector<16xi32>
          %parallel_loop3A_410 = arith.constant 0 : i32
          %parallel_loop3A_411 = vector.broadcast %parallel_loop3A_410 : i32 to vector<16xi32>
          %parallel_loop3A_412 = arith.cmpi sge, %parallel_loop3A_409, %parallel_loop3A_411 : vector<16xi32>
          %parallel_loop3A_413 = arith.andi %parallel_loop3A_301, %parallel_loop3A_412 : vector<16xi1>
          %parallel_loop3A_414 = arith.constant 4 : i32
          %parallel_loop3A_415 = vector.broadcast %parallel_loop3A_414 : i32 to vector<16xi32>
          %parallel_loop3A_416 = arith.cmpi slt, %parallel_loop3A_409, %parallel_loop3A_415 : vector<16xi32>
          %parallel_loop3A_417 = arith.andi %parallel_loop3A_413, %parallel_loop3A_416 : vector<16xi1>
          %parallel_loop3A_418 = arith.constant 0 : i32
          %parallel_loop3A_419 = vector.broadcast %parallel_loop3A_418 : i32 to vector<16xi32>
          %parallel_loop3A_420 = arith.select %parallel_loop3A_417, %parallel_loop3A_409, %parallel_loop3A_419 : vector<16xi1>, vector<16xi32>
          %parallel_loop3A_421 = arith.constant -1 : i32
          %parallel_loop3A_422 = vector.broadcast %parallel_loop3A_421 : i32 to vector<16xi32>
          %parallel_loop3A_423 = arith.addi %parallel_loop3A_311, %parallel_loop3A_422 : vector<16xi32>
          %parallel_loop3A_424 = arith.constant 0 : i32
          %parallel_loop3A_425 = arith.constant 2047 : i32
          %parallel_loop3A_426 = vector.broadcast %parallel_loop3A_424 : i32 to vector<16xi32>
          %parallel_loop3A_427 = arith.maxsi %parallel_loop3A_426, %parallel_loop3A_423 : vector<16xi32>
          %parallel_loop3A_428 = vector.broadcast %parallel_loop3A_425 : i32 to vector<16xi32>
          %parallel_loop3A_429 = arith.minsi %parallel_loop3A_428, %parallel_loop3A_427 : vector<16xi32>
          tpu.vector_store_idx %arg18[%parallel_loop3A_420, %parallel_loop3A_429], %broadcast_in_dim3A_1 masked %parallel_loop3A_417 : memref<4x2048xf32, #tpu.memory_space<vmem>>[vector<16xi32>, vector<16xi32>], vector<16xf32>, vector<16xi1>
          %parallel_loop3A_430 = arith.constant 0 : i32
          %parallel_loop3A_431 = vector.broadcast %parallel_loop3A_430 : i32 to vector<16xi32>
          %parallel_loop3A_432 = arith.addi %parallel_loop3A_311, %parallel_loop3A_431 : vector<16xi32>
          %parallel_loop3A_433 = arith.constant 0 : i32
          %parallel_loop3A_434 = arith.constant 2047 : i32
          %parallel_loop3A_435 = vector.broadcast %parallel_loop3A_433 : i32 to vector<16xi32>
          %parallel_loop3A_436 = arith.maxsi %parallel_loop3A_435, %parallel_loop3A_432 : vector<16xi32>
          %parallel_loop3A_437 = vector.broadcast %parallel_loop3A_434 : i32 to vector<16xi32>
          %parallel_loop3A_438 = arith.minsi %parallel_loop3A_437, %parallel_loop3A_436 : vector<16xi32>
          tpu.vector_store_idx %arg18[%parallel_loop3A_420, %parallel_loop3A_438], %broadcast_in_dim3A_1 masked %parallel_loop3A_417 : memref<4x2048xf32, #tpu.memory_space<vmem>>[vector<16xi32>, vector<16xi32>], vector<16xf32>, vector<16xi1>
          %parallel_loop3A_439 = arith.constant 1 : i32
          %parallel_loop3A_440 = vector.broadcast %parallel_loop3A_439 : i32 to vector<16xi32>
          %parallel_loop3A_441 = arith.addi %parallel_loop3A_311, %parallel_loop3A_440 : vector<16xi32>
          %parallel_loop3A_442 = arith.constant 0 : i32
          %parallel_loop3A_443 = arith.constant 2047 : i32
          %parallel_loop3A_444 = vector.broadcast %parallel_loop3A_442 : i32 to vector<16xi32>
          %parallel_loop3A_445 = arith.maxsi %parallel_loop3A_444, %parallel_loop3A_441 : vector<16xi32>
          %parallel_loop3A_446 = vector.broadcast %parallel_loop3A_443 : i32 to vector<16xi32>
          %parallel_loop3A_447 = arith.minsi %parallel_loop3A_446, %parallel_loop3A_445 : vector<16xi32>
          tpu.vector_store_idx %arg18[%parallel_loop3A_420, %parallel_loop3A_447], %broadcast_in_dim3A_1 masked %parallel_loop3A_417 : memref<4x2048xf32, #tpu.memory_space<vmem>>[vector<16xi32>, vector<16xi32>], vector<16xf32>, vector<16xi1>
        } {sc.loop_unroll_factor = 2 : i64, sc.parallel_access}
        %sub3A_216 = arith.constant 1 : i32
        %sub3A_217 = arith.subi %add3A_176, %sub3A_216 : i32
        %mul3A_218 = arith.constant 2048 : i32
        %mul3A_219 = arith.muli %sub3A_217, %mul3A_218 : i32
        %add3A_220 = arith.constant 4 : i32
        %add3A_221 = arith.addi %add3A_176, %add3A_220 : i32
        %add3A_222 = arith.constant 1 : i32
        %add3A_223 = arith.addi %add3A_221, %add3A_222 : i32
        %mul3A_224 = arith.constant 2048 : i32
        %mul3A_225 = arith.muli %add3A_223, %mul3A_224 : i32
        %broadcast_in_dim3A_226 = arith.constant 0 : i32
        %broadcast_in_dim3A_227 = vector.broadcast %broadcast_in_dim3A_226 : i32 to vector<16xi32>
        %parallel_loop3A_228 = arith.constant 0 : i32
        %parallel_loop3A_229 = arith.constant 1 : i32
        %parallel_loop3A_230 = scf.for %parallel_loop3A_296 = %parallel_loop3A_228 to %select_n3A step %parallel_loop3A_229 iter_args(%parallel_loop3A_297 = %broadcast_in_dim3A_227) -> (vector<16xi32>)  : i32 {
          %parallel_loop3A_298 = arith.constant 16 : i32
          %parallel_loop3A_299 = arith.muli %parallel_loop3A_296, %parallel_loop3A_298 : i32
          %parallel_loop3A_300 = arith.subi %reduce_max3A_34, %parallel_loop3A_299 : i32
          %parallel_loop3A_301 = vector.broadcast %parallel_loop3A_300 : i32 to vector<16xi32>
          %parallel_loop3A_302 = arith.cmpi slt, %iota3A, %parallel_loop3A_301 : vector<16xi32>
          %parallel_loop3A_303 = arith.constant 16 : i32
          %parallel_loop3A_304 = arith.muli %parallel_loop3A_296, %parallel_loop3A_303 : i32
          %parallel_loop3A_305 = arith.index_cast %parallel_loop3A_304 : i32 to index
          %parallel_loop3A_306 = tpu.vector_load %arg12[%parallel_loop3A_305] {strides = array<i32>} : memref<1280xi32, #tpu.memory_space<vmem>>, vector<16xi32>,
          %parallel_loop3A_307 = vector.broadcast %mul3A_219 : i32 to vector<16xi32>
          %parallel_loop3A_308 = arith.cmpi sge, %parallel_loop3A_306, %parallel_loop3A_307 : vector<16xi32>
          %parallel_loop3A_309 = arith.andi %parallel_loop3A_302, %parallel_loop3A_308 : vector<16xi1>
          %parallel_loop3A_310 = vector.broadcast %mul3A_225 : i32 to vector<16xi32>
          %parallel_loop3A_311 = arith.cmpi slt, %parallel_loop3A_306, %parallel_loop3A_310 : vector<16xi32>
          %parallel_loop3A_312 = arith.andi %parallel_loop3A_309, %parallel_loop3A_311 : vector<16xi1>
          %parallel_loop3A_313 = arith.extui %parallel_loop3A_312 : vector<16xi1> to vector<16xi32>
          %parallel_loop3A_314 = arith.constant true
          %parallel_loop3A_315 = vector.broadcast %parallel_loop3A_314 : i1 to vector<16xi1>
          %parallel_loop3A_316 = tpu.scan <sum>, %parallel_loop3A_313 masked %parallel_loop3A_315 : vector<16xi32>, vector<16xi1> -> vector<16xi32>
          %parallel_loop3A_317 = arith.subi %parallel_loop3A_316, %parallel_loop3A_313 : vector<16xi32>
          %parallel_loop3A_318 = arith.addi %parallel_loop3A_297, %parallel_loop3A_317 : vector<16xi32>
          %parallel_loop3A_319 = arith.constant 1279 : i32
          %parallel_loop3A_320 = vector.broadcast %parallel_loop3A_319 : i32 to vector<16xi32>
          %parallel_loop3A_321 = arith.minsi %parallel_loop3A_318, %parallel_loop3A_320 : vector<16xi32>
          tpu.vector_store_idx %arg16[%parallel_loop3A_321], %parallel_loop3A_306 masked %parallel_loop3A_312 : memref<1280xi32, #tpu.memory_space<vmem>>[vector<16xi32>], vector<16xi32>, vector<16xi1>
          %parallel_loop3A_322 = arith.constant 16 : i32
          %parallel_loop3A_323 = arith.muli %parallel_loop3A_296, %parallel_loop3A_322 : i32
          %parallel_loop3A_324 = arith.index_cast %parallel_loop3A_323 : i32 to index
          %parallel_loop3A_325 = tpu.vector_load %arg13[%parallel_loop3A_324] {strides = array<i32>} : memref<1280xi32, #tpu.memory_space<vmem>>, vector<16xi32>,
          tpu.vector_store_idx %arg14[%parallel_loop3A_321], %parallel_loop3A_325 masked %parallel_loop3A_312 : memref<1280xi32, #tpu.memory_space<vmem>>[vector<16xi32>], vector<16xi32>, vector<16xi1>
          %parallel_loop3A_326 = tpu.all_reduce %parallel_loop3A_312 {dim = 0 : i64, kind = #tpu.reduction_kind<sum>} : vector<16xi1> -> vector<16xi32>
          %parallel_loop3A_327 = arith.addi %parallel_loop3A_297, %parallel_loop3A_326 : vector<16xi32>
          scf.yield %parallel_loop3A_327 : vector<16xi32>
        } {sc.loop_unroll_factor = 2 : i64, sc.parallel_access}
        %reduce_max3A_231 = arith.constant true
        %reduce_max3A_232 = vector.broadcast %reduce_max3A_231 : i1 to vector<16xi1>
        %reduce_max3A_233 = arith.constant -2147483648 : i32
        %reduce_max3A_234 = vector.broadcast %reduce_max3A_233 : i32 to vector<16xi32>
        %reduce_max3A_235 = arith.xori %parallel_loop3A_230, %reduce_max3A_234 : vector<16xi32>
        %reduce_max3A_236 = tpu.scan <max>, %reduce_max3A_235 masked %reduce_max3A_232 : vector<16xi32>, vector<16xi1> -> vector<16xi32>
        %reduce_max3A_237 = arith.xori %reduce_max3A_236, %reduce_max3A_234 : vector<16xi32>
        %reduce_max3A_238 = vector.extract %reduce_max3A_237[15] : i32 from vector<16xi32>
        %swap3A_239 = arith.constant 0 : i32
        %swap3A_240 = arith.index_cast %swap3A_239 : i32 to index
        %swap3A_241 = memref.load %arg24[%swap3A_240] : memref<2xi32, #tpu.memory_space<smem>>
        memref.store %reduce_max3A_238, %arg24[%swap3A_240] : memref<2xi32, #tpu.memory_space<smem>>
        %add3A_242 = arith.constant 16 : i32
        %add3A_243 = arith.addi %reduce_max3A_238, %add3A_242 : i32
        %sub3A_244 = arith.constant 1 : i32
        %sub3A_245 = arith.subi %add3A_243, %sub3A_244 : i32
        %jit3A_246 = arith.constant 16 : i32
        %div3A_247 = arith.divsi %sub3A_245, %jit3A_246 : i32
        %sign3A_248 = arith.constant 0 : i32
        %sign3A_249 = arith.cmpi sgt, %sub3A_245, %sign3A_248 : i32
        %sign3A_250 = arith.extui %sign3A_249 : i1 to i32
        %sign3A_251 = arith.constant 0 : i32
        %sign3A_252 = arith.cmpi slt, %sub3A_245, %sign3A_251 : i32
        %sign3A_253 = arith.extui %sign3A_252 : i1 to i32
        %sign3A_254 = arith.subi %sign3A_250, %sign3A_253 : i32
        %sign3A_255 = arith.constant 0 : i32
        %sign3A_256 = arith.cmpi sgt, %jit3A_246, %sign3A_255 : i32
        %sign3A_257 = arith.extui %sign3A_256 : i1 to i32
        %sign3A_258 = arith.constant 0 : i32
        %sign3A_259 = arith.cmpi slt, %jit3A_246, %sign3A_258 : i32
        %sign3A_260 = arith.extui %sign3A_259 : i1 to i32
        %sign3A_261 = arith.subi %sign3A_257, %sign3A_260 : i32
        %ne3A_262 = arith.cmpi ne, %sign3A_254, %sign3A_261 : i32
        %rem3A_263 = arith.remsi %sub3A_245, %jit3A_246 : i32
        %ne3A_264 = arith.constant 0 : i32
        %ne3A_265 = arith.cmpi ne, %rem3A_263, %ne3A_264 : i32
        %and3A_266 = arith.andi %ne3A_262, %ne3A_265 : i1
        %sub3A_267 = arith.constant 1 : i32
        %sub3A_268 = arith.subi %div3A_247, %sub3A_267 : i32
        %select_n3A_269 = arith.select %and3A_266, %sub3A_268, %div3A_247 : i32
        %while3A = arith.constant 0 : i32
        %while3A_270 = arith.constant 0 : i32
        %while3A_271 = arith.subi %select_n3A_269, %while3A_270 : i32
        %while3A_272 = arith.addi %while3A_270, %while3A_271 : i32
        %while3A_273 = arith.constant 1 : i32
        %while3A_274 = arith.divsi %while3A_271, %while3A_273 : i32
        %while3A_275 = arith.muli %while3A_274, %while3A_273 : i32
        %while3A_276 = arith.addi %while3A_270, %while3A_275 : i32
        %while3A_277 = arith.constant 1 : i32
        scf.for %while3A_296 = %while3A_270 to %while3A_276 step %while3A_277  : i32 {
          %mul3A_297 = arith.constant 16 : i32
          %mul3A_298 = arith.muli %while3A_296, %mul3A_297 : i32
          %sub3A_299 = arith.subi %reduce_max3A_238, %mul3A_298 : i32
          %lt3A_300 = vector.broadcast %sub3A_299 : i32 to vector<16xi32>
          %lt3A_301 = arith.cmpi slt, %iota3A, %lt3A_300 : vector<16xi32>
          %mul3A_302 = arith.constant 16 : i32
          %mul3A_303 = arith.muli %while3A_296, %mul3A_302 : i32
          %get3A_304 = arith.index_cast %mul3A_303 : i32 to index
          %get3A_305 = tpu.vector_load %arg16[%get3A_304] {strides = array<i32>} : memref<1280xi32, #tpu.memory_space<vmem>>, vector<16xi32>,
          %shift_right_logical3A = arith.constant 11 : i32
          %shift_right_logical3A_306 = vector.broadcast %shift_right_logical3A : i32 to vector<16xi32>
          %shift_right_logical3A_307 = arith.shrui %get3A_305, %shift_right_logical3A_306 : vector<16xi32>
          %and3A_308 = arith.constant 2047 : i32
          %and3A_309 = vector.broadcast %and3A_308 : i32 to vector<16xi32>
          %and3A_310 = arith.andi %get3A_305, %and3A_309 : vector<16xi32>
          %sub3A_311 = vector.broadcast %add3A_176 : i32 to vector<16xi32>
          %sub3A_312 = arith.subi %shift_right_logical3A_307, %sub3A_311 : vector<16xi32>
          %mul3A_313 = arith.constant 16 : i32
          %mul3A_314 = arith.muli %while3A_296, %mul3A_313 : i32
          %get3A_315 = arith.index_cast %mul3A_314 : i32 to index
          %get3A_316 = tpu.vector_load %arg14[%get3A_315] {strides = array<i32>} : memref<1280xi32, #tpu.memory_space<vmem>>, vector<16xi32>,
          %ge3A_317 = arith.constant 0 : i32
          %ge3A_318 = vector.broadcast %ge3A_317 : i32 to vector<16xi32>
          %ge3A_319 = arith.cmpi sge, %sub3A_312, %ge3A_318 : vector<16xi32>
          %and3A_320 = arith.andi %lt3A_301, %ge3A_319 : vector<16xi1>
          %lt3A_321 = arith.constant 4 : i32
          %lt3A_322 = vector.broadcast %lt3A_321 : i32 to vector<16xi32>
          %lt3A_323 = arith.cmpi slt, %sub3A_312, %lt3A_322 : vector<16xi32>
          %and3A_324 = arith.andi %and3A_320, %lt3A_323 : vector<16xi1>
          %jit3A_325 = arith.constant 0 : i32
          %broadcast_in_dim3A_326 = vector.broadcast %jit3A_325 : i32 to vector<16xi32>
          %select_n3A_327 = arith.select %and3A_324, %sub3A_312, %broadcast_in_dim3A_326 : vector<16xi1>, vector<16xi32>
          %gather3A = tpu.vector_load_idx %arg9[%get3A_316] masked %lt3A_301 : memref<20000xf32, #tpu.memory_space<vmem>>[vector<16xi32>], vector<16xf32>, vector<16xi1>
          tpu.vector_store_idx %arg20[%select_n3A_327, %and3A_310], %gather3A masked %and3A_324 : memref<4x2048xf32, #tpu.memory_space<vmem>>[vector<16xi32>, vector<16xi32>], vector<16xf32>, vector<16xi1>
          %gather3A_328 = tpu.vector_load_idx %arg10[%get3A_316] masked %lt3A_301 : memref<20000xf32, #tpu.memory_space<vmem>>[vector<16xi32>], vector<16xf32>, vector<16xi1>
          tpu.vector_store_idx %arg22[%select_n3A_327, %and3A_310], %gather3A_328 masked %and3A_324 : memref<4x2048xf32, #tpu.memory_space<vmem>>[vector<16xi32>, vector<16xi32>], vector<16xf32>, vector<16xi1>
          %ge3A_329 = arith.constant 1 : i32
          %ge3A_330 = vector.broadcast %ge3A_329 : i32 to vector<16xi32>
          %ge3A_331 = arith.cmpi sge, %and3A_310, %ge3A_330 : vector<16xi32>
          %and3A_332 = arith.andi %lt3A_301, %ge3A_331 : vector<16xi1>
          %le3A = arith.constant 2046 : i32
          %le3A_333 = vector.broadcast %le3A : i32 to vector<16xi32>
          %le3A_334 = arith.cmpi sle, %and3A_310, %le3A_333 : vector<16xi32>
          %and3A_335 = arith.andi %and3A_332, %le3A_334 : vector<16xi1>
          %ge3A_336 = arith.constant 1 : i32
          %ge3A_337 = vector.broadcast %ge3A_336 : i32 to vector<16xi32>
          %ge3A_338 = arith.cmpi sge, %shift_right_logical3A_307, %ge3A_337 : vector<16xi32>
          %and3A_339 = arith.andi %and3A_335, %ge3A_338 : vector<16xi1>
          %le3A_340 = arith.constant 2046 : i32
          %le3A_341 = vector.broadcast %le3A_340 : i32 to vector<16xi32>
          %le3A_342 = arith.cmpi sle, %shift_right_logical3A_307, %le3A_341 : vector<16xi32>
          %and3A_343 = arith.andi %and3A_339, %le3A_342 : vector<16xi1>
          %add3A_344 = arith.constant -1 : i32
          %add3A_345 = vector.broadcast %add3A_344 : i32 to vector<16xi32>
          %add3A_346 = arith.addi %sub3A_312, %add3A_345 : vector<16xi32>
          %ge3A_347 = arith.constant 0 : i32
          %ge3A_348 = vector.broadcast %ge3A_347 : i32 to vector<16xi32>
          %ge3A_349 = arith.cmpi sge, %add3A_346, %ge3A_348 : vector<16xi32>
          %and3A_350 = arith.andi %and3A_343, %ge3A_349 : vector<16xi1>
          %lt3A_351 = arith.constant 4 : i32
          %lt3A_352 = vector.broadcast %lt3A_351 : i32 to vector<16xi32>
          %lt3A_353 = arith.cmpi slt, %add3A_346, %lt3A_352 : vector<16xi32>
          %and3A_354 = arith.andi %and3A_350, %lt3A_353 : vector<16xi1>
          %jit3A_355 = arith.constant 0 : i32
          %broadcast_in_dim3A_356 = vector.broadcast %jit3A_355 : i32 to vector<16xi32>
          %select_n3A_357 = arith.select %and3A_354, %add3A_346, %broadcast_in_dim3A_356 : vector<16xi1>, vector<16xi32>
          %add3A_358 = arith.constant -1 : i32
          %add3A_359 = vector.broadcast %add3A_358 : i32 to vector<16xi32>
          %add3A_360 = arith.addi %and3A_310, %add3A_359 : vector<16xi32>
          %jit3A_361 = arith.constant 0 : i32
          %broadcast_in_dim3A_362 = vector.broadcast %jit3A_361 : i32 to vector<16xi32>
          %select_n3A_363 = arith.select %and3A_354, %add3A_360, %broadcast_in_dim3A_362 : vector<16xi1>, vector<16xi32>
          %gather3A_364 = tpu.vector_load_idx %arg18[%select_n3A_357, %select_n3A_363] masked %and3A_354 : memref<4x2048xf32, #tpu.memory_space<vmem>>[vector<16xi32>, vector<16xi32>], vector<16xf32>, vector<16xi1>
          %max3A = arith.maximumf %gather3A_364, %get3A_58 : vector<16xf32>
          tpu.vector_store_idx %arg18[%select_n3A_357, %select_n3A_363], %max3A masked %and3A_354 : memref<4x2048xf32, #tpu.memory_space<vmem>>[vector<16xi32>, vector<16xi32>], vector<16xf32>, vector<16xi1>
          %add3A_365 = arith.constant -1 : i32
          %add3A_366 = vector.broadcast %add3A_365 : i32 to vector<16xi32>
          %add3A_367 = arith.addi %sub3A_312, %add3A_366 : vector<16xi32>
          %ge3A_368 = arith.constant 0 : i32
          %ge3A_369 = vector.broadcast %ge3A_368 : i32 to vector<16xi32>
          %ge3A_370 = arith.cmpi sge, %add3A_367, %ge3A_369 : vector<16xi32>
          %and3A_371 = arith.andi %and3A_343, %ge3A_370 : vector<16xi1>
          %lt3A_372 = arith.constant 4 : i32
          %lt3A_373 = vector.broadcast %lt3A_372 : i32 to vector<16xi32>
          %lt3A_374 = arith.cmpi slt, %add3A_367, %lt3A_373 : vector<16xi32>
          %and3A_375 = arith.andi %and3A_371, %lt3A_374 : vector<16xi1>
          %jit3A_376 = arith.constant 0 : i32
          %broadcast_in_dim3A_377 = vector.broadcast %jit3A_376 : i32 to vector<16xi32>
          %select_n3A_378 = arith.select %and3A_375, %add3A_367, %broadcast_in_dim3A_377 : vector<16xi1>, vector<16xi32>
          %add3A_379 = arith.constant 0 : i32
          %add3A_380 = vector.broadcast %add3A_379 : i32 to vector<16xi32>
          %add3A_381 = arith.addi %and3A_310, %add3A_380 : vector<16xi32>
          %jit3A_382 = arith.constant 0 : i32
          %broadcast_in_dim3A_383 = vector.broadcast %jit3A_382 : i32 to vector<16xi32>
          %select_n3A_384 = arith.select %and3A_375, %add3A_381, %broadcast_in_dim3A_383 : vector<16xi1>, vector<16xi32>
          %gather3A_385 = tpu.vector_load_idx %arg18[%select_n3A_378, %select_n3A_384] masked %and3A_375 : memref<4x2048xf32, #tpu.memory_space<vmem>>[vector<16xi32>, vector<16xi32>], vector<16xf32>, vector<16xi1>
          %max3A_386 = arith.maximumf %gather3A_385, %get3A_62 : vector<16xf32>
          tpu.vector_store_idx %arg18[%select_n3A_378, %select_n3A_384], %max3A_386 masked %and3A_375 : memref<4x2048xf32, #tpu.memory_space<vmem>>[vector<16xi32>, vector<16xi32>], vector<16xf32>, vector<16xi1>
          %add3A_387 = arith.constant -1 : i32
          %add3A_388 = vector.broadcast %add3A_387 : i32 to vector<16xi32>
          %add3A_389 = arith.addi %sub3A_312, %add3A_388 : vector<16xi32>
          %ge3A_390 = arith.constant 0 : i32
          %ge3A_391 = vector.broadcast %ge3A_390 : i32 to vector<16xi32>
          %ge3A_392 = arith.cmpi sge, %add3A_389, %ge3A_391 : vector<16xi32>
          %and3A_393 = arith.andi %and3A_343, %ge3A_392 : vector<16xi1>
          %lt3A_394 = arith.constant 4 : i32
          %lt3A_395 = vector.broadcast %lt3A_394 : i32 to vector<16xi32>
          %lt3A_396 = arith.cmpi slt, %add3A_389, %lt3A_395 : vector<16xi32>
          %and3A_397 = arith.andi %and3A_393, %lt3A_396 : vector<16xi1>
          %jit3A_398 = arith.constant 0 : i32
          %broadcast_in_dim3A_399 = vector.broadcast %jit3A_398 : i32 to vector<16xi32>
          %select_n3A_400 = arith.select %and3A_397, %add3A_389, %broadcast_in_dim3A_399 : vector<16xi1>, vector<16xi32>
          %add3A_401 = arith.constant 1 : i32
          %add3A_402 = vector.broadcast %add3A_401 : i32 to vector<16xi32>
          %add3A_403 = arith.addi %and3A_310, %add3A_402 : vector<16xi32>
          %jit3A_404 = arith.constant 0 : i32
          %broadcast_in_dim3A_405 = vector.broadcast %jit3A_404 : i32 to vector<16xi32>
          %select_n3A_406 = arith.select %and3A_397, %add3A_403, %broadcast_in_dim3A_405 : vector<16xi1>, vector<16xi32>
          %gather3A_407 = tpu.vector_load_idx %arg18[%select_n3A_400, %select_n3A_406] masked %and3A_397 : memref<4x2048xf32, #tpu.memory_space<vmem>>[vector<16xi32>, vector<16xi32>], vector<16xf32>, vector<16xi1>
          %max3A_408 = arith.maximumf %gather3A_407, %get3A_66 : vector<16xf32>
          tpu.vector_store_idx %arg18[%select_n3A_400, %select_n3A_406], %max3A_408 masked %and3A_397 : memref<4x2048xf32, #tpu.memory_space<vmem>>[vector<16xi32>, vector<16xi32>], vector<16xf32>, vector<16xi1>
          %add3A_409 = arith.constant 0 : i32
          %add3A_410 = vector.broadcast %add3A_409 : i32 to vector<16xi32>
          %add3A_411 = arith.addi %sub3A_312, %add3A_410 : vector<16xi32>
          %ge3A_412 = arith.constant 0 : i32
          %ge3A_413 = vector.broadcast %ge3A_412 : i32 to vector<16xi32>
          %ge3A_414 = arith.cmpi sge, %add3A_411, %ge3A_413 : vector<16xi32>
          %and3A_415 = arith.andi %and3A_343, %ge3A_414 : vector<16xi1>
          %lt3A_416 = arith.constant 4 : i32
          %lt3A_417 = vector.broadcast %lt3A_416 : i32 to vector<16xi32>
          %lt3A_418 = arith.cmpi slt, %add3A_411, %lt3A_417 : vector<16xi32>
          %and3A_419 = arith.andi %and3A_415, %lt3A_418 : vector<16xi1>
          %jit3A_420 = arith.constant 0 : i32
          %broadcast_in_dim3A_421 = vector.broadcast %jit3A_420 : i32 to vector<16xi32>
          %select_n3A_422 = arith.select %and3A_419, %add3A_411, %broadcast_in_dim3A_421 : vector<16xi1>, vector<16xi32>
          %add3A_423 = arith.constant -1 : i32
          %add3A_424 = vector.broadcast %add3A_423 : i32 to vector<16xi32>
          %add3A_425 = arith.addi %and3A_310, %add3A_424 : vector<16xi32>
          %jit3A_426 = arith.constant 0 : i32
          %broadcast_in_dim3A_427 = vector.broadcast %jit3A_426 : i32 to vector<16xi32>
          %select_n3A_428 = arith.select %and3A_419, %add3A_425, %broadcast_in_dim3A_427 : vector<16xi1>, vector<16xi32>
          %gather3A_429 = tpu.vector_load_idx %arg18[%select_n3A_422, %select_n3A_428] masked %and3A_419 : memref<4x2048xf32, #tpu.memory_space<vmem>>[vector<16xi32>, vector<16xi32>], vector<16xf32>, vector<16xi1>
          %max3A_430 = arith.maximumf %gather3A_429, %get3A_70 : vector<16xf32>
          tpu.vector_store_idx %arg18[%select_n3A_422, %select_n3A_428], %max3A_430 masked %and3A_419 : memref<4x2048xf32, #tpu.memory_space<vmem>>[vector<16xi32>, vector<16xi32>], vector<16xf32>, vector<16xi1>
          %add3A_431 = arith.constant 0 : i32
          %add3A_432 = vector.broadcast %add3A_431 : i32 to vector<16xi32>
          %add3A_433 = arith.addi %sub3A_312, %add3A_432 : vector<16xi32>
          %ge3A_434 = arith.constant 0 : i32
          %ge3A_435 = vector.broadcast %ge3A_434 : i32 to vector<16xi32>
          %ge3A_436 = arith.cmpi sge, %add3A_433, %ge3A_435 : vector<16xi32>
          %and3A_437 = arith.andi %and3A_343, %ge3A_436 : vector<16xi1>
          %lt3A_438 = arith.constant 4 : i32
          %lt3A_439 = vector.broadcast %lt3A_438 : i32 to vector<16xi32>
          %lt3A_440 = arith.cmpi slt, %add3A_433, %lt3A_439 : vector<16xi32>
          %and3A_441 = arith.andi %and3A_437, %lt3A_440 : vector<16xi1>
          %jit3A_442 = arith.constant 0 : i32
          %broadcast_in_dim3A_443 = vector.broadcast %jit3A_442 : i32 to vector<16xi32>
          %select_n3A_444 = arith.select %and3A_441, %add3A_433, %broadcast_in_dim3A_443 : vector<16xi1>, vector<16xi32>
          %add3A_445 = arith.constant 0 : i32
          %add3A_446 = vector.broadcast %add3A_445 : i32 to vector<16xi32>
          %add3A_447 = arith.addi %and3A_310, %add3A_446 : vector<16xi32>
          %jit3A_448 = arith.constant 0 : i32
          %broadcast_in_dim3A_449 = vector.broadcast %jit3A_448 : i32 to vector<16xi32>
          %select_n3A_450 = arith.select %and3A_441, %add3A_447, %broadcast_in_dim3A_449 : vector<16xi1>, vector<16xi32>
          %gather3A_451 = tpu.vector_load_idx %arg18[%select_n3A_444, %select_n3A_450] masked %and3A_441 : memref<4x2048xf32, #tpu.memory_space<vmem>>[vector<16xi32>, vector<16xi32>], vector<16xf32>, vector<16xi1>
          %max3A_452 = arith.maximumf %gather3A_451, %get3A_74 : vector<16xf32>
          tpu.vector_store_idx %arg18[%select_n3A_444, %select_n3A_450], %max3A_452 masked %and3A_441 : memref<4x2048xf32, #tpu.memory_space<vmem>>[vector<16xi32>, vector<16xi32>], vector<16xf32>, vector<16xi1>
          %add3A_453 = arith.constant 0 : i32
          %add3A_454 = vector.broadcast %add3A_453 : i32 to vector<16xi32>
          %add3A_455 = arith.addi %sub3A_312, %add3A_454 : vector<16xi32>
          %ge3A_456 = arith.constant 0 : i32
          %ge3A_457 = vector.broadcast %ge3A_456 : i32 to vector<16xi32>
          %ge3A_458 = arith.cmpi sge, %add3A_455, %ge3A_457 : vector<16xi32>
          %and3A_459 = arith.andi %and3A_343, %ge3A_458 : vector<16xi1>
          %lt3A_460 = arith.constant 4 : i32
          %lt3A_461 = vector.broadcast %lt3A_460 : i32 to vector<16xi32>
          %lt3A_462 = arith.cmpi slt, %add3A_455, %lt3A_461 : vector<16xi32>
          %and3A_463 = arith.andi %and3A_459, %lt3A_462 : vector<16xi1>
          %jit3A_464 = arith.constant 0 : i32
          %broadcast_in_dim3A_465 = vector.broadcast %jit3A_464 : i32 to vector<16xi32>
          %select_n3A_466 = arith.select %and3A_463, %add3A_455, %broadcast_in_dim3A_465 : vector<16xi1>, vector<16xi32>
          %add3A_467 = arith.constant 1 : i32
          %add3A_468 = vector.broadcast %add3A_467 : i32 to vector<16xi32>
          %add3A_469 = arith.addi %and3A_310, %add3A_468 : vector<16xi32>
          %jit3A_470 = arith.constant 0 : i32
          %broadcast_in_dim3A_471 = vector.broadcast %jit3A_470 : i32 to vector<16xi32>
          %select_n3A_472 = arith.select %and3A_463, %add3A_469, %broadcast_in_dim3A_471 : vector<16xi1>, vector<16xi32>
          %gather3A_473 = tpu.vector_load_idx %arg18[%select_n3A_466, %select_n3A_472] masked %and3A_463 : memref<4x2048xf32, #tpu.memory_space<vmem>>[vector<16xi32>, vector<16xi32>], vector<16xf32>, vector<16xi1>
          %max3A_474 = arith.maximumf %gather3A_473, %get3A_78 : vector<16xf32>
          tpu.vector_store_idx %arg18[%select_n3A_466, %select_n3A_472], %max3A_474 masked %and3A_463 : memref<4x2048xf32, #tpu.memory_space<vmem>>[vector<16xi32>, vector<16xi32>], vector<16xf32>, vector<16xi1>
          %add3A_475 = arith.constant 1 : i32
          %add3A_476 = vector.broadcast %add3A_475 : i32 to vector<16xi32>
          %add3A_477 = arith.addi %sub3A_312, %add3A_476 : vector<16xi32>
          %ge3A_478 = arith.constant 0 : i32
          %ge3A_479 = vector.broadcast %ge3A_478 : i32 to vector<16xi32>
          %ge3A_480 = arith.cmpi sge, %add3A_477, %ge3A_479 : vector<16xi32>
          %and3A_481 = arith.andi %and3A_343, %ge3A_480 : vector<16xi1>
          %lt3A_482 = arith.constant 4 : i32
          %lt3A_483 = vector.broadcast %lt3A_482 : i32 to vector<16xi32>
          %lt3A_484 = arith.cmpi slt, %add3A_477, %lt3A_483 : vector<16xi32>
          %and3A_485 = arith.andi %and3A_481, %lt3A_484 : vector<16xi1>
          %jit3A_486 = arith.constant 0 : i32
          %broadcast_in_dim3A_487 = vector.broadcast %jit3A_486 : i32 to vector<16xi32>
          %select_n3A_488 = arith.select %and3A_485, %add3A_477, %broadcast_in_dim3A_487 : vector<16xi1>, vector<16xi32>
          %add3A_489 = arith.constant -1 : i32
          %add3A_490 = vector.broadcast %add3A_489 : i32 to vector<16xi32>
          %add3A_491 = arith.addi %and3A_310, %add3A_490 : vector<16xi32>
          %jit3A_492 = arith.constant 0 : i32
          %broadcast_in_dim3A_493 = vector.broadcast %jit3A_492 : i32 to vector<16xi32>
          %select_n3A_494 = arith.select %and3A_485, %add3A_491, %broadcast_in_dim3A_493 : vector<16xi1>, vector<16xi32>
          %gather3A_495 = tpu.vector_load_idx %arg18[%select_n3A_488, %select_n3A_494] masked %and3A_485 : memref<4x2048xf32, #tpu.memory_space<vmem>>[vector<16xi32>, vector<16xi32>], vector<16xf32>, vector<16xi1>
          %max3A_496 = arith.maximumf %gather3A_495, %get3A_82 : vector<16xf32>
          tpu.vector_store_idx %arg18[%select_n3A_488, %select_n3A_494], %max3A_496 masked %and3A_485 : memref<4x2048xf32, #tpu.memory_space<vmem>>[vector<16xi32>, vector<16xi32>], vector<16xf32>, vector<16xi1>
          %add3A_497 = arith.constant 1 : i32
          %add3A_498 = vector.broadcast %add3A_497 : i32 to vector<16xi32>
          %add3A_499 = arith.addi %sub3A_312, %add3A_498 : vector<16xi32>
          %ge3A_500 = arith.constant 0 : i32
          %ge3A_501 = vector.broadcast %ge3A_500 : i32 to vector<16xi32>
          %ge3A_502 = arith.cmpi sge, %add3A_499, %ge3A_501 : vector<16xi32>
          %and3A_503 = arith.andi %and3A_343, %ge3A_502 : vector<16xi1>
          %lt3A_504 = arith.constant 4 : i32
          %lt3A_505 = vector.broadcast %lt3A_504 : i32 to vector<16xi32>
          %lt3A_506 = arith.cmpi slt, %add3A_499, %lt3A_505 : vector<16xi32>
          %and3A_507 = arith.andi %and3A_503, %lt3A_506 : vector<16xi1>
          %jit3A_508 = arith.constant 0 : i32
          %broadcast_in_dim3A_509 = vector.broadcast %jit3A_508 : i32 to vector<16xi32>
          %select_n3A_510 = arith.select %and3A_507, %add3A_499, %broadcast_in_dim3A_509 : vector<16xi1>, vector<16xi32>
          %add3A_511 = arith.constant 0 : i32
          %add3A_512 = vector.broadcast %add3A_511 : i32 to vector<16xi32>
          %add3A_513 = arith.addi %and3A_310, %add3A_512 : vector<16xi32>
          %jit3A_514 = arith.constant 0 : i32
          %broadcast_in_dim3A_515 = vector.broadcast %jit3A_514 : i32 to vector<16xi32>
          %select_n3A_516 = arith.select %and3A_507, %add3A_513, %broadcast_in_dim3A_515 : vector<16xi1>, vector<16xi32>
          %gather3A_517 = tpu.vector_load_idx %arg18[%select_n3A_510, %select_n3A_516] masked %and3A_507 : memref<4x2048xf32, #tpu.memory_space<vmem>>[vector<16xi32>, vector<16xi32>], vector<16xf32>, vector<16xi1>
          %max3A_518 = arith.maximumf %gather3A_517, %get3A_86 : vector<16xf32>
          tpu.vector_store_idx %arg18[%select_n3A_510, %select_n3A_516], %max3A_518 masked %and3A_507 : memref<4x2048xf32, #tpu.memory_space<vmem>>[vector<16xi32>, vector<16xi32>], vector<16xf32>, vector<16xi1>
          %add3A_519 = arith.constant 1 : i32
          %add3A_520 = vector.broadcast %add3A_519 : i32 to vector<16xi32>
          %add3A_521 = arith.addi %sub3A_312, %add3A_520 : vector<16xi32>
          %ge3A_522 = arith.constant 0 : i32
          %ge3A_523 = vector.broadcast %ge3A_522 : i32 to vector<16xi32>
          %ge3A_524 = arith.cmpi sge, %add3A_521, %ge3A_523 : vector<16xi32>
          %and3A_525 = arith.andi %and3A_343, %ge3A_524 : vector<16xi1>
          %lt3A_526 = arith.constant 4 : i32
          %lt3A_527 = vector.broadcast %lt3A_526 : i32 to vector<16xi32>
          %lt3A_528 = arith.cmpi slt, %add3A_521, %lt3A_527 : vector<16xi32>
          %and3A_529 = arith.andi %and3A_525, %lt3A_528 : vector<16xi1>
          %jit3A_530 = arith.constant 0 : i32
          %broadcast_in_dim3A_531 = vector.broadcast %jit3A_530 : i32 to vector<16xi32>
          %select_n3A_532 = arith.select %and3A_529, %add3A_521, %broadcast_in_dim3A_531 : vector<16xi1>, vector<16xi32>
          %add3A_533 = arith.constant 1 : i32
          %add3A_534 = vector.broadcast %add3A_533 : i32 to vector<16xi32>
          %add3A_535 = arith.addi %and3A_310, %add3A_534 : vector<16xi32>
          %jit3A_536 = arith.constant 0 : i32
          %broadcast_in_dim3A_537 = vector.broadcast %jit3A_536 : i32 to vector<16xi32>
          %select_n3A_538 = arith.select %and3A_529, %add3A_535, %broadcast_in_dim3A_537 : vector<16xi1>, vector<16xi32>
          %gather3A_539 = tpu.vector_load_idx %arg18[%select_n3A_532, %select_n3A_538] masked %and3A_529 : memref<4x2048xf32, #tpu.memory_space<vmem>>[vector<16xi32>, vector<16xi32>], vector<16xf32>, vector<16xi1>
          %max3A_540 = arith.maximumf %gather3A_539, %get3A_90 : vector<16xf32>
          tpu.vector_store_idx %arg18[%select_n3A_532, %select_n3A_538], %max3A_540 masked %and3A_529 : memref<4x2048xf32, #tpu.memory_space<vmem>>[vector<16xi32>, vector<16xi32>], vector<16xf32>, vector<16xi1>
        }
        %while3A_278 = arith.constant 1 : i32
        scf.for %while3A_296 = %while3A_276 to %while3A_272 step %while3A_278  : i32 {
          %mul3A_297 = arith.constant 16 : i32
          %mul3A_298 = arith.muli %while3A_296, %mul3A_297 : i32
          %sub3A_299 = arith.subi %reduce_max3A_238, %mul3A_298 : i32
          %lt3A_300 = vector.broadcast %sub3A_299 : i32 to vector<16xi32>
          %lt3A_301 = arith.cmpi slt, %iota3A, %lt3A_300 : vector<16xi32>
          %mul3A_302 = arith.constant 16 : i32
          %mul3A_303 = arith.muli %while3A_296, %mul3A_302 : i32
          %get3A_304 = arith.index_cast %mul3A_303 : i32 to index
          %get3A_305 = tpu.vector_load %arg16[%get3A_304] {strides = array<i32>} : memref<1280xi32, #tpu.memory_space<vmem>>, vector<16xi32>,
          %shift_right_logical3A = arith.constant 11 : i32
          %shift_right_logical3A_306 = vector.broadcast %shift_right_logical3A : i32 to vector<16xi32>
          %shift_right_logical3A_307 = arith.shrui %get3A_305, %shift_right_logical3A_306 : vector<16xi32>
          %and3A_308 = arith.constant 2047 : i32
          %and3A_309 = vector.broadcast %and3A_308 : i32 to vector<16xi32>
          %and3A_310 = arith.andi %get3A_305, %and3A_309 : vector<16xi32>
          %sub3A_311 = vector.broadcast %add3A_176 : i32 to vector<16xi32>
          %sub3A_312 = arith.subi %shift_right_logical3A_307, %sub3A_311 : vector<16xi32>
          %mul3A_313 = arith.constant 16 : i32
          %mul3A_314 = arith.muli %while3A_296, %mul3A_313 : i32
          %get3A_315 = arith.index_cast %mul3A_314 : i32 to index
          %get3A_316 = tpu.vector_load %arg14[%get3A_315] {strides = array<i32>} : memref<1280xi32, #tpu.memory_space<vmem>>, vector<16xi32>,
          %ge3A_317 = arith.constant 0 : i32
          %ge3A_318 = vector.broadcast %ge3A_317 : i32 to vector<16xi32>
          %ge3A_319 = arith.cmpi sge, %sub3A_312, %ge3A_318 : vector<16xi32>
          %and3A_320 = arith.andi %lt3A_301, %ge3A_319 : vector<16xi1>
          %lt3A_321 = arith.constant 4 : i32
          %lt3A_322 = vector.broadcast %lt3A_321 : i32 to vector<16xi32>
          %lt3A_323 = arith.cmpi slt, %sub3A_312, %lt3A_322 : vector<16xi32>
          %and3A_324 = arith.andi %and3A_320, %lt3A_323 : vector<16xi1>
          %jit3A_325 = arith.constant 0 : i32
          %broadcast_in_dim3A_326 = vector.broadcast %jit3A_325 : i32 to vector<16xi32>
          %select_n3A_327 = arith.select %and3A_324, %sub3A_312, %broadcast_in_dim3A_326 : vector<16xi1>, vector<16xi32>
          %gather3A = tpu.vector_load_idx %arg9[%get3A_316] masked %lt3A_301 : memref<20000xf32, #tpu.memory_space<vmem>>[vector<16xi32>], vector<16xf32>, vector<16xi1>
          tpu.vector_store_idx %arg20[%select_n3A_327, %and3A_310], %gather3A masked %and3A_324 : memref<4x2048xf32, #tpu.memory_space<vmem>>[vector<16xi32>, vector<16xi32>], vector<16xf32>, vector<16xi1>
          %gather3A_328 = tpu.vector_load_idx %arg10[%get3A_316] masked %lt3A_301 : memref<20000xf32, #tpu.memory_space<vmem>>[vector<16xi32>], vector<16xf32>, vector<16xi1>
          tpu.vector_store_idx %arg22[%select_n3A_327, %and3A_310], %gather3A_328 masked %and3A_324 : memref<4x2048xf32, #tpu.memory_space<vmem>>[vector<16xi32>, vector<16xi32>], vector<16xf32>, vector<16xi1>
          %ge3A_329 = arith.constant 1 : i32
          %ge3A_330 = vector.broadcast %ge3A_329 : i32 to vector<16xi32>
          %ge3A_331 = arith.cmpi sge, %and3A_310, %ge3A_330 : vector<16xi32>
          %and3A_332 = arith.andi %lt3A_301, %ge3A_331 : vector<16xi1>
          %le3A = arith.constant 2046 : i32
          %le3A_333 = vector.broadcast %le3A : i32 to vector<16xi32>
          %le3A_334 = arith.cmpi sle, %and3A_310, %le3A_333 : vector<16xi32>
          %and3A_335 = arith.andi %and3A_332, %le3A_334 : vector<16xi1>
          %ge3A_336 = arith.constant 1 : i32
          %ge3A_337 = vector.broadcast %ge3A_336 : i32 to vector<16xi32>
          %ge3A_338 = arith.cmpi sge, %shift_right_logical3A_307, %ge3A_337 : vector<16xi32>
          %and3A_339 = arith.andi %and3A_335, %ge3A_338 : vector<16xi1>
          %le3A_340 = arith.constant 2046 : i32
          %le3A_341 = vector.broadcast %le3A_340 : i32 to vector<16xi32>
          %le3A_342 = arith.cmpi sle, %shift_right_logical3A_307, %le3A_341 : vector<16xi32>
          %and3A_343 = arith.andi %and3A_339, %le3A_342 : vector<16xi1>
          %add3A_344 = arith.constant -1 : i32
          %add3A_345 = vector.broadcast %add3A_344 : i32 to vector<16xi32>
          %add3A_346 = arith.addi %sub3A_312, %add3A_345 : vector<16xi32>
          %ge3A_347 = arith.constant 0 : i32
          %ge3A_348 = vector.broadcast %ge3A_347 : i32 to vector<16xi32>
          %ge3A_349 = arith.cmpi sge, %add3A_346, %ge3A_348 : vector<16xi32>
          %and3A_350 = arith.andi %and3A_343, %ge3A_349 : vector<16xi1>
          %lt3A_351 = arith.constant 4 : i32
          %lt3A_352 = vector.broadcast %lt3A_351 : i32 to vector<16xi32>
          %lt3A_353 = arith.cmpi slt, %add3A_346, %lt3A_352 : vector<16xi32>
          %and3A_354 = arith.andi %and3A_350, %lt3A_353 : vector<16xi1>
          %jit3A_355 = arith.constant 0 : i32
          %broadcast_in_dim3A_356 = vector.broadcast %jit3A_355 : i32 to vector<16xi32>
          %select_n3A_357 = arith.select %and3A_354, %add3A_346, %broadcast_in_dim3A_356 : vector<16xi1>, vector<16xi32>
          %add3A_358 = arith.constant -1 : i32
          %add3A_359 = vector.broadcast %add3A_358 : i32 to vector<16xi32>
          %add3A_360 = arith.addi %and3A_310, %add3A_359 : vector<16xi32>
          %jit3A_361 = arith.constant 0 : i32
          %broadcast_in_dim3A_362 = vector.broadcast %jit3A_361 : i32 to vector<16xi32>
          %select_n3A_363 = arith.select %and3A_354, %add3A_360, %broadcast_in_dim3A_362 : vector<16xi1>, vector<16xi32>
          %gather3A_364 = tpu.vector_load_idx %arg18[%select_n3A_357, %select_n3A_363] masked %and3A_354 : memref<4x2048xf32, #tpu.memory_space<vmem>>[vector<16xi32>, vector<16xi32>], vector<16xf32>, vector<16xi1>
          %max3A = arith.maximumf %gather3A_364, %get3A_58 : vector<16xf32>
          tpu.vector_store_idx %arg18[%select_n3A_357, %select_n3A_363], %max3A masked %and3A_354 : memref<4x2048xf32, #tpu.memory_space<vmem>>[vector<16xi32>, vector<16xi32>], vector<16xf32>, vector<16xi1>
          %add3A_365 = arith.constant -1 : i32
          %add3A_366 = vector.broadcast %add3A_365 : i32 to vector<16xi32>
          %add3A_367 = arith.addi %sub3A_312, %add3A_366 : vector<16xi32>
          %ge3A_368 = arith.constant 0 : i32
          %ge3A_369 = vector.broadcast %ge3A_368 : i32 to vector<16xi32>
          %ge3A_370 = arith.cmpi sge, %add3A_367, %ge3A_369 : vector<16xi32>
          %and3A_371 = arith.andi %and3A_343, %ge3A_370 : vector<16xi1>
          %lt3A_372 = arith.constant 4 : i32
          %lt3A_373 = vector.broadcast %lt3A_372 : i32 to vector<16xi32>
          %lt3A_374 = arith.cmpi slt, %add3A_367, %lt3A_373 : vector<16xi32>
          %and3A_375 = arith.andi %and3A_371, %lt3A_374 : vector<16xi1>
          %jit3A_376 = arith.constant 0 : i32
          %broadcast_in_dim3A_377 = vector.broadcast %jit3A_376 : i32 to vector<16xi32>
          %select_n3A_378 = arith.select %and3A_375, %add3A_367, %broadcast_in_dim3A_377 : vector<16xi1>, vector<16xi32>
          %add3A_379 = arith.constant 0 : i32
          %add3A_380 = vector.broadcast %add3A_379 : i32 to vector<16xi32>
          %add3A_381 = arith.addi %and3A_310, %add3A_380 : vector<16xi32>
          %jit3A_382 = arith.constant 0 : i32
          %broadcast_in_dim3A_383 = vector.broadcast %jit3A_382 : i32 to vector<16xi32>
          %select_n3A_384 = arith.select %and3A_375, %add3A_381, %broadcast_in_dim3A_383 : vector<16xi1>, vector<16xi32>
          %gather3A_385 = tpu.vector_load_idx %arg18[%select_n3A_378, %select_n3A_384] masked %and3A_375 : memref<4x2048xf32, #tpu.memory_space<vmem>>[vector<16xi32>, vector<16xi32>], vector<16xf32>, vector<16xi1>
          %max3A_386 = arith.maximumf %gather3A_385, %get3A_62 : vector<16xf32>
          tpu.vector_store_idx %arg18[%select_n3A_378, %select_n3A_384], %max3A_386 masked %and3A_375 : memref<4x2048xf32, #tpu.memory_space<vmem>>[vector<16xi32>, vector<16xi32>], vector<16xf32>, vector<16xi1>
          %add3A_387 = arith.constant -1 : i32
          %add3A_388 = vector.broadcast %add3A_387 : i32 to vector<16xi32>
          %add3A_389 = arith.addi %sub3A_312, %add3A_388 : vector<16xi32>
          %ge3A_390 = arith.constant 0 : i32
          %ge3A_391 = vector.broadcast %ge3A_390 : i32 to vector<16xi32>
          %ge3A_392 = arith.cmpi sge, %add3A_389, %ge3A_391 : vector<16xi32>
          %and3A_393 = arith.andi %and3A_343, %ge3A_392 : vector<16xi1>
          %lt3A_394 = arith.constant 4 : i32
          %lt3A_395 = vector.broadcast %lt3A_394 : i32 to vector<16xi32>
          %lt3A_396 = arith.cmpi slt, %add3A_389, %lt3A_395 : vector<16xi32>
          %and3A_397 = arith.andi %and3A_393, %lt3A_396 : vector<16xi1>
          %jit3A_398 = arith.constant 0 : i32
          %broadcast_in_dim3A_399 = vector.broadcast %jit3A_398 : i32 to vector<16xi32>
          %select_n3A_400 = arith.select %and3A_397, %add3A_389, %broadcast_in_dim3A_399 : vector<16xi1>, vector<16xi32>
          %add3A_401 = arith.constant 1 : i32
          %add3A_402 = vector.broadcast %add3A_401 : i32 to vector<16xi32>
          %add3A_403 = arith.addi %and3A_310, %add3A_402 : vector<16xi32>
          %jit3A_404 = arith.constant 0 : i32
          %broadcast_in_dim3A_405 = vector.broadcast %jit3A_404 : i32 to vector<16xi32>
          %select_n3A_406 = arith.select %and3A_397, %add3A_403, %broadcast_in_dim3A_405 : vector<16xi1>, vector<16xi32>
          %gather3A_407 = tpu.vector_load_idx %arg18[%select_n3A_400, %select_n3A_406] masked %and3A_397 : memref<4x2048xf32, #tpu.memory_space<vmem>>[vector<16xi32>, vector<16xi32>], vector<16xf32>, vector<16xi1>
          %max3A_408 = arith.maximumf %gather3A_407, %get3A_66 : vector<16xf32>
          tpu.vector_store_idx %arg18[%select_n3A_400, %select_n3A_406], %max3A_408 masked %and3A_397 : memref<4x2048xf32, #tpu.memory_space<vmem>>[vector<16xi32>, vector<16xi32>], vector<16xf32>, vector<16xi1>
          %add3A_409 = arith.constant 0 : i32
          %add3A_410 = vector.broadcast %add3A_409 : i32 to vector<16xi32>
          %add3A_411 = arith.addi %sub3A_312, %add3A_410 : vector<16xi32>
          %ge3A_412 = arith.constant 0 : i32
          %ge3A_413 = vector.broadcast %ge3A_412 : i32 to vector<16xi32>
          %ge3A_414 = arith.cmpi sge, %add3A_411, %ge3A_413 : vector<16xi32>
          %and3A_415 = arith.andi %and3A_343, %ge3A_414 : vector<16xi1>
          %lt3A_416 = arith.constant 4 : i32
          %lt3A_417 = vector.broadcast %lt3A_416 : i32 to vector<16xi32>
          %lt3A_418 = arith.cmpi slt, %add3A_411, %lt3A_417 : vector<16xi32>
          %and3A_419 = arith.andi %and3A_415, %lt3A_418 : vector<16xi1>
          %jit3A_420 = arith.constant 0 : i32
          %broadcast_in_dim3A_421 = vector.broadcast %jit3A_420 : i32 to vector<16xi32>
          %select_n3A_422 = arith.select %and3A_419, %add3A_411, %broadcast_in_dim3A_421 : vector<16xi1>, vector<16xi32>
          %add3A_423 = arith.constant -1 : i32
          %add3A_424 = vector.broadcast %add3A_423 : i32 to vector<16xi32>
          %add3A_425 = arith.addi %and3A_310, %add3A_424 : vector<16xi32>
          %jit3A_426 = arith.constant 0 : i32
          %broadcast_in_dim3A_427 = vector.broadcast %jit3A_426 : i32 to vector<16xi32>
          %select_n3A_428 = arith.select %and3A_419, %add3A_425, %broadcast_in_dim3A_427 : vector<16xi1>, vector<16xi32>
          %gather3A_429 = tpu.vector_load_idx %arg18[%select_n3A_422, %select_n3A_428] masked %and3A_419 : memref<4x2048xf32, #tpu.memory_space<vmem>>[vector<16xi32>, vector<16xi32>], vector<16xf32>, vector<16xi1>
          %max3A_430 = arith.maximumf %gather3A_429, %get3A_70 : vector<16xf32>
          tpu.vector_store_idx %arg18[%select_n3A_422, %select_n3A_428], %max3A_430 masked %and3A_419 : memref<4x2048xf32, #tpu.memory_space<vmem>>[vector<16xi32>, vector<16xi32>], vector<16xf32>, vector<16xi1>
          %add3A_431 = arith.constant 0 : i32
          %add3A_432 = vector.broadcast %add3A_431 : i32 to vector<16xi32>
          %add3A_433 = arith.addi %sub3A_312, %add3A_432 : vector<16xi32>
          %ge3A_434 = arith.constant 0 : i32
          %ge3A_435 = vector.broadcast %ge3A_434 : i32 to vector<16xi32>
          %ge3A_436 = arith.cmpi sge, %add3A_433, %ge3A_435 : vector<16xi32>
          %and3A_437 = arith.andi %and3A_343, %ge3A_436 : vector<16xi1>
          %lt3A_438 = arith.constant 4 : i32
          %lt3A_439 = vector.broadcast %lt3A_438 : i32 to vector<16xi32>
          %lt3A_440 = arith.cmpi slt, %add3A_433, %lt3A_439 : vector<16xi32>
          %and3A_441 = arith.andi %and3A_437, %lt3A_440 : vector<16xi1>
          %jit3A_442 = arith.constant 0 : i32
          %broadcast_in_dim3A_443 = vector.broadcast %jit3A_442 : i32 to vector<16xi32>
          %select_n3A_444 = arith.select %and3A_441, %add3A_433, %broadcast_in_dim3A_443 : vector<16xi1>, vector<16xi32>
          %add3A_445 = arith.constant 0 : i32
          %add3A_446 = vector.broadcast %add3A_445 : i32 to vector<16xi32>
          %add3A_447 = arith.addi %and3A_310, %add3A_446 : vector<16xi32>
          %jit3A_448 = arith.constant 0 : i32
          %broadcast_in_dim3A_449 = vector.broadcast %jit3A_448 : i32 to vector<16xi32>
          %select_n3A_450 = arith.select %and3A_441, %add3A_447, %broadcast_in_dim3A_449 : vector<16xi1>, vector<16xi32>
          %gather3A_451 = tpu.vector_load_idx %arg18[%select_n3A_444, %select_n3A_450] masked %and3A_441 : memref<4x2048xf32, #tpu.memory_space<vmem>>[vector<16xi32>, vector<16xi32>], vector<16xf32>, vector<16xi1>
          %max3A_452 = arith.maximumf %gather3A_451, %get3A_74 : vector<16xf32>
          tpu.vector_store_idx %arg18[%select_n3A_444, %select_n3A_450], %max3A_452 masked %and3A_441 : memref<4x2048xf32, #tpu.memory_space<vmem>>[vector<16xi32>, vector<16xi32>], vector<16xf32>, vector<16xi1>
          %add3A_453 = arith.constant 0 : i32
          %add3A_454 = vector.broadcast %add3A_453 : i32 to vector<16xi32>
          %add3A_455 = arith.addi %sub3A_312, %add3A_454 : vector<16xi32>
          %ge3A_456 = arith.constant 0 : i32
          %ge3A_457 = vector.broadcast %ge3A_456 : i32 to vector<16xi32>
          %ge3A_458 = arith.cmpi sge, %add3A_455, %ge3A_457 : vector<16xi32>
          %and3A_459 = arith.andi %and3A_343, %ge3A_458 : vector<16xi1>
          %lt3A_460 = arith.constant 4 : i32
          %lt3A_461 = vector.broadcast %lt3A_460 : i32 to vector<16xi32>
          %lt3A_462 = arith.cmpi slt, %add3A_455, %lt3A_461 : vector<16xi32>
          %and3A_463 = arith.andi %and3A_459, %lt3A_462 : vector<16xi1>
          %jit3A_464 = arith.constant 0 : i32
          %broadcast_in_dim3A_465 = vector.broadcast %jit3A_464 : i32 to vector<16xi32>
          %select_n3A_466 = arith.select %and3A_463, %add3A_455, %broadcast_in_dim3A_465 : vector<16xi1>, vector<16xi32>
          %add3A_467 = arith.constant 1 : i32
          %add3A_468 = vector.broadcast %add3A_467 : i32 to vector<16xi32>
          %add3A_469 = arith.addi %and3A_310, %add3A_468 : vector<16xi32>
          %jit3A_470 = arith.constant 0 : i32
          %broadcast_in_dim3A_471 = vector.broadcast %jit3A_470 : i32 to vector<16xi32>
          %select_n3A_472 = arith.select %and3A_463, %add3A_469, %broadcast_in_dim3A_471 : vector<16xi1>, vector<16xi32>
          %gather3A_473 = tpu.vector_load_idx %arg18[%select_n3A_466, %select_n3A_472] masked %and3A_463 : memref<4x2048xf32, #tpu.memory_space<vmem>>[vector<16xi32>, vector<16xi32>], vector<16xf32>, vector<16xi1>
          %max3A_474 = arith.maximumf %gather3A_473, %get3A_78 : vector<16xf32>
          tpu.vector_store_idx %arg18[%select_n3A_466, %select_n3A_472], %max3A_474 masked %and3A_463 : memref<4x2048xf32, #tpu.memory_space<vmem>>[vector<16xi32>, vector<16xi32>], vector<16xf32>, vector<16xi1>
          %add3A_475 = arith.constant 1 : i32
          %add3A_476 = vector.broadcast %add3A_475 : i32 to vector<16xi32>
          %add3A_477 = arith.addi %sub3A_312, %add3A_476 : vector<16xi32>
          %ge3A_478 = arith.constant 0 : i32
          %ge3A_479 = vector.broadcast %ge3A_478 : i32 to vector<16xi32>
          %ge3A_480 = arith.cmpi sge, %add3A_477, %ge3A_479 : vector<16xi32>
          %and3A_481 = arith.andi %and3A_343, %ge3A_480 : vector<16xi1>
          %lt3A_482 = arith.constant 4 : i32
          %lt3A_483 = vector.broadcast %lt3A_482 : i32 to vector<16xi32>
          %lt3A_484 = arith.cmpi slt, %add3A_477, %lt3A_483 : vector<16xi32>
          %and3A_485 = arith.andi %and3A_481, %lt3A_484 : vector<16xi1>
          %jit3A_486 = arith.constant 0 : i32
          %broadcast_in_dim3A_487 = vector.broadcast %jit3A_486 : i32 to vector<16xi32>
          %select_n3A_488 = arith.select %and3A_485, %add3A_477, %broadcast_in_dim3A_487 : vector<16xi1>, vector<16xi32>
          %add3A_489 = arith.constant -1 : i32
          %add3A_490 = vector.broadcast %add3A_489 : i32 to vector<16xi32>
          %add3A_491 = arith.addi %and3A_310, %add3A_490 : vector<16xi32>
          %jit3A_492 = arith.constant 0 : i32
          %broadcast_in_dim3A_493 = vector.broadcast %jit3A_492 : i32 to vector<16xi32>
          %select_n3A_494 = arith.select %and3A_485, %add3A_491, %broadcast_in_dim3A_493 : vector<16xi1>, vector<16xi32>
          %gather3A_495 = tpu.vector_load_idx %arg18[%select_n3A_488, %select_n3A_494] masked %and3A_485 : memref<4x2048xf32, #tpu.memory_space<vmem>>[vector<16xi32>, vector<16xi32>], vector<16xf32>, vector<16xi1>
          %max3A_496 = arith.maximumf %gather3A_495, %get3A_82 : vector<16xf32>
          tpu.vector_store_idx %arg18[%select_n3A_488, %select_n3A_494], %max3A_496 masked %and3A_485 : memref<4x2048xf32, #tpu.memory_space<vmem>>[vector<16xi32>, vector<16xi32>], vector<16xf32>, vector<16xi1>
          %add3A_497 = arith.constant 1 : i32
          %add3A_498 = vector.broadcast %add3A_497 : i32 to vector<16xi32>
          %add3A_499 = arith.addi %sub3A_312, %add3A_498 : vector<16xi32>
          %ge3A_500 = arith.constant 0 : i32
          %ge3A_501 = vector.broadcast %ge3A_500 : i32 to vector<16xi32>
          %ge3A_502 = arith.cmpi sge, %add3A_499, %ge3A_501 : vector<16xi32>
          %and3A_503 = arith.andi %and3A_343, %ge3A_502 : vector<16xi1>
          %lt3A_504 = arith.constant 4 : i32
          %lt3A_505 = vector.broadcast %lt3A_504 : i32 to vector<16xi32>
          %lt3A_506 = arith.cmpi slt, %add3A_499, %lt3A_505 : vector<16xi32>
          %and3A_507 = arith.andi %and3A_503, %lt3A_506 : vector<16xi1>
          %jit3A_508 = arith.constant 0 : i32
          %broadcast_in_dim3A_509 = vector.broadcast %jit3A_508 : i32 to vector<16xi32>
          %select_n3A_510 = arith.select %and3A_507, %add3A_499, %broadcast_in_dim3A_509 : vector<16xi1>, vector<16xi32>
          %add3A_511 = arith.constant 0 : i32
          %add3A_512 = vector.broadcast %add3A_511 : i32 to vector<16xi32>
          %add3A_513 = arith.addi %and3A_310, %add3A_512 : vector<16xi32>
          %jit3A_514 = arith.constant 0 : i32
          %broadcast_in_dim3A_515 = vector.broadcast %jit3A_514 : i32 to vector<16xi32>
          %select_n3A_516 = arith.select %and3A_507, %add3A_513, %broadcast_in_dim3A_515 : vector<16xi1>, vector<16xi32>
          %gather3A_517 = tpu.vector_load_idx %arg18[%select_n3A_510, %select_n3A_516] masked %and3A_507 : memref<4x2048xf32, #tpu.memory_space<vmem>>[vector<16xi32>, vector<16xi32>], vector<16xf32>, vector<16xi1>
          %max3A_518 = arith.maximumf %gather3A_517, %get3A_86 : vector<16xf32>
          tpu.vector_store_idx %arg18[%select_n3A_510, %select_n3A_516], %max3A_518 masked %and3A_507 : memref<4x2048xf32, #tpu.memory_space<vmem>>[vector<16xi32>, vector<16xi32>], vector<16xf32>, vector<16xi1>
          %add3A_519 = arith.constant 1 : i32
          %add3A_520 = vector.broadcast %add3A_519 : i32 to vector<16xi32>
          %add3A_521 = arith.addi %sub3A_312, %add3A_520 : vector<16xi32>
          %ge3A_522 = arith.constant 0 : i32
          %ge3A_523 = vector.broadcast %ge3A_522 : i32 to vector<16xi32>
          %ge3A_524 = arith.cmpi sge, %add3A_521, %ge3A_523 : vector<16xi32>
          %and3A_525 = arith.andi %and3A_343, %ge3A_524 : vector<16xi1>
          %lt3A_526 = arith.constant 4 : i32
          %lt3A_527 = vector.broadcast %lt3A_526 : i32 to vector<16xi32>
          %lt3A_528 = arith.cmpi slt, %add3A_521, %lt3A_527 : vector<16xi32>
          %and3A_529 = arith.andi %and3A_525, %lt3A_528 : vector<16xi1>
          %jit3A_530 = arith.constant 0 : i32
          %broadcast_in_dim3A_531 = vector.broadcast %jit3A_530 : i32 to vector<16xi32>
          %select_n3A_532 = arith.select %and3A_529, %add3A_521, %broadcast_in_dim3A_531 : vector<16xi1>, vector<16xi32>
          %add3A_533 = arith.constant 1 : i32
          %add3A_534 = vector.broadcast %add3A_533 : i32 to vector<16xi32>
          %add3A_535 = arith.addi %and3A_310, %add3A_534 : vector<16xi32>
          %jit3A_536 = arith.constant 0 : i32
          %broadcast_in_dim3A_537 = vector.broadcast %jit3A_536 : i32 to vector<16xi32>
          %select_n3A_538 = arith.select %and3A_529, %add3A_535, %broadcast_in_dim3A_537 : vector<16xi1>, vector<16xi32>
          %gather3A_539 = tpu.vector_load_idx %arg18[%select_n3A_532, %select_n3A_538] masked %and3A_529 : memref<4x2048xf32, #tpu.memory_space<vmem>>[vector<16xi32>, vector<16xi32>], vector<16xf32>, vector<16xi1>
          %max3A_540 = arith.maximumf %gather3A_539, %get3A_90 : vector<16xf32>
          tpu.vector_store_idx %arg18[%select_n3A_532, %select_n3A_538], %max3A_540 masked %and3A_529 : memref<4x2048xf32, #tpu.memory_space<vmem>>[vector<16xi32>, vector<16xi32>], vector<16xf32>, vector<16xi1>
        }
        %dma_start3A = arith.constant 0 : i32
        %dma_start3A_279 = tpu.memref_slice %arg6[%add3A_176, %dma_start3A] : memref<2048x2048xf32, #tpu.memory_space<hbm>> -> memref<4x2048xf32, #tpu.memory_space<hbm>>
        %dma_start3A_280 = arith.constant 0 : i32
        %dma_start3A_281 = tpu.memref_slice %arg6[%add3A_176, %dma_start3A_280] : memref<2048x2048xf32, #tpu.memory_space<hbm>> -> memref<4x2048xf32, #tpu.memory_space<hbm>>
        tpu.enqueue_dma source(%arg18 : memref<4x2048xf32, #tpu.memory_space<vmem>>) target(%dma_start3A_281 : memref<4x2048xf32, #tpu.memory_space<hbm>>) target_semaphore(%arg25 : memref<!tpu.dma_semaphore, #tpu.memory_space<semaphore_mem>>)
        %dma_start3A_282 = arith.constant 0 : i32
        %dma_start3A_283 = arith.constant 0 : i32
        %dma_start3A_284 = tpu.memref_slice %arg7[%dma_start3A_282, %add3A_176, %dma_start3A_283] : memref<2x2048x2048xf32, #tpu.memory_space<hbm>> -> memref<1x4x2048xf32, #tpu.memory_space<hbm>>
        %dma_start3A_285 = tpu.memref_squeeze %dma_start3A_284 : memref<1x4x2048xf32, #tpu.memory_space<hbm>> -> memref<4x2048xf32, #tpu.memory_space<hbm>>
        %dma_start3A_286 = arith.constant 0 : i32
        %dma_start3A_287 = tpu.memref_slice %arg7[%dma_start3A_282, %add3A_176, %dma_start3A_286] : memref<2x2048x2048xf32, #tpu.memory_space<hbm>> -> memref<1x4x2048xf32, #tpu.memory_space<hbm>>
        %dma_start3A_288 = tpu.memref_squeeze %dma_start3A_287 : memref<1x4x2048xf32, #tpu.memory_space<hbm>> -> memref<4x2048xf32, #tpu.memory_space<hbm>>
        tpu.enqueue_dma source(%arg20 : memref<4x2048xf32, #tpu.memory_space<vmem>>) target(%dma_start3A_288 : memref<4x2048xf32, #tpu.memory_space<hbm>>) target_semaphore(%arg25 : memref<!tpu.dma_semaphore, #tpu.memory_space<semaphore_mem>>)
        %dma_start3A_289 = arith.constant 1 : i32
        %dma_start3A_290 = arith.constant 0 : i32
        %dma_start3A_291 = tpu.memref_slice %arg7[%dma_start3A_289, %add3A_176, %dma_start3A_290] : memref<2x2048x2048xf32, #tpu.memory_space<hbm>> -> memref<1x4x2048xf32, #tpu.memory_space<hbm>>
        %dma_start3A_292 = tpu.memref_squeeze %dma_start3A_291 : memref<1x4x2048xf32, #tpu.memory_space<hbm>> -> memref<4x2048xf32, #tpu.memory_space<hbm>>
        %dma_start3A_293 = arith.constant 0 : i32
        %dma_start3A_294 = tpu.memref_slice %arg7[%dma_start3A_289, %add3A_176, %dma_start3A_293] : memref<2x2048x2048xf32, #tpu.memory_space<hbm>> -> memref<1x4x2048xf32, #tpu.memory_space<hbm>>
        %dma_start3A_295 = tpu.memref_squeeze %dma_start3A_294 : memref<1x4x2048xf32, #tpu.memory_space<hbm>> -> memref<4x2048xf32, #tpu.memory_space<hbm>>
        tpu.enqueue_dma source(%arg22 : memref<4x2048xf32, #tpu.memory_space<vmem>>) target(%dma_start3A_295 : memref<4x2048xf32, #tpu.memory_space<hbm>>) target_semaphore(%arg25 : memref<!tpu.dma_semaphore, #tpu.memory_space<semaphore_mem>>)
      } else {
      }
      %jit3A_153 = arith.constant 2 : i32
      %eq3A_154 = arith.constant 0 : i32
      %eq3A_155 = arith.cmpi eq, %jit3A_153, %eq3A_154 : i32
      %jit3A_156 = arith.constant 1 : i32
      %select_n3A_157 = arith.select %eq3A_155, %jit3A_156, %jit3A_153 : i32
      %rem3A_158 = arith.remsi %scan3A_135, %select_n3A_157 : i32
      %ne3A_159 = arith.constant 0 : i32
      %ne3A_160 = arith.cmpi ne, %rem3A_158, %ne3A_159 : i32
      %lt3A_161 = arith.constant 0 : i32
      %lt3A_162 = arith.cmpi slt, %rem3A_158, %lt3A_161 : i32
      %lt3A_163 = arith.constant 0 : i32
      %lt3A_164 = arith.cmpi slt, %select_n3A_157, %lt3A_163 : i32
      %ne3A_165 = arith.xori %lt3A_162, %lt3A_164 : i1
      %and3A_166 = arith.andi %ne3A_165, %ne3A_160 : i1
      %add3A_167 = arith.addi %rem3A_158, %select_n3A_157 : i32
      %select_n3A_168 = arith.select %and3A_166, %add3A_167, %rem3A_158 : i32
      %eq3A_169 = arith.constant 1 : i32
      %eq3A_170 = arith.cmpi eq, %select_n3A_168, %eq3A_169 : i32
      %convert_element_type3A_171 = arith.extui %eq3A_170 : i1 to i32
      %cond3A_172 = arith.constant 0 : i32
      %cond3A_173 = arith.cmpi ne, %convert_element_type3A_171, %cond3A_172 : i32
      scf.if %cond3A_173 {
        %mul3A_174 = arith.constant 4 : i32
        %mul3A_175 = arith.muli %scan3A_135, %mul3A_174 : i32
        %add3A_176 = arith.addi %mul3A_3, %mul3A_175 : i32
        %sub3A_177 = arith.constant 8 : i32
        %sub3A_178 = arith.subi %add3A_176, %sub3A_177 : i32
        %ge3A = arith.constant 2 : i32
        %ge3A_179 = arith.cmpi sge, %scan3A_135, %ge3A : i32
        %convert_element_type3A_180 = arith.extui %ge3A_179 : i1 to i32
        %cond3A_181 = arith.constant 0 : i32
        %cond3A_182 = arith.cmpi ne, %convert_element_type3A_180, %cond3A_181 : i32
        scf.if %cond3A_182 {
          %dma_wait3A_296 = arith.constant 0 : i32
          %dma_wait3A_297 = tpu.memref_slice %arg6[%sub3A_178, %dma_wait3A_296] : memref<2048x2048xf32, #tpu.memory_space<hbm>> -> memref<4x2048xf32, #tpu.memory_space<hbm>>
          %dma_wait3A_298 = arith.constant 0 : i32
          %dma_wait3A_299 = tpu.memref_slice %arg6[%sub3A_178, %dma_wait3A_298] : memref<2048x2048xf32, #tpu.memory_space<hbm>> -> memref<4x2048xf32, #tpu.memory_space<hbm>>
          tpu.wait_dma2 semaphore(%arg25 : memref<!tpu.dma_semaphore, #tpu.memory_space<semaphore_mem>>) src(%arg19 : memref<4x2048xf32, #tpu.memory_space<vmem>>) dst(%dma_wait3A_299 : memref<4x2048xf32, #tpu.memory_space<hbm>>)
          %dma_wait3A_300 = arith.constant 0 : i32
          %dma_wait3A_301 = arith.constant 0 : i32
          %dma_wait3A_302 = tpu.memref_slice %arg7[%dma_wait3A_300, %sub3A_178, %dma_wait3A_301] : memref<2x2048x2048xf32, #tpu.memory_space<hbm>> -> memref<1x4x2048xf32, #tpu.memory_space<hbm>>
          %dma_wait3A_303 = tpu.memref_squeeze %dma_wait3A_302 : memref<1x4x2048xf32, #tpu.memory_space<hbm>> -> memref<4x2048xf32, #tpu.memory_space<hbm>>
          %dma_wait3A_304 = arith.constant 0 : i32
          %dma_wait3A_305 = tpu.memref_slice %arg7[%dma_wait3A_300, %sub3A_178, %dma_wait3A_304] : memref<2x2048x2048xf32, #tpu.memory_space<hbm>> -> memref<1x4x2048xf32, #tpu.memory_space<hbm>>
          %dma_wait3A_306 = tpu.memref_squeeze %dma_wait3A_305 : memref<1x4x2048xf32, #tpu.memory_space<hbm>> -> memref<4x2048xf32, #tpu.memory_space<hbm>>
          tpu.wait_dma2 semaphore(%arg25 : memref<!tpu.dma_semaphore, #tpu.memory_space<semaphore_mem>>) src(%arg21 : memref<4x2048xf32, #tpu.memory_space<vmem>>) dst(%dma_wait3A_306 : memref<4x2048xf32, #tpu.memory_space<hbm>>)
          %dma_wait3A_307 = arith.constant 1 : i32
          %dma_wait3A_308 = arith.constant 0 : i32
          %dma_wait3A_309 = tpu.memref_slice %arg7[%dma_wait3A_307, %sub3A_178, %dma_wait3A_308] : memref<2x2048x2048xf32, #tpu.memory_space<hbm>> -> memref<1x4x2048xf32, #tpu.memory_space<hbm>>
          %dma_wait3A_310 = tpu.memref_squeeze %dma_wait3A_309 : memref<1x4x2048xf32, #tpu.memory_space<hbm>> -> memref<4x2048xf32, #tpu.memory_space<hbm>>
          %dma_wait3A_311 = arith.constant 0 : i32
          %dma_wait3A_312 = tpu.memref_slice %arg7[%dma_wait3A_307, %sub3A_178, %dma_wait3A_311] : memref<2x2048x2048xf32, #tpu.memory_space<hbm>> -> memref<1x4x2048xf32, #tpu.memory_space<hbm>>
          %dma_wait3A_313 = tpu.memref_squeeze %dma_wait3A_312 : memref<1x4x2048xf32, #tpu.memory_space<hbm>> -> memref<4x2048xf32, #tpu.memory_space<hbm>>
          tpu.wait_dma2 semaphore(%arg25 : memref<!tpu.dma_semaphore, #tpu.memory_space<semaphore_mem>>) src(%arg23 : memref<4x2048xf32, #tpu.memory_space<vmem>>) dst(%dma_wait3A_313 : memref<4x2048xf32, #tpu.memory_space<hbm>>)
        } else {
        }
        %get3A_183 = arith.constant 1 : i32
        %get3A_184 = arith.index_cast %get3A_183 : i32 to index
        %get3A_185 = memref.load %arg24[%get3A_184] : memref<2xi32, #tpu.memory_space<smem>>
        %add3A_186 = arith.constant 16 : i32
        %add3A_187 = arith.addi %get3A_185, %add3A_186 : i32
        %sub3A_188 = arith.constant 1 : i32
        %sub3A_189 = arith.subi %add3A_187, %sub3A_188 : i32
        %jit3A_190 = arith.constant 16 : i32
        %div3A_191 = arith.divsi %sub3A_189, %jit3A_190 : i32
        %sign3A_192 = arith.constant 0 : i32
        %sign3A_193 = arith.cmpi sgt, %sub3A_189, %sign3A_192 : i32
        %sign3A_194 = arith.extui %sign3A_193 : i1 to i32
        %sign3A_195 = arith.constant 0 : i32
        %sign3A_196 = arith.cmpi slt, %sub3A_189, %sign3A_195 : i32
        %sign3A_197 = arith.extui %sign3A_196 : i1 to i32
        %sign3A_198 = arith.subi %sign3A_194, %sign3A_197 : i32
        %sign3A_199 = arith.constant 0 : i32
        %sign3A_200 = arith.cmpi sgt, %jit3A_190, %sign3A_199 : i32
        %sign3A_201 = arith.extui %sign3A_200 : i1 to i32
        %sign3A_202 = arith.constant 0 : i32
        %sign3A_203 = arith.cmpi slt, %jit3A_190, %sign3A_202 : i32
        %sign3A_204 = arith.extui %sign3A_203 : i1 to i32
        %sign3A_205 = arith.subi %sign3A_201, %sign3A_204 : i32
        %ne3A_206 = arith.cmpi ne, %sign3A_198, %sign3A_205 : i32
        %rem3A_207 = arith.remsi %sub3A_189, %jit3A_190 : i32
        %ne3A_208 = arith.constant 0 : i32
        %ne3A_209 = arith.cmpi ne, %rem3A_207, %ne3A_208 : i32
        %and3A_210 = arith.andi %ne3A_206, %ne3A_209 : i1
        %sub3A_211 = arith.constant 1 : i32
        %sub3A_212 = arith.subi %div3A_191, %sub3A_211 : i32
        %select_n3A_213 = arith.select %and3A_210, %sub3A_212, %div3A_191 : i32
        %parallel_loop3A_214 = arith.constant 0 : i32
        %parallel_loop3A_215 = arith.constant 1 : i32
        scf.for %parallel_loop3A_296 = %parallel_loop3A_214 to %select_n3A_213 step %parallel_loop3A_215  : i32 {
          %parallel_loop3A_297 = arith.constant 16 : i32
          %parallel_loop3A_298 = arith.muli %parallel_loop3A_296, %parallel_loop3A_297 : i32
          %parallel_loop3A_299 = arith.subi %get3A_185, %parallel_loop3A_298 : i32
          %parallel_loop3A_300 = vector.broadcast %parallel_loop3A_299 : i32 to vector<16xi32>
          %parallel_loop3A_301 = arith.cmpi slt, %iota3A, %parallel_loop3A_300 : vector<16xi32>
          %parallel_loop3A_302 = arith.constant 16 : i32
          %parallel_loop3A_303 = arith.muli %parallel_loop3A_296, %parallel_loop3A_302 : i32
          %parallel_loop3A_304 = arith.index_cast %parallel_loop3A_303 : i32 to index
          %parallel_loop3A_305 = tpu.vector_load %arg17[%parallel_loop3A_304] {strides = array<i32>} : memref<1280xi32, #tpu.memory_space<vmem>>, vector<16xi32>,
          %parallel_loop3A_306 = arith.constant 11 : i32
          %parallel_loop3A_307 = vector.broadcast %parallel_loop3A_306 : i32 to vector<16xi32>
          %parallel_loop3A_308 = arith.shrui %parallel_loop3A_305, %parallel_loop3A_307 : vector<16xi32>
          %parallel_loop3A_309 = arith.constant 2047 : i32
          %parallel_loop3A_310 = vector.broadcast %parallel_loop3A_309 : i32 to vector<16xi32>
          %parallel_loop3A_311 = arith.andi %parallel_loop3A_305, %parallel_loop3A_310 : vector<16xi32>
          %parallel_loop3A_312 = vector.broadcast %sub3A_178 : i32 to vector<16xi32>
          %parallel_loop3A_313 = arith.subi %parallel_loop3A_308, %parallel_loop3A_312 : vector<16xi32>
          %parallel_loop3A_314 = arith.constant 0 : i32
          %parallel_loop3A_315 = vector.broadcast %parallel_loop3A_314 : i32 to vector<16xi32>
          %parallel_loop3A_316 = arith.cmpi sge, %parallel_loop3A_313, %parallel_loop3A_315 : vector<16xi32>
          %parallel_loop3A_317 = arith.andi %parallel_loop3A_301, %parallel_loop3A_316 : vector<16xi1>
          %parallel_loop3A_318 = arith.constant 4 : i32
          %parallel_loop3A_319 = vector.broadcast %parallel_loop3A_318 : i32 to vector<16xi32>
          %parallel_loop3A_320 = arith.cmpi slt, %parallel_loop3A_313, %parallel_loop3A_319 : vector<16xi32>
          %parallel_loop3A_321 = arith.andi %parallel_loop3A_317, %parallel_loop3A_320 : vector<16xi1>
          %parallel_loop3A_322 = arith.constant 0 : i32
          %parallel_loop3A_323 = vector.broadcast %parallel_loop3A_322 : i32 to vector<16xi32>
          %parallel_loop3A_324 = arith.select %parallel_loop3A_321, %parallel_loop3A_313, %parallel_loop3A_323 : vector<16xi1>, vector<16xi32>
          tpu.vector_store_idx %arg21[%parallel_loop3A_324, %parallel_loop3A_311], %broadcast_in_dim3A_1 masked %parallel_loop3A_321 : memref<4x2048xf32, #tpu.memory_space<vmem>>[vector<16xi32>, vector<16xi32>], vector<16xf32>, vector<16xi1>
          tpu.vector_store_idx %arg23[%parallel_loop3A_324, %parallel_loop3A_311], %broadcast_in_dim3A_1 masked %parallel_loop3A_321 : memref<4x2048xf32, #tpu.memory_space<vmem>>[vector<16xi32>, vector<16xi32>], vector<16xf32>, vector<16xi1>
          %parallel_loop3A_325 = arith.constant -1 : i32
          %parallel_loop3A_326 = vector.broadcast %parallel_loop3A_325 : i32 to vector<16xi32>
          %parallel_loop3A_327 = arith.addi %parallel_loop3A_313, %parallel_loop3A_326 : vector<16xi32>
          %parallel_loop3A_328 = arith.constant 0 : i32
          %parallel_loop3A_329 = vector.broadcast %parallel_loop3A_328 : i32 to vector<16xi32>
          %parallel_loop3A_330 = arith.cmpi sge, %parallel_loop3A_327, %parallel_loop3A_329 : vector<16xi32>
          %parallel_loop3A_331 = arith.andi %parallel_loop3A_301, %parallel_loop3A_330 : vector<16xi1>
          %parallel_loop3A_332 = arith.constant 4 : i32
          %parallel_loop3A_333 = vector.broadcast %parallel_loop3A_332 : i32 to vector<16xi32>
          %parallel_loop3A_334 = arith.cmpi slt, %parallel_loop3A_327, %parallel_loop3A_333 : vector<16xi32>
          %parallel_loop3A_335 = arith.andi %parallel_loop3A_331, %parallel_loop3A_334 : vector<16xi1>
          %parallel_loop3A_336 = arith.constant 0 : i32
          %parallel_loop3A_337 = vector.broadcast %parallel_loop3A_336 : i32 to vector<16xi32>
          %parallel_loop3A_338 = arith.select %parallel_loop3A_335, %parallel_loop3A_327, %parallel_loop3A_337 : vector<16xi1>, vector<16xi32>
          %parallel_loop3A_339 = arith.constant -1 : i32
          %parallel_loop3A_340 = vector.broadcast %parallel_loop3A_339 : i32 to vector<16xi32>
          %parallel_loop3A_341 = arith.addi %parallel_loop3A_311, %parallel_loop3A_340 : vector<16xi32>
          %parallel_loop3A_342 = arith.constant 0 : i32
          %parallel_loop3A_343 = arith.constant 2047 : i32
          %parallel_loop3A_344 = vector.broadcast %parallel_loop3A_342 : i32 to vector<16xi32>
          %parallel_loop3A_345 = arith.maxsi %parallel_loop3A_344, %parallel_loop3A_341 : vector<16xi32>
          %parallel_loop3A_346 = vector.broadcast %parallel_loop3A_343 : i32 to vector<16xi32>
          %parallel_loop3A_347 = arith.minsi %parallel_loop3A_346, %parallel_loop3A_345 : vector<16xi32>
          tpu.vector_store_idx %arg19[%parallel_loop3A_338, %parallel_loop3A_347], %broadcast_in_dim3A_1 masked %parallel_loop3A_335 : memref<4x2048xf32, #tpu.memory_space<vmem>>[vector<16xi32>, vector<16xi32>], vector<16xf32>, vector<16xi1>
          %parallel_loop3A_348 = arith.constant 0 : i32
          %parallel_loop3A_349 = vector.broadcast %parallel_loop3A_348 : i32 to vector<16xi32>
          %parallel_loop3A_350 = arith.addi %parallel_loop3A_311, %parallel_loop3A_349 : vector<16xi32>
          %parallel_loop3A_351 = arith.constant 0 : i32
          %parallel_loop3A_352 = arith.constant 2047 : i32
          %parallel_loop3A_353 = vector.broadcast %parallel_loop3A_351 : i32 to vector<16xi32>
          %parallel_loop3A_354 = arith.maxsi %parallel_loop3A_353, %parallel_loop3A_350 : vector<16xi32>
          %parallel_loop3A_355 = vector.broadcast %parallel_loop3A_352 : i32 to vector<16xi32>
          %parallel_loop3A_356 = arith.minsi %parallel_loop3A_355, %parallel_loop3A_354 : vector<16xi32>
          tpu.vector_store_idx %arg19[%parallel_loop3A_338, %parallel_loop3A_356], %broadcast_in_dim3A_1 masked %parallel_loop3A_335 : memref<4x2048xf32, #tpu.memory_space<vmem>>[vector<16xi32>, vector<16xi32>], vector<16xf32>, vector<16xi1>
          %parallel_loop3A_357 = arith.constant 1 : i32
          %parallel_loop3A_358 = vector.broadcast %parallel_loop3A_357 : i32 to vector<16xi32>
          %parallel_loop3A_359 = arith.addi %parallel_loop3A_311, %parallel_loop3A_358 : vector<16xi32>
          %parallel_loop3A_360 = arith.constant 0 : i32
          %parallel_loop3A_361 = arith.constant 2047 : i32
          %parallel_loop3A_362 = vector.broadcast %parallel_loop3A_360 : i32 to vector<16xi32>
          %parallel_loop3A_363 = arith.maxsi %parallel_loop3A_362, %parallel_loop3A_359 : vector<16xi32>
          %parallel_loop3A_364 = vector.broadcast %parallel_loop3A_361 : i32 to vector<16xi32>
          %parallel_loop3A_365 = arith.minsi %parallel_loop3A_364, %parallel_loop3A_363 : vector<16xi32>
          tpu.vector_store_idx %arg19[%parallel_loop3A_338, %parallel_loop3A_365], %broadcast_in_dim3A_1 masked %parallel_loop3A_335 : memref<4x2048xf32, #tpu.memory_space<vmem>>[vector<16xi32>, vector<16xi32>], vector<16xf32>, vector<16xi1>
          %parallel_loop3A_366 = arith.constant 0 : i32
          %parallel_loop3A_367 = vector.broadcast %parallel_loop3A_366 : i32 to vector<16xi32>
          %parallel_loop3A_368 = arith.addi %parallel_loop3A_313, %parallel_loop3A_367 : vector<16xi32>
          %parallel_loop3A_369 = arith.constant 0 : i32
          %parallel_loop3A_370 = vector.broadcast %parallel_loop3A_369 : i32 to vector<16xi32>
          %parallel_loop3A_371 = arith.cmpi sge, %parallel_loop3A_368, %parallel_loop3A_370 : vector<16xi32>
          %parallel_loop3A_372 = arith.andi %parallel_loop3A_301, %parallel_loop3A_371 : vector<16xi1>
          %parallel_loop3A_373 = arith.constant 4 : i32
          %parallel_loop3A_374 = vector.broadcast %parallel_loop3A_373 : i32 to vector<16xi32>
          %parallel_loop3A_375 = arith.cmpi slt, %parallel_loop3A_368, %parallel_loop3A_374 : vector<16xi32>
          %parallel_loop3A_376 = arith.andi %parallel_loop3A_372, %parallel_loop3A_375 : vector<16xi1>
          %parallel_loop3A_377 = arith.constant 0 : i32
          %parallel_loop3A_378 = vector.broadcast %parallel_loop3A_377 : i32 to vector<16xi32>
          %parallel_loop3A_379 = arith.select %parallel_loop3A_376, %parallel_loop3A_368, %parallel_loop3A_378 : vector<16xi1>, vector<16xi32>
          %parallel_loop3A_380 = arith.constant -1 : i32
          %parallel_loop3A_381 = vector.broadcast %parallel_loop3A_380 : i32 to vector<16xi32>
          %parallel_loop3A_382 = arith.addi %parallel_loop3A_311, %parallel_loop3A_381 : vector<16xi32>
          %parallel_loop3A_383 = arith.constant 0 : i32
          %parallel_loop3A_384 = arith.constant 2047 : i32
          %parallel_loop3A_385 = vector.broadcast %parallel_loop3A_383 : i32 to vector<16xi32>
          %parallel_loop3A_386 = arith.maxsi %parallel_loop3A_385, %parallel_loop3A_382 : vector<16xi32>
          %parallel_loop3A_387 = vector.broadcast %parallel_loop3A_384 : i32 to vector<16xi32>
          %parallel_loop3A_388 = arith.minsi %parallel_loop3A_387, %parallel_loop3A_386 : vector<16xi32>
          tpu.vector_store_idx %arg19[%parallel_loop3A_379, %parallel_loop3A_388], %broadcast_in_dim3A_1 masked %parallel_loop3A_376 : memref<4x2048xf32, #tpu.memory_space<vmem>>[vector<16xi32>, vector<16xi32>], vector<16xf32>, vector<16xi1>
          %parallel_loop3A_389 = arith.constant 0 : i32
          %parallel_loop3A_390 = vector.broadcast %parallel_loop3A_389 : i32 to vector<16xi32>
          %parallel_loop3A_391 = arith.addi %parallel_loop3A_311, %parallel_loop3A_390 : vector<16xi32>
          %parallel_loop3A_392 = arith.constant 0 : i32
          %parallel_loop3A_393 = arith.constant 2047 : i32
          %parallel_loop3A_394 = vector.broadcast %parallel_loop3A_392 : i32 to vector<16xi32>
          %parallel_loop3A_395 = arith.maxsi %parallel_loop3A_394, %parallel_loop3A_391 : vector<16xi32>
          %parallel_loop3A_396 = vector.broadcast %parallel_loop3A_393 : i32 to vector<16xi32>
          %parallel_loop3A_397 = arith.minsi %parallel_loop3A_396, %parallel_loop3A_395 : vector<16xi32>
          tpu.vector_store_idx %arg19[%parallel_loop3A_379, %parallel_loop3A_397], %broadcast_in_dim3A_1 masked %parallel_loop3A_376 : memref<4x2048xf32, #tpu.memory_space<vmem>>[vector<16xi32>, vector<16xi32>], vector<16xf32>, vector<16xi1>
          %parallel_loop3A_398 = arith.constant 1 : i32
          %parallel_loop3A_399 = vector.broadcast %parallel_loop3A_398 : i32 to vector<16xi32>
          %parallel_loop3A_400 = arith.addi %parallel_loop3A_311, %parallel_loop3A_399 : vector<16xi32>
          %parallel_loop3A_401 = arith.constant 0 : i32
          %parallel_loop3A_402 = arith.constant 2047 : i32
          %parallel_loop3A_403 = vector.broadcast %parallel_loop3A_401 : i32 to vector<16xi32>
          %parallel_loop3A_404 = arith.maxsi %parallel_loop3A_403, %parallel_loop3A_400 : vector<16xi32>
          %parallel_loop3A_405 = vector.broadcast %parallel_loop3A_402 : i32 to vector<16xi32>
          %parallel_loop3A_406 = arith.minsi %parallel_loop3A_405, %parallel_loop3A_404 : vector<16xi32>
          tpu.vector_store_idx %arg19[%parallel_loop3A_379, %parallel_loop3A_406], %broadcast_in_dim3A_1 masked %parallel_loop3A_376 : memref<4x2048xf32, #tpu.memory_space<vmem>>[vector<16xi32>, vector<16xi32>], vector<16xf32>, vector<16xi1>
          %parallel_loop3A_407 = arith.constant 1 : i32
          %parallel_loop3A_408 = vector.broadcast %parallel_loop3A_407 : i32 to vector<16xi32>
          %parallel_loop3A_409 = arith.addi %parallel_loop3A_313, %parallel_loop3A_408 : vector<16xi32>
          %parallel_loop3A_410 = arith.constant 0 : i32
          %parallel_loop3A_411 = vector.broadcast %parallel_loop3A_410 : i32 to vector<16xi32>
          %parallel_loop3A_412 = arith.cmpi sge, %parallel_loop3A_409, %parallel_loop3A_411 : vector<16xi32>
          %parallel_loop3A_413 = arith.andi %parallel_loop3A_301, %parallel_loop3A_412 : vector<16xi1>
          %parallel_loop3A_414 = arith.constant 4 : i32
          %parallel_loop3A_415 = vector.broadcast %parallel_loop3A_414 : i32 to vector<16xi32>
          %parallel_loop3A_416 = arith.cmpi slt, %parallel_loop3A_409, %parallel_loop3A_415 : vector<16xi32>
          %parallel_loop3A_417 = arith.andi %parallel_loop3A_413, %parallel_loop3A_416 : vector<16xi1>
          %parallel_loop3A_418 = arith.constant 0 : i32
          %parallel_loop3A_419 = vector.broadcast %parallel_loop3A_418 : i32 to vector<16xi32>
          %parallel_loop3A_420 = arith.select %parallel_loop3A_417, %parallel_loop3A_409, %parallel_loop3A_419 : vector<16xi1>, vector<16xi32>
          %parallel_loop3A_421 = arith.constant -1 : i32
          %parallel_loop3A_422 = vector.broadcast %parallel_loop3A_421 : i32 to vector<16xi32>
          %parallel_loop3A_423 = arith.addi %parallel_loop3A_311, %parallel_loop3A_422 : vector<16xi32>
          %parallel_loop3A_424 = arith.constant 0 : i32
          %parallel_loop3A_425 = arith.constant 2047 : i32
          %parallel_loop3A_426 = vector.broadcast %parallel_loop3A_424 : i32 to vector<16xi32>
          %parallel_loop3A_427 = arith.maxsi %parallel_loop3A_426, %parallel_loop3A_423 : vector<16xi32>
          %parallel_loop3A_428 = vector.broadcast %parallel_loop3A_425 : i32 to vector<16xi32>
          %parallel_loop3A_429 = arith.minsi %parallel_loop3A_428, %parallel_loop3A_427 : vector<16xi32>
          tpu.vector_store_idx %arg19[%parallel_loop3A_420, %parallel_loop3A_429], %broadcast_in_dim3A_1 masked %parallel_loop3A_417 : memref<4x2048xf32, #tpu.memory_space<vmem>>[vector<16xi32>, vector<16xi32>], vector<16xf32>, vector<16xi1>
          %parallel_loop3A_430 = arith.constant 0 : i32
          %parallel_loop3A_431 = vector.broadcast %parallel_loop3A_430 : i32 to vector<16xi32>
          %parallel_loop3A_432 = arith.addi %parallel_loop3A_311, %parallel_loop3A_431 : vector<16xi32>
          %parallel_loop3A_433 = arith.constant 0 : i32
          %parallel_loop3A_434 = arith.constant 2047 : i32
          %parallel_loop3A_435 = vector.broadcast %parallel_loop3A_433 : i32 to vector<16xi32>
          %parallel_loop3A_436 = arith.maxsi %parallel_loop3A_435, %parallel_loop3A_432 : vector<16xi32>
          %parallel_loop3A_437 = vector.broadcast %parallel_loop3A_434 : i32 to vector<16xi32>
          %parallel_loop3A_438 = arith.minsi %parallel_loop3A_437, %parallel_loop3A_436 : vector<16xi32>
          tpu.vector_store_idx %arg19[%parallel_loop3A_420, %parallel_loop3A_438], %broadcast_in_dim3A_1 masked %parallel_loop3A_417 : memref<4x2048xf32, #tpu.memory_space<vmem>>[vector<16xi32>, vector<16xi32>], vector<16xf32>, vector<16xi1>
          %parallel_loop3A_439 = arith.constant 1 : i32
          %parallel_loop3A_440 = vector.broadcast %parallel_loop3A_439 : i32 to vector<16xi32>
          %parallel_loop3A_441 = arith.addi %parallel_loop3A_311, %parallel_loop3A_440 : vector<16xi32>
          %parallel_loop3A_442 = arith.constant 0 : i32
          %parallel_loop3A_443 = arith.constant 2047 : i32
          %parallel_loop3A_444 = vector.broadcast %parallel_loop3A_442 : i32 to vector<16xi32>
          %parallel_loop3A_445 = arith.maxsi %parallel_loop3A_444, %parallel_loop3A_441 : vector<16xi32>
          %parallel_loop3A_446 = vector.broadcast %parallel_loop3A_443 : i32 to vector<16xi32>
          %parallel_loop3A_447 = arith.minsi %parallel_loop3A_446, %parallel_loop3A_445 : vector<16xi32>
          tpu.vector_store_idx %arg19[%parallel_loop3A_420, %parallel_loop3A_447], %broadcast_in_dim3A_1 masked %parallel_loop3A_417 : memref<4x2048xf32, #tpu.memory_space<vmem>>[vector<16xi32>, vector<16xi32>], vector<16xf32>, vector<16xi1>
        } {sc.loop_unroll_factor = 2 : i64, sc.parallel_access}
        %sub3A_216 = arith.constant 1 : i32
        %sub3A_217 = arith.subi %add3A_176, %sub3A_216 : i32
        %mul3A_218 = arith.constant 2048 : i32
        %mul3A_219 = arith.muli %sub3A_217, %mul3A_218 : i32
        %add3A_220 = arith.constant 4 : i32
        %add3A_221 = arith.addi %add3A_176, %add3A_220 : i32
        %add3A_222 = arith.constant 1 : i32
        %add3A_223 = arith.addi %add3A_221, %add3A_222 : i32
        %mul3A_224 = arith.constant 2048 : i32
        %mul3A_225 = arith.muli %add3A_223, %mul3A_224 : i32
        %broadcast_in_dim3A_226 = arith.constant 0 : i32
        %broadcast_in_dim3A_227 = vector.broadcast %broadcast_in_dim3A_226 : i32 to vector<16xi32>
        %parallel_loop3A_228 = arith.constant 0 : i32
        %parallel_loop3A_229 = arith.constant 1 : i32
        %parallel_loop3A_230 = scf.for %parallel_loop3A_296 = %parallel_loop3A_228 to %select_n3A step %parallel_loop3A_229 iter_args(%parallel_loop3A_297 = %broadcast_in_dim3A_227) -> (vector<16xi32>)  : i32 {
          %parallel_loop3A_298 = arith.constant 16 : i32
          %parallel_loop3A_299 = arith.muli %parallel_loop3A_296, %parallel_loop3A_298 : i32
          %parallel_loop3A_300 = arith.subi %reduce_max3A_34, %parallel_loop3A_299 : i32
          %parallel_loop3A_301 = vector.broadcast %parallel_loop3A_300 : i32 to vector<16xi32>
          %parallel_loop3A_302 = arith.cmpi slt, %iota3A, %parallel_loop3A_301 : vector<16xi32>
          %parallel_loop3A_303 = arith.constant 16 : i32
          %parallel_loop3A_304 = arith.muli %parallel_loop3A_296, %parallel_loop3A_303 : i32
          %parallel_loop3A_305 = arith.index_cast %parallel_loop3A_304 : i32 to index
          %parallel_loop3A_306 = tpu.vector_load %arg12[%parallel_loop3A_305] {strides = array<i32>} : memref<1280xi32, #tpu.memory_space<vmem>>, vector<16xi32>,
          %parallel_loop3A_307 = vector.broadcast %mul3A_219 : i32 to vector<16xi32>
          %parallel_loop3A_308 = arith.cmpi sge, %parallel_loop3A_306, %parallel_loop3A_307 : vector<16xi32>
          %parallel_loop3A_309 = arith.andi %parallel_loop3A_302, %parallel_loop3A_308 : vector<16xi1>
          %parallel_loop3A_310 = vector.broadcast %mul3A_225 : i32 to vector<16xi32>
          %parallel_loop3A_311 = arith.cmpi slt, %parallel_loop3A_306, %parallel_loop3A_310 : vector<16xi32>
          %parallel_loop3A_312 = arith.andi %parallel_loop3A_309, %parallel_loop3A_311 : vector<16xi1>
          %parallel_loop3A_313 = arith.extui %parallel_loop3A_312 : vector<16xi1> to vector<16xi32>
          %parallel_loop3A_314 = arith.constant true
          %parallel_loop3A_315 = vector.broadcast %parallel_loop3A_314 : i1 to vector<16xi1>
          %parallel_loop3A_316 = tpu.scan <sum>, %parallel_loop3A_313 masked %parallel_loop3A_315 : vector<16xi32>, vector<16xi1> -> vector<16xi32>
          %parallel_loop3A_317 = arith.subi %parallel_loop3A_316, %parallel_loop3A_313 : vector<16xi32>
          %parallel_loop3A_318 = arith.addi %parallel_loop3A_297, %parallel_loop3A_317 : vector<16xi32>
          %parallel_loop3A_319 = arith.constant 1279 : i32
          %parallel_loop3A_320 = vector.broadcast %parallel_loop3A_319 : i32 to vector<16xi32>
          %parallel_loop3A_321 = arith.minsi %parallel_loop3A_318, %parallel_loop3A_320 : vector<16xi32>
          tpu.vector_store_idx %arg17[%parallel_loop3A_321], %parallel_loop3A_306 masked %parallel_loop3A_312 : memref<1280xi32, #tpu.memory_space<vmem>>[vector<16xi32>], vector<16xi32>, vector<16xi1>
          %parallel_loop3A_322 = arith.constant 16 : i32
          %parallel_loop3A_323 = arith.muli %parallel_loop3A_296, %parallel_loop3A_322 : i32
          %parallel_loop3A_324 = arith.index_cast %parallel_loop3A_323 : i32 to index
          %parallel_loop3A_325 = tpu.vector_load %arg13[%parallel_loop3A_324] {strides = array<i32>} : memref<1280xi32, #tpu.memory_space<vmem>>, vector<16xi32>,
          tpu.vector_store_idx %arg15[%parallel_loop3A_321], %parallel_loop3A_325 masked %parallel_loop3A_312 : memref<1280xi32, #tpu.memory_space<vmem>>[vector<16xi32>], vector<16xi32>, vector<16xi1>
          %parallel_loop3A_326 = tpu.all_reduce %parallel_loop3A_312 {dim = 0 : i64, kind = #tpu.reduction_kind<sum>} : vector<16xi1> -> vector<16xi32>
          %parallel_loop3A_327 = arith.addi %parallel_loop3A_297, %parallel_loop3A_326 : vector<16xi32>
          scf.yield %parallel_loop3A_327 : vector<16xi32>
        } {sc.loop_unroll_factor = 2 : i64, sc.parallel_access}
        %reduce_max3A_231 = arith.constant true
        %reduce_max3A_232 = vector.broadcast %reduce_max3A_231 : i1 to vector<16xi1>
        %reduce_max3A_233 = arith.constant -2147483648 : i32
        %reduce_max3A_234 = vector.broadcast %reduce_max3A_233 : i32 to vector<16xi32>
        %reduce_max3A_235 = arith.xori %parallel_loop3A_230, %reduce_max3A_234 : vector<16xi32>
        %reduce_max3A_236 = tpu.scan <max>, %reduce_max3A_235 masked %reduce_max3A_232 : vector<16xi32>, vector<16xi1> -> vector<16xi32>
        %reduce_max3A_237 = arith.xori %reduce_max3A_236, %reduce_max3A_234 : vector<16xi32>
        %reduce_max3A_238 = vector.extract %reduce_max3A_237[15] : i32 from vector<16xi32>
        %swap3A_239 = arith.constant 1 : i32
        %swap3A_240 = arith.index_cast %swap3A_239 : i32 to index
        %swap3A_241 = memref.load %arg24[%swap3A_240] : memref<2xi32, #tpu.memory_space<smem>>
        memref.store %reduce_max3A_238, %arg24[%swap3A_240] : memref<2xi32, #tpu.memory_space<smem>>
        %add3A_242 = arith.constant 16 : i32
        %add3A_243 = arith.addi %reduce_max3A_238, %add3A_242 : i32
        %sub3A_244 = arith.constant 1 : i32
        %sub3A_245 = arith.subi %add3A_243, %sub3A_244 : i32
        %jit3A_246 = arith.constant 16 : i32
        %div3A_247 = arith.divsi %sub3A_245, %jit3A_246 : i32
        %sign3A_248 = arith.constant 0 : i32
        %sign3A_249 = arith.cmpi sgt, %sub3A_245, %sign3A_248 : i32
        %sign3A_250 = arith.extui %sign3A_249 : i1 to i32
        %sign3A_251 = arith.constant 0 : i32
        %sign3A_252 = arith.cmpi slt, %sub3A_245, %sign3A_251 : i32
        %sign3A_253 = arith.extui %sign3A_252 : i1 to i32
        %sign3A_254 = arith.subi %sign3A_250, %sign3A_253 : i32
        %sign3A_255 = arith.constant 0 : i32
        %sign3A_256 = arith.cmpi sgt, %jit3A_246, %sign3A_255 : i32
        %sign3A_257 = arith.extui %sign3A_256 : i1 to i32
        %sign3A_258 = arith.constant 0 : i32
        %sign3A_259 = arith.cmpi slt, %jit3A_246, %sign3A_258 : i32
        %sign3A_260 = arith.extui %sign3A_259 : i1 to i32
        %sign3A_261 = arith.subi %sign3A_257, %sign3A_260 : i32
        %ne3A_262 = arith.cmpi ne, %sign3A_254, %sign3A_261 : i32
        %rem3A_263 = arith.remsi %sub3A_245, %jit3A_246 : i32
        %ne3A_264 = arith.constant 0 : i32
        %ne3A_265 = arith.cmpi ne, %rem3A_263, %ne3A_264 : i32
        %and3A_266 = arith.andi %ne3A_262, %ne3A_265 : i1
        %sub3A_267 = arith.constant 1 : i32
        %sub3A_268 = arith.subi %div3A_247, %sub3A_267 : i32
        %select_n3A_269 = arith.select %and3A_266, %sub3A_268, %div3A_247 : i32
        %while3A = arith.constant 0 : i32
        %while3A_270 = arith.constant 0 : i32
        %while3A_271 = arith.subi %select_n3A_269, %while3A_270 : i32
        %while3A_272 = arith.addi %while3A_270, %while3A_271 : i32
        %while3A_273 = arith.constant 1 : i32
        %while3A_274 = arith.divsi %while3A_271, %while3A_273 : i32
        %while3A_275 = arith.muli %while3A_274, %while3A_273 : i32
        %while3A_276 = arith.addi %while3A_270, %while3A_275 : i32
        %while3A_277 = arith.constant 1 : i32
        scf.for %while3A_296 = %while3A_270 to %while3A_276 step %while3A_277  : i32 {
          %mul3A_297 = arith.constant 16 : i32
          %mul3A_298 = arith.muli %while3A_296, %mul3A_297 : i32
          %sub3A_299 = arith.subi %reduce_max3A_238, %mul3A_298 : i32
          %lt3A_300 = vector.broadcast %sub3A_299 : i32 to vector<16xi32>
          %lt3A_301 = arith.cmpi slt, %iota3A, %lt3A_300 : vector<16xi32>
          %mul3A_302 = arith.constant 16 : i32
          %mul3A_303 = arith.muli %while3A_296, %mul3A_302 : i32
          %get3A_304 = arith.index_cast %mul3A_303 : i32 to index
          %get3A_305 = tpu.vector_load %arg17[%get3A_304] {strides = array<i32>} : memref<1280xi32, #tpu.memory_space<vmem>>, vector<16xi32>,
          %shift_right_logical3A = arith.constant 11 : i32
          %shift_right_logical3A_306 = vector.broadcast %shift_right_logical3A : i32 to vector<16xi32>
          %shift_right_logical3A_307 = arith.shrui %get3A_305, %shift_right_logical3A_306 : vector<16xi32>
          %and3A_308 = arith.constant 2047 : i32
          %and3A_309 = vector.broadcast %and3A_308 : i32 to vector<16xi32>
          %and3A_310 = arith.andi %get3A_305, %and3A_309 : vector<16xi32>
          %sub3A_311 = vector.broadcast %add3A_176 : i32 to vector<16xi32>
          %sub3A_312 = arith.subi %shift_right_logical3A_307, %sub3A_311 : vector<16xi32>
          %mul3A_313 = arith.constant 16 : i32
          %mul3A_314 = arith.muli %while3A_296, %mul3A_313 : i32
          %get3A_315 = arith.index_cast %mul3A_314 : i32 to index
          %get3A_316 = tpu.vector_load %arg15[%get3A_315] {strides = array<i32>} : memref<1280xi32, #tpu.memory_space<vmem>>, vector<16xi32>,
          %ge3A_317 = arith.constant 0 : i32
          %ge3A_318 = vector.broadcast %ge3A_317 : i32 to vector<16xi32>
          %ge3A_319 = arith.cmpi sge, %sub3A_312, %ge3A_318 : vector<16xi32>
          %and3A_320 = arith.andi %lt3A_301, %ge3A_319 : vector<16xi1>
          %lt3A_321 = arith.constant 4 : i32
          %lt3A_322 = vector.broadcast %lt3A_321 : i32 to vector<16xi32>
          %lt3A_323 = arith.cmpi slt, %sub3A_312, %lt3A_322 : vector<16xi32>
          %and3A_324 = arith.andi %and3A_320, %lt3A_323 : vector<16xi1>
          %jit3A_325 = arith.constant 0 : i32
          %broadcast_in_dim3A_326 = vector.broadcast %jit3A_325 : i32 to vector<16xi32>
          %select_n3A_327 = arith.select %and3A_324, %sub3A_312, %broadcast_in_dim3A_326 : vector<16xi1>, vector<16xi32>
          %gather3A = tpu.vector_load_idx %arg9[%get3A_316] masked %lt3A_301 : memref<20000xf32, #tpu.memory_space<vmem>>[vector<16xi32>], vector<16xf32>, vector<16xi1>
          tpu.vector_store_idx %arg21[%select_n3A_327, %and3A_310], %gather3A masked %and3A_324 : memref<4x2048xf32, #tpu.memory_space<vmem>>[vector<16xi32>, vector<16xi32>], vector<16xf32>, vector<16xi1>
          %gather3A_328 = tpu.vector_load_idx %arg10[%get3A_316] masked %lt3A_301 : memref<20000xf32, #tpu.memory_space<vmem>>[vector<16xi32>], vector<16xf32>, vector<16xi1>
          tpu.vector_store_idx %arg23[%select_n3A_327, %and3A_310], %gather3A_328 masked %and3A_324 : memref<4x2048xf32, #tpu.memory_space<vmem>>[vector<16xi32>, vector<16xi32>], vector<16xf32>, vector<16xi1>
          %ge3A_329 = arith.constant 1 : i32
          %ge3A_330 = vector.broadcast %ge3A_329 : i32 to vector<16xi32>
          %ge3A_331 = arith.cmpi sge, %and3A_310, %ge3A_330 : vector<16xi32>
          %and3A_332 = arith.andi %lt3A_301, %ge3A_331 : vector<16xi1>
          %le3A = arith.constant 2046 : i32
          %le3A_333 = vector.broadcast %le3A : i32 to vector<16xi32>
          %le3A_334 = arith.cmpi sle, %and3A_310, %le3A_333 : vector<16xi32>
          %and3A_335 = arith.andi %and3A_332, %le3A_334 : vector<16xi1>
          %ge3A_336 = arith.constant 1 : i32
          %ge3A_337 = vector.broadcast %ge3A_336 : i32 to vector<16xi32>
          %ge3A_338 = arith.cmpi sge, %shift_right_logical3A_307, %ge3A_337 : vector<16xi32>
          %and3A_339 = arith.andi %and3A_335, %ge3A_338 : vector<16xi1>
          %le3A_340 = arith.constant 2046 : i32
          %le3A_341 = vector.broadcast %le3A_340 : i32 to vector<16xi32>
          %le3A_342 = arith.cmpi sle, %shift_right_logical3A_307, %le3A_341 : vector<16xi32>
          %and3A_343 = arith.andi %and3A_339, %le3A_342 : vector<16xi1>
          %add3A_344 = arith.constant -1 : i32
          %add3A_345 = vector.broadcast %add3A_344 : i32 to vector<16xi32>
          %add3A_346 = arith.addi %sub3A_312, %add3A_345 : vector<16xi32>
          %ge3A_347 = arith.constant 0 : i32
          %ge3A_348 = vector.broadcast %ge3A_347 : i32 to vector<16xi32>
          %ge3A_349 = arith.cmpi sge, %add3A_346, %ge3A_348 : vector<16xi32>
          %and3A_350 = arith.andi %and3A_343, %ge3A_349 : vector<16xi1>
          %lt3A_351 = arith.constant 4 : i32
          %lt3A_352 = vector.broadcast %lt3A_351 : i32 to vector<16xi32>
          %lt3A_353 = arith.cmpi slt, %add3A_346, %lt3A_352 : vector<16xi32>
          %and3A_354 = arith.andi %and3A_350, %lt3A_353 : vector<16xi1>
          %jit3A_355 = arith.constant 0 : i32
          %broadcast_in_dim3A_356 = vector.broadcast %jit3A_355 : i32 to vector<16xi32>
          %select_n3A_357 = arith.select %and3A_354, %add3A_346, %broadcast_in_dim3A_356 : vector<16xi1>, vector<16xi32>
          %add3A_358 = arith.constant -1 : i32
          %add3A_359 = vector.broadcast %add3A_358 : i32 to vector<16xi32>
          %add3A_360 = arith.addi %and3A_310, %add3A_359 : vector<16xi32>
          %jit3A_361 = arith.constant 0 : i32
          %broadcast_in_dim3A_362 = vector.broadcast %jit3A_361 : i32 to vector<16xi32>
          %select_n3A_363 = arith.select %and3A_354, %add3A_360, %broadcast_in_dim3A_362 : vector<16xi1>, vector<16xi32>
          %gather3A_364 = tpu.vector_load_idx %arg19[%select_n3A_357, %select_n3A_363] masked %and3A_354 : memref<4x2048xf32, #tpu.memory_space<vmem>>[vector<16xi32>, vector<16xi32>], vector<16xf32>, vector<16xi1>
          %max3A = arith.maximumf %gather3A_364, %get3A_58 : vector<16xf32>
          tpu.vector_store_idx %arg19[%select_n3A_357, %select_n3A_363], %max3A masked %and3A_354 : memref<4x2048xf32, #tpu.memory_space<vmem>>[vector<16xi32>, vector<16xi32>], vector<16xf32>, vector<16xi1>
          %add3A_365 = arith.constant -1 : i32
          %add3A_366 = vector.broadcast %add3A_365 : i32 to vector<16xi32>
          %add3A_367 = arith.addi %sub3A_312, %add3A_366 : vector<16xi32>
          %ge3A_368 = arith.constant 0 : i32
          %ge3A_369 = vector.broadcast %ge3A_368 : i32 to vector<16xi32>
          %ge3A_370 = arith.cmpi sge, %add3A_367, %ge3A_369 : vector<16xi32>
          %and3A_371 = arith.andi %and3A_343, %ge3A_370 : vector<16xi1>
          %lt3A_372 = arith.constant 4 : i32
          %lt3A_373 = vector.broadcast %lt3A_372 : i32 to vector<16xi32>
          %lt3A_374 = arith.cmpi slt, %add3A_367, %lt3A_373 : vector<16xi32>
          %and3A_375 = arith.andi %and3A_371, %lt3A_374 : vector<16xi1>
          %jit3A_376 = arith.constant 0 : i32
          %broadcast_in_dim3A_377 = vector.broadcast %jit3A_376 : i32 to vector<16xi32>
          %select_n3A_378 = arith.select %and3A_375, %add3A_367, %broadcast_in_dim3A_377 : vector<16xi1>, vector<16xi32>
          %add3A_379 = arith.constant 0 : i32
          %add3A_380 = vector.broadcast %add3A_379 : i32 to vector<16xi32>
          %add3A_381 = arith.addi %and3A_310, %add3A_380 : vector<16xi32>
          %jit3A_382 = arith.constant 0 : i32
          %broadcast_in_dim3A_383 = vector.broadcast %jit3A_382 : i32 to vector<16xi32>
          %select_n3A_384 = arith.select %and3A_375, %add3A_381, %broadcast_in_dim3A_383 : vector<16xi1>, vector<16xi32>
          %gather3A_385 = tpu.vector_load_idx %arg19[%select_n3A_378, %select_n3A_384] masked %and3A_375 : memref<4x2048xf32, #tpu.memory_space<vmem>>[vector<16xi32>, vector<16xi32>], vector<16xf32>, vector<16xi1>
          %max3A_386 = arith.maximumf %gather3A_385, %get3A_62 : vector<16xf32>
          tpu.vector_store_idx %arg19[%select_n3A_378, %select_n3A_384], %max3A_386 masked %and3A_375 : memref<4x2048xf32, #tpu.memory_space<vmem>>[vector<16xi32>, vector<16xi32>], vector<16xf32>, vector<16xi1>
          %add3A_387 = arith.constant -1 : i32
          %add3A_388 = vector.broadcast %add3A_387 : i32 to vector<16xi32>
          %add3A_389 = arith.addi %sub3A_312, %add3A_388 : vector<16xi32>
          %ge3A_390 = arith.constant 0 : i32
          %ge3A_391 = vector.broadcast %ge3A_390 : i32 to vector<16xi32>
          %ge3A_392 = arith.cmpi sge, %add3A_389, %ge3A_391 : vector<16xi32>
          %and3A_393 = arith.andi %and3A_343, %ge3A_392 : vector<16xi1>
          %lt3A_394 = arith.constant 4 : i32
          %lt3A_395 = vector.broadcast %lt3A_394 : i32 to vector<16xi32>
          %lt3A_396 = arith.cmpi slt, %add3A_389, %lt3A_395 : vector<16xi32>
          %and3A_397 = arith.andi %and3A_393, %lt3A_396 : vector<16xi1>
          %jit3A_398 = arith.constant 0 : i32
          %broadcast_in_dim3A_399 = vector.broadcast %jit3A_398 : i32 to vector<16xi32>
          %select_n3A_400 = arith.select %and3A_397, %add3A_389, %broadcast_in_dim3A_399 : vector<16xi1>, vector<16xi32>
          %add3A_401 = arith.constant 1 : i32
          %add3A_402 = vector.broadcast %add3A_401 : i32 to vector<16xi32>
          %add3A_403 = arith.addi %and3A_310, %add3A_402 : vector<16xi32>
          %jit3A_404 = arith.constant 0 : i32
          %broadcast_in_dim3A_405 = vector.broadcast %jit3A_404 : i32 to vector<16xi32>
          %select_n3A_406 = arith.select %and3A_397, %add3A_403, %broadcast_in_dim3A_405 : vector<16xi1>, vector<16xi32>
          %gather3A_407 = tpu.vector_load_idx %arg19[%select_n3A_400, %select_n3A_406] masked %and3A_397 : memref<4x2048xf32, #tpu.memory_space<vmem>>[vector<16xi32>, vector<16xi32>], vector<16xf32>, vector<16xi1>
          %max3A_408 = arith.maximumf %gather3A_407, %get3A_66 : vector<16xf32>
          tpu.vector_store_idx %arg19[%select_n3A_400, %select_n3A_406], %max3A_408 masked %and3A_397 : memref<4x2048xf32, #tpu.memory_space<vmem>>[vector<16xi32>, vector<16xi32>], vector<16xf32>, vector<16xi1>
          %add3A_409 = arith.constant 0 : i32
          %add3A_410 = vector.broadcast %add3A_409 : i32 to vector<16xi32>
          %add3A_411 = arith.addi %sub3A_312, %add3A_410 : vector<16xi32>
          %ge3A_412 = arith.constant 0 : i32
          %ge3A_413 = vector.broadcast %ge3A_412 : i32 to vector<16xi32>
          %ge3A_414 = arith.cmpi sge, %add3A_411, %ge3A_413 : vector<16xi32>
          %and3A_415 = arith.andi %and3A_343, %ge3A_414 : vector<16xi1>
          %lt3A_416 = arith.constant 4 : i32
          %lt3A_417 = vector.broadcast %lt3A_416 : i32 to vector<16xi32>
          %lt3A_418 = arith.cmpi slt, %add3A_411, %lt3A_417 : vector<16xi32>
          %and3A_419 = arith.andi %and3A_415, %lt3A_418 : vector<16xi1>
          %jit3A_420 = arith.constant 0 : i32
          %broadcast_in_dim3A_421 = vector.broadcast %jit3A_420 : i32 to vector<16xi32>
          %select_n3A_422 = arith.select %and3A_419, %add3A_411, %broadcast_in_dim3A_421 : vector<16xi1>, vector<16xi32>
          %add3A_423 = arith.constant -1 : i32
          %add3A_424 = vector.broadcast %add3A_423 : i32 to vector<16xi32>
          %add3A_425 = arith.addi %and3A_310, %add3A_424 : vector<16xi32>
          %jit3A_426 = arith.constant 0 : i32
          %broadcast_in_dim3A_427 = vector.broadcast %jit3A_426 : i32 to vector<16xi32>
          %select_n3A_428 = arith.select %and3A_419, %add3A_425, %broadcast_in_dim3A_427 : vector<16xi1>, vector<16xi32>
          %gather3A_429 = tpu.vector_load_idx %arg19[%select_n3A_422, %select_n3A_428] masked %and3A_419 : memref<4x2048xf32, #tpu.memory_space<vmem>>[vector<16xi32>, vector<16xi32>], vector<16xf32>, vector<16xi1>
          %max3A_430 = arith.maximumf %gather3A_429, %get3A_70 : vector<16xf32>
          tpu.vector_store_idx %arg19[%select_n3A_422, %select_n3A_428], %max3A_430 masked %and3A_419 : memref<4x2048xf32, #tpu.memory_space<vmem>>[vector<16xi32>, vector<16xi32>], vector<16xf32>, vector<16xi1>
          %add3A_431 = arith.constant 0 : i32
          %add3A_432 = vector.broadcast %add3A_431 : i32 to vector<16xi32>
          %add3A_433 = arith.addi %sub3A_312, %add3A_432 : vector<16xi32>
          %ge3A_434 = arith.constant 0 : i32
          %ge3A_435 = vector.broadcast %ge3A_434 : i32 to vector<16xi32>
          %ge3A_436 = arith.cmpi sge, %add3A_433, %ge3A_435 : vector<16xi32>
          %and3A_437 = arith.andi %and3A_343, %ge3A_436 : vector<16xi1>
          %lt3A_438 = arith.constant 4 : i32
          %lt3A_439 = vector.broadcast %lt3A_438 : i32 to vector<16xi32>
          %lt3A_440 = arith.cmpi slt, %add3A_433, %lt3A_439 : vector<16xi32>
          %and3A_441 = arith.andi %and3A_437, %lt3A_440 : vector<16xi1>
          %jit3A_442 = arith.constant 0 : i32
          %broadcast_in_dim3A_443 = vector.broadcast %jit3A_442 : i32 to vector<16xi32>
          %select_n3A_444 = arith.select %and3A_441, %add3A_433, %broadcast_in_dim3A_443 : vector<16xi1>, vector<16xi32>
          %add3A_445 = arith.constant 0 : i32
          %add3A_446 = vector.broadcast %add3A_445 : i32 to vector<16xi32>
          %add3A_447 = arith.addi %and3A_310, %add3A_446 : vector<16xi32>
          %jit3A_448 = arith.constant 0 : i32
          %broadcast_in_dim3A_449 = vector.broadcast %jit3A_448 : i32 to vector<16xi32>
          %select_n3A_450 = arith.select %and3A_441, %add3A_447, %broadcast_in_dim3A_449 : vector<16xi1>, vector<16xi32>
          %gather3A_451 = tpu.vector_load_idx %arg19[%select_n3A_444, %select_n3A_450] masked %and3A_441 : memref<4x2048xf32, #tpu.memory_space<vmem>>[vector<16xi32>, vector<16xi32>], vector<16xf32>, vector<16xi1>
          %max3A_452 = arith.maximumf %gather3A_451, %get3A_74 : vector<16xf32>
          tpu.vector_store_idx %arg19[%select_n3A_444, %select_n3A_450], %max3A_452 masked %and3A_441 : memref<4x2048xf32, #tpu.memory_space<vmem>>[vector<16xi32>, vector<16xi32>], vector<16xf32>, vector<16xi1>
          %add3A_453 = arith.constant 0 : i32
          %add3A_454 = vector.broadcast %add3A_453 : i32 to vector<16xi32>
          %add3A_455 = arith.addi %sub3A_312, %add3A_454 : vector<16xi32>
          %ge3A_456 = arith.constant 0 : i32
          %ge3A_457 = vector.broadcast %ge3A_456 : i32 to vector<16xi32>
          %ge3A_458 = arith.cmpi sge, %add3A_455, %ge3A_457 : vector<16xi32>
          %and3A_459 = arith.andi %and3A_343, %ge3A_458 : vector<16xi1>
          %lt3A_460 = arith.constant 4 : i32
          %lt3A_461 = vector.broadcast %lt3A_460 : i32 to vector<16xi32>
          %lt3A_462 = arith.cmpi slt, %add3A_455, %lt3A_461 : vector<16xi32>
          %and3A_463 = arith.andi %and3A_459, %lt3A_462 : vector<16xi1>
          %jit3A_464 = arith.constant 0 : i32
          %broadcast_in_dim3A_465 = vector.broadcast %jit3A_464 : i32 to vector<16xi32>
          %select_n3A_466 = arith.select %and3A_463, %add3A_455, %broadcast_in_dim3A_465 : vector<16xi1>, vector<16xi32>
          %add3A_467 = arith.constant 1 : i32
          %add3A_468 = vector.broadcast %add3A_467 : i32 to vector<16xi32>
          %add3A_469 = arith.addi %and3A_310, %add3A_468 : vector<16xi32>
          %jit3A_470 = arith.constant 0 : i32
          %broadcast_in_dim3A_471 = vector.broadcast %jit3A_470 : i32 to vector<16xi32>
          %select_n3A_472 = arith.select %and3A_463, %add3A_469, %broadcast_in_dim3A_471 : vector<16xi1>, vector<16xi32>
          %gather3A_473 = tpu.vector_load_idx %arg19[%select_n3A_466, %select_n3A_472] masked %and3A_463 : memref<4x2048xf32, #tpu.memory_space<vmem>>[vector<16xi32>, vector<16xi32>], vector<16xf32>, vector<16xi1>
          %max3A_474 = arith.maximumf %gather3A_473, %get3A_78 : vector<16xf32>
          tpu.vector_store_idx %arg19[%select_n3A_466, %select_n3A_472], %max3A_474 masked %and3A_463 : memref<4x2048xf32, #tpu.memory_space<vmem>>[vector<16xi32>, vector<16xi32>], vector<16xf32>, vector<16xi1>
          %add3A_475 = arith.constant 1 : i32
          %add3A_476 = vector.broadcast %add3A_475 : i32 to vector<16xi32>
          %add3A_477 = arith.addi %sub3A_312, %add3A_476 : vector<16xi32>
          %ge3A_478 = arith.constant 0 : i32
          %ge3A_479 = vector.broadcast %ge3A_478 : i32 to vector<16xi32>
          %ge3A_480 = arith.cmpi sge, %add3A_477, %ge3A_479 : vector<16xi32>
          %and3A_481 = arith.andi %and3A_343, %ge3A_480 : vector<16xi1>
          %lt3A_482 = arith.constant 4 : i32
          %lt3A_483 = vector.broadcast %lt3A_482 : i32 to vector<16xi32>
          %lt3A_484 = arith.cmpi slt, %add3A_477, %lt3A_483 : vector<16xi32>
          %and3A_485 = arith.andi %and3A_481, %lt3A_484 : vector<16xi1>
          %jit3A_486 = arith.constant 0 : i32
          %broadcast_in_dim3A_487 = vector.broadcast %jit3A_486 : i32 to vector<16xi32>
          %select_n3A_488 = arith.select %and3A_485, %add3A_477, %broadcast_in_dim3A_487 : vector<16xi1>, vector<16xi32>
          %add3A_489 = arith.constant -1 : i32
          %add3A_490 = vector.broadcast %add3A_489 : i32 to vector<16xi32>
          %add3A_491 = arith.addi %and3A_310, %add3A_490 : vector<16xi32>
          %jit3A_492 = arith.constant 0 : i32
          %broadcast_in_dim3A_493 = vector.broadcast %jit3A_492 : i32 to vector<16xi32>
          %select_n3A_494 = arith.select %and3A_485, %add3A_491, %broadcast_in_dim3A_493 : vector<16xi1>, vector<16xi32>
          %gather3A_495 = tpu.vector_load_idx %arg19[%select_n3A_488, %select_n3A_494] masked %and3A_485 : memref<4x2048xf32, #tpu.memory_space<vmem>>[vector<16xi32>, vector<16xi32>], vector<16xf32>, vector<16xi1>
          %max3A_496 = arith.maximumf %gather3A_495, %get3A_82 : vector<16xf32>
          tpu.vector_store_idx %arg19[%select_n3A_488, %select_n3A_494], %max3A_496 masked %and3A_485 : memref<4x2048xf32, #tpu.memory_space<vmem>>[vector<16xi32>, vector<16xi32>], vector<16xf32>, vector<16xi1>
          %add3A_497 = arith.constant 1 : i32
          %add3A_498 = vector.broadcast %add3A_497 : i32 to vector<16xi32>
          %add3A_499 = arith.addi %sub3A_312, %add3A_498 : vector<16xi32>
          %ge3A_500 = arith.constant 0 : i32
          %ge3A_501 = vector.broadcast %ge3A_500 : i32 to vector<16xi32>
          %ge3A_502 = arith.cmpi sge, %add3A_499, %ge3A_501 : vector<16xi32>
          %and3A_503 = arith.andi %and3A_343, %ge3A_502 : vector<16xi1>
          %lt3A_504 = arith.constant 4 : i32
          %lt3A_505 = vector.broadcast %lt3A_504 : i32 to vector<16xi32>
          %lt3A_506 = arith.cmpi slt, %add3A_499, %lt3A_505 : vector<16xi32>
          %and3A_507 = arith.andi %and3A_503, %lt3A_506 : vector<16xi1>
          %jit3A_508 = arith.constant 0 : i32
          %broadcast_in_dim3A_509 = vector.broadcast %jit3A_508 : i32 to vector<16xi32>
          %select_n3A_510 = arith.select %and3A_507, %add3A_499, %broadcast_in_dim3A_509 : vector<16xi1>, vector<16xi32>
          %add3A_511 = arith.constant 0 : i32
          %add3A_512 = vector.broadcast %add3A_511 : i32 to vector<16xi32>
          %add3A_513 = arith.addi %and3A_310, %add3A_512 : vector<16xi32>
          %jit3A_514 = arith.constant 0 : i32
          %broadcast_in_dim3A_515 = vector.broadcast %jit3A_514 : i32 to vector<16xi32>
          %select_n3A_516 = arith.select %and3A_507, %add3A_513, %broadcast_in_dim3A_515 : vector<16xi1>, vector<16xi32>
          %gather3A_517 = tpu.vector_load_idx %arg19[%select_n3A_510, %select_n3A_516] masked %and3A_507 : memref<4x2048xf32, #tpu.memory_space<vmem>>[vector<16xi32>, vector<16xi32>], vector<16xf32>, vector<16xi1>
          %max3A_518 = arith.maximumf %gather3A_517, %get3A_86 : vector<16xf32>
          tpu.vector_store_idx %arg19[%select_n3A_510, %select_n3A_516], %max3A_518 masked %and3A_507 : memref<4x2048xf32, #tpu.memory_space<vmem>>[vector<16xi32>, vector<16xi32>], vector<16xf32>, vector<16xi1>
          %add3A_519 = arith.constant 1 : i32
          %add3A_520 = vector.broadcast %add3A_519 : i32 to vector<16xi32>
          %add3A_521 = arith.addi %sub3A_312, %add3A_520 : vector<16xi32>
          %ge3A_522 = arith.constant 0 : i32
          %ge3A_523 = vector.broadcast %ge3A_522 : i32 to vector<16xi32>
          %ge3A_524 = arith.cmpi sge, %add3A_521, %ge3A_523 : vector<16xi32>
          %and3A_525 = arith.andi %and3A_343, %ge3A_524 : vector<16xi1>
          %lt3A_526 = arith.constant 4 : i32
          %lt3A_527 = vector.broadcast %lt3A_526 : i32 to vector<16xi32>
          %lt3A_528 = arith.cmpi slt, %add3A_521, %lt3A_527 : vector<16xi32>
          %and3A_529 = arith.andi %and3A_525, %lt3A_528 : vector<16xi1>
          %jit3A_530 = arith.constant 0 : i32
          %broadcast_in_dim3A_531 = vector.broadcast %jit3A_530 : i32 to vector<16xi32>
          %select_n3A_532 = arith.select %and3A_529, %add3A_521, %broadcast_in_dim3A_531 : vector<16xi1>, vector<16xi32>
          %add3A_533 = arith.constant 1 : i32
          %add3A_534 = vector.broadcast %add3A_533 : i32 to vector<16xi32>
          %add3A_535 = arith.addi %and3A_310, %add3A_534 : vector<16xi32>
          %jit3A_536 = arith.constant 0 : i32
          %broadcast_in_dim3A_537 = vector.broadcast %jit3A_536 : i32 to vector<16xi32>
          %select_n3A_538 = arith.select %and3A_529, %add3A_535, %broadcast_in_dim3A_537 : vector<16xi1>, vector<16xi32>
          %gather3A_539 = tpu.vector_load_idx %arg19[%select_n3A_532, %select_n3A_538] masked %and3A_529 : memref<4x2048xf32, #tpu.memory_space<vmem>>[vector<16xi32>, vector<16xi32>], vector<16xf32>, vector<16xi1>
          %max3A_540 = arith.maximumf %gather3A_539, %get3A_90 : vector<16xf32>
          tpu.vector_store_idx %arg19[%select_n3A_532, %select_n3A_538], %max3A_540 masked %and3A_529 : memref<4x2048xf32, #tpu.memory_space<vmem>>[vector<16xi32>, vector<16xi32>], vector<16xf32>, vector<16xi1>
        }
        %while3A_278 = arith.constant 1 : i32
        scf.for %while3A_296 = %while3A_276 to %while3A_272 step %while3A_278  : i32 {
          %mul3A_297 = arith.constant 16 : i32
          %mul3A_298 = arith.muli %while3A_296, %mul3A_297 : i32
          %sub3A_299 = arith.subi %reduce_max3A_238, %mul3A_298 : i32
          %lt3A_300 = vector.broadcast %sub3A_299 : i32 to vector<16xi32>
          %lt3A_301 = arith.cmpi slt, %iota3A, %lt3A_300 : vector<16xi32>
          %mul3A_302 = arith.constant 16 : i32
          %mul3A_303 = arith.muli %while3A_296, %mul3A_302 : i32
          %get3A_304 = arith.index_cast %mul3A_303 : i32 to index
          %get3A_305 = tpu.vector_load %arg17[%get3A_304] {strides = array<i32>} : memref<1280xi32, #tpu.memory_space<vmem>>, vector<16xi32>,
          %shift_right_logical3A = arith.constant 11 : i32
          %shift_right_logical3A_306 = vector.broadcast %shift_right_logical3A : i32 to vector<16xi32>
          %shift_right_logical3A_307 = arith.shrui %get3A_305, %shift_right_logical3A_306 : vector<16xi32>
          %and3A_308 = arith.constant 2047 : i32
          %and3A_309 = vector.broadcast %and3A_308 : i32 to vector<16xi32>
          %and3A_310 = arith.andi %get3A_305, %and3A_309 : vector<16xi32>
          %sub3A_311 = vector.broadcast %add3A_176 : i32 to vector<16xi32>
          %sub3A_312 = arith.subi %shift_right_logical3A_307, %sub3A_311 : vector<16xi32>
          %mul3A_313 = arith.constant 16 : i32
          %mul3A_314 = arith.muli %while3A_296, %mul3A_313 : i32
          %get3A_315 = arith.index_cast %mul3A_314 : i32 to index
          %get3A_316 = tpu.vector_load %arg15[%get3A_315] {strides = array<i32>} : memref<1280xi32, #tpu.memory_space<vmem>>, vector<16xi32>,
          %ge3A_317 = arith.constant 0 : i32
          %ge3A_318 = vector.broadcast %ge3A_317 : i32 to vector<16xi32>
          %ge3A_319 = arith.cmpi sge, %sub3A_312, %ge3A_318 : vector<16xi32>
          %and3A_320 = arith.andi %lt3A_301, %ge3A_319 : vector<16xi1>
          %lt3A_321 = arith.constant 4 : i32
          %lt3A_322 = vector.broadcast %lt3A_321 : i32 to vector<16xi32>
          %lt3A_323 = arith.cmpi slt, %sub3A_312, %lt3A_322 : vector<16xi32>
          %and3A_324 = arith.andi %and3A_320, %lt3A_323 : vector<16xi1>
          %jit3A_325 = arith.constant 0 : i32
          %broadcast_in_dim3A_326 = vector.broadcast %jit3A_325 : i32 to vector<16xi32>
          %select_n3A_327 = arith.select %and3A_324, %sub3A_312, %broadcast_in_dim3A_326 : vector<16xi1>, vector<16xi32>
          %gather3A = tpu.vector_load_idx %arg9[%get3A_316] masked %lt3A_301 : memref<20000xf32, #tpu.memory_space<vmem>>[vector<16xi32>], vector<16xf32>, vector<16xi1>
          tpu.vector_store_idx %arg21[%select_n3A_327, %and3A_310], %gather3A masked %and3A_324 : memref<4x2048xf32, #tpu.memory_space<vmem>>[vector<16xi32>, vector<16xi32>], vector<16xf32>, vector<16xi1>
          %gather3A_328 = tpu.vector_load_idx %arg10[%get3A_316] masked %lt3A_301 : memref<20000xf32, #tpu.memory_space<vmem>>[vector<16xi32>], vector<16xf32>, vector<16xi1>
          tpu.vector_store_idx %arg23[%select_n3A_327, %and3A_310], %gather3A_328 masked %and3A_324 : memref<4x2048xf32, #tpu.memory_space<vmem>>[vector<16xi32>, vector<16xi32>], vector<16xf32>, vector<16xi1>
          %ge3A_329 = arith.constant 1 : i32
          %ge3A_330 = vector.broadcast %ge3A_329 : i32 to vector<16xi32>
          %ge3A_331 = arith.cmpi sge, %and3A_310, %ge3A_330 : vector<16xi32>
          %and3A_332 = arith.andi %lt3A_301, %ge3A_331 : vector<16xi1>
          %le3A = arith.constant 2046 : i32
          %le3A_333 = vector.broadcast %le3A : i32 to vector<16xi32>
          %le3A_334 = arith.cmpi sle, %and3A_310, %le3A_333 : vector<16xi32>
          %and3A_335 = arith.andi %and3A_332, %le3A_334 : vector<16xi1>
          %ge3A_336 = arith.constant 1 : i32
          %ge3A_337 = vector.broadcast %ge3A_336 : i32 to vector<16xi32>
          %ge3A_338 = arith.cmpi sge, %shift_right_logical3A_307, %ge3A_337 : vector<16xi32>
          %and3A_339 = arith.andi %and3A_335, %ge3A_338 : vector<16xi1>
          %le3A_340 = arith.constant 2046 : i32
          %le3A_341 = vector.broadcast %le3A_340 : i32 to vector<16xi32>
          %le3A_342 = arith.cmpi sle, %shift_right_logical3A_307, %le3A_341 : vector<16xi32>
          %and3A_343 = arith.andi %and3A_339, %le3A_342 : vector<16xi1>
          %add3A_344 = arith.constant -1 : i32
          %add3A_345 = vector.broadcast %add3A_344 : i32 to vector<16xi32>
          %add3A_346 = arith.addi %sub3A_312, %add3A_345 : vector<16xi32>
          %ge3A_347 = arith.constant 0 : i32
          %ge3A_348 = vector.broadcast %ge3A_347 : i32 to vector<16xi32>
          %ge3A_349 = arith.cmpi sge, %add3A_346, %ge3A_348 : vector<16xi32>
          %and3A_350 = arith.andi %and3A_343, %ge3A_349 : vector<16xi1>
          %lt3A_351 = arith.constant 4 : i32
          %lt3A_352 = vector.broadcast %lt3A_351 : i32 to vector<16xi32>
          %lt3A_353 = arith.cmpi slt, %add3A_346, %lt3A_352 : vector<16xi32>
          %and3A_354 = arith.andi %and3A_350, %lt3A_353 : vector<16xi1>
          %jit3A_355 = arith.constant 0 : i32
          %broadcast_in_dim3A_356 = vector.broadcast %jit3A_355 : i32 to vector<16xi32>
          %select_n3A_357 = arith.select %and3A_354, %add3A_346, %broadcast_in_dim3A_356 : vector<16xi1>, vector<16xi32>
          %add3A_358 = arith.constant -1 : i32
          %add3A_359 = vector.broadcast %add3A_358 : i32 to vector<16xi32>
          %add3A_360 = arith.addi %and3A_310, %add3A_359 : vector<16xi32>
          %jit3A_361 = arith.constant 0 : i32
          %broadcast_in_dim3A_362 = vector.broadcast %jit3A_361 : i32 to vector<16xi32>
          %select_n3A_363 = arith.select %and3A_354, %add3A_360, %broadcast_in_dim3A_362 : vector<16xi1>, vector<16xi32>
          %gather3A_364 = tpu.vector_load_idx %arg19[%select_n3A_357, %select_n3A_363] masked %and3A_354 : memref<4x2048xf32, #tpu.memory_space<vmem>>[vector<16xi32>, vector<16xi32>], vector<16xf32>, vector<16xi1>
          %max3A = arith.maximumf %gather3A_364, %get3A_58 : vector<16xf32>
          tpu.vector_store_idx %arg19[%select_n3A_357, %select_n3A_363], %max3A masked %and3A_354 : memref<4x2048xf32, #tpu.memory_space<vmem>>[vector<16xi32>, vector<16xi32>], vector<16xf32>, vector<16xi1>
          %add3A_365 = arith.constant -1 : i32
          %add3A_366 = vector.broadcast %add3A_365 : i32 to vector<16xi32>
          %add3A_367 = arith.addi %sub3A_312, %add3A_366 : vector<16xi32>
          %ge3A_368 = arith.constant 0 : i32
          %ge3A_369 = vector.broadcast %ge3A_368 : i32 to vector<16xi32>
          %ge3A_370 = arith.cmpi sge, %add3A_367, %ge3A_369 : vector<16xi32>
          %and3A_371 = arith.andi %and3A_343, %ge3A_370 : vector<16xi1>
          %lt3A_372 = arith.constant 4 : i32
          %lt3A_373 = vector.broadcast %lt3A_372 : i32 to vector<16xi32>
          %lt3A_374 = arith.cmpi slt, %add3A_367, %lt3A_373 : vector<16xi32>
          %and3A_375 = arith.andi %and3A_371, %lt3A_374 : vector<16xi1>
          %jit3A_376 = arith.constant 0 : i32
          %broadcast_in_dim3A_377 = vector.broadcast %jit3A_376 : i32 to vector<16xi32>
          %select_n3A_378 = arith.select %and3A_375, %add3A_367, %broadcast_in_dim3A_377 : vector<16xi1>, vector<16xi32>
          %add3A_379 = arith.constant 0 : i32
          %add3A_380 = vector.broadcast %add3A_379 : i32 to vector<16xi32>
          %add3A_381 = arith.addi %and3A_310, %add3A_380 : vector<16xi32>
          %jit3A_382 = arith.constant 0 : i32
          %broadcast_in_dim3A_383 = vector.broadcast %jit3A_382 : i32 to vector<16xi32>
          %select_n3A_384 = arith.select %and3A_375, %add3A_381, %broadcast_in_dim3A_383 : vector<16xi1>, vector<16xi32>
          %gather3A_385 = tpu.vector_load_idx %arg19[%select_n3A_378, %select_n3A_384] masked %and3A_375 : memref<4x2048xf32, #tpu.memory_space<vmem>>[vector<16xi32>, vector<16xi32>], vector<16xf32>, vector<16xi1>
          %max3A_386 = arith.maximumf %gather3A_385, %get3A_62 : vector<16xf32>
          tpu.vector_store_idx %arg19[%select_n3A_378, %select_n3A_384], %max3A_386 masked %and3A_375 : memref<4x2048xf32, #tpu.memory_space<vmem>>[vector<16xi32>, vector<16xi32>], vector<16xf32>, vector<16xi1>
          %add3A_387 = arith.constant -1 : i32
          %add3A_388 = vector.broadcast %add3A_387 : i32 to vector<16xi32>
          %add3A_389 = arith.addi %sub3A_312, %add3A_388 : vector<16xi32>
          %ge3A_390 = arith.constant 0 : i32
          %ge3A_391 = vector.broadcast %ge3A_390 : i32 to vector<16xi32>
          %ge3A_392 = arith.cmpi sge, %add3A_389, %ge3A_391 : vector<16xi32>
          %and3A_393 = arith.andi %and3A_343, %ge3A_392 : vector<16xi1>
          %lt3A_394 = arith.constant 4 : i32
          %lt3A_395 = vector.broadcast %lt3A_394 : i32 to vector<16xi32>
          %lt3A_396 = arith.cmpi slt, %add3A_389, %lt3A_395 : vector<16xi32>
          %and3A_397 = arith.andi %and3A_393, %lt3A_396 : vector<16xi1>
          %jit3A_398 = arith.constant 0 : i32
          %broadcast_in_dim3A_399 = vector.broadcast %jit3A_398 : i32 to vector<16xi32>
          %select_n3A_400 = arith.select %and3A_397, %add3A_389, %broadcast_in_dim3A_399 : vector<16xi1>, vector<16xi32>
          %add3A_401 = arith.constant 1 : i32
          %add3A_402 = vector.broadcast %add3A_401 : i32 to vector<16xi32>
          %add3A_403 = arith.addi %and3A_310, %add3A_402 : vector<16xi32>
          %jit3A_404 = arith.constant 0 : i32
          %broadcast_in_dim3A_405 = vector.broadcast %jit3A_404 : i32 to vector<16xi32>
          %select_n3A_406 = arith.select %and3A_397, %add3A_403, %broadcast_in_dim3A_405 : vector<16xi1>, vector<16xi32>
          %gather3A_407 = tpu.vector_load_idx %arg19[%select_n3A_400, %select_n3A_406] masked %and3A_397 : memref<4x2048xf32, #tpu.memory_space<vmem>>[vector<16xi32>, vector<16xi32>], vector<16xf32>, vector<16xi1>
          %max3A_408 = arith.maximumf %gather3A_407, %get3A_66 : vector<16xf32>
          tpu.vector_store_idx %arg19[%select_n3A_400, %select_n3A_406], %max3A_408 masked %and3A_397 : memref<4x2048xf32, #tpu.memory_space<vmem>>[vector<16xi32>, vector<16xi32>], vector<16xf32>, vector<16xi1>
          %add3A_409 = arith.constant 0 : i32
          %add3A_410 = vector.broadcast %add3A_409 : i32 to vector<16xi32>
          %add3A_411 = arith.addi %sub3A_312, %add3A_410 : vector<16xi32>
          %ge3A_412 = arith.constant 0 : i32
          %ge3A_413 = vector.broadcast %ge3A_412 : i32 to vector<16xi32>
          %ge3A_414 = arith.cmpi sge, %add3A_411, %ge3A_413 : vector<16xi32>
          %and3A_415 = arith.andi %and3A_343, %ge3A_414 : vector<16xi1>
          %lt3A_416 = arith.constant 4 : i32
          %lt3A_417 = vector.broadcast %lt3A_416 : i32 to vector<16xi32>
          %lt3A_418 = arith.cmpi slt, %add3A_411, %lt3A_417 : vector<16xi32>
          %and3A_419 = arith.andi %and3A_415, %lt3A_418 : vector<16xi1>
          %jit3A_420 = arith.constant 0 : i32
          %broadcast_in_dim3A_421 = vector.broadcast %jit3A_420 : i32 to vector<16xi32>
          %select_n3A_422 = arith.select %and3A_419, %add3A_411, %broadcast_in_dim3A_421 : vector<16xi1>, vector<16xi32>
          %add3A_423 = arith.constant -1 : i32
          %add3A_424 = vector.broadcast %add3A_423 : i32 to vector<16xi32>
          %add3A_425 = arith.addi %and3A_310, %add3A_424 : vector<16xi32>
          %jit3A_426 = arith.constant 0 : i32
          %broadcast_in_dim3A_427 = vector.broadcast %jit3A_426 : i32 to vector<16xi32>
          %select_n3A_428 = arith.select %and3A_419, %add3A_425, %broadcast_in_dim3A_427 : vector<16xi1>, vector<16xi32>
          %gather3A_429 = tpu.vector_load_idx %arg19[%select_n3A_422, %select_n3A_428] masked %and3A_419 : memref<4x2048xf32, #tpu.memory_space<vmem>>[vector<16xi32>, vector<16xi32>], vector<16xf32>, vector<16xi1>
          %max3A_430 = arith.maximumf %gather3A_429, %get3A_70 : vector<16xf32>
          tpu.vector_store_idx %arg19[%select_n3A_422, %select_n3A_428], %max3A_430 masked %and3A_419 : memref<4x2048xf32, #tpu.memory_space<vmem>>[vector<16xi32>, vector<16xi32>], vector<16xf32>, vector<16xi1>
          %add3A_431 = arith.constant 0 : i32
          %add3A_432 = vector.broadcast %add3A_431 : i32 to vector<16xi32>
          %add3A_433 = arith.addi %sub3A_312, %add3A_432 : vector<16xi32>
          %ge3A_434 = arith.constant 0 : i32
          %ge3A_435 = vector.broadcast %ge3A_434 : i32 to vector<16xi32>
          %ge3A_436 = arith.cmpi sge, %add3A_433, %ge3A_435 : vector<16xi32>
          %and3A_437 = arith.andi %and3A_343, %ge3A_436 : vector<16xi1>
          %lt3A_438 = arith.constant 4 : i32
          %lt3A_439 = vector.broadcast %lt3A_438 : i32 to vector<16xi32>
          %lt3A_440 = arith.cmpi slt, %add3A_433, %lt3A_439 : vector<16xi32>
          %and3A_441 = arith.andi %and3A_437, %lt3A_440 : vector<16xi1>
          %jit3A_442 = arith.constant 0 : i32
          %broadcast_in_dim3A_443 = vector.broadcast %jit3A_442 : i32 to vector<16xi32>
          %select_n3A_444 = arith.select %and3A_441, %add3A_433, %broadcast_in_dim3A_443 : vector<16xi1>, vector<16xi32>
          %add3A_445 = arith.constant 0 : i32
          %add3A_446 = vector.broadcast %add3A_445 : i32 to vector<16xi32>
          %add3A_447 = arith.addi %and3A_310, %add3A_446 : vector<16xi32>
          %jit3A_448 = arith.constant 0 : i32
          %broadcast_in_dim3A_449 = vector.broadcast %jit3A_448 : i32 to vector<16xi32>
          %select_n3A_450 = arith.select %and3A_441, %add3A_447, %broadcast_in_dim3A_449 : vector<16xi1>, vector<16xi32>
          %gather3A_451 = tpu.vector_load_idx %arg19[%select_n3A_444, %select_n3A_450] masked %and3A_441 : memref<4x2048xf32, #tpu.memory_space<vmem>>[vector<16xi32>, vector<16xi32>], vector<16xf32>, vector<16xi1>
          %max3A_452 = arith.maximumf %gather3A_451, %get3A_74 : vector<16xf32>
          tpu.vector_store_idx %arg19[%select_n3A_444, %select_n3A_450], %max3A_452 masked %and3A_441 : memref<4x2048xf32, #tpu.memory_space<vmem>>[vector<16xi32>, vector<16xi32>], vector<16xf32>, vector<16xi1>
          %add3A_453 = arith.constant 0 : i32
          %add3A_454 = vector.broadcast %add3A_453 : i32 to vector<16xi32>
          %add3A_455 = arith.addi %sub3A_312, %add3A_454 : vector<16xi32>
          %ge3A_456 = arith.constant 0 : i32
          %ge3A_457 = vector.broadcast %ge3A_456 : i32 to vector<16xi32>
          %ge3A_458 = arith.cmpi sge, %add3A_455, %ge3A_457 : vector<16xi32>
          %and3A_459 = arith.andi %and3A_343, %ge3A_458 : vector<16xi1>
          %lt3A_460 = arith.constant 4 : i32
          %lt3A_461 = vector.broadcast %lt3A_460 : i32 to vector<16xi32>
          %lt3A_462 = arith.cmpi slt, %add3A_455, %lt3A_461 : vector<16xi32>
          %and3A_463 = arith.andi %and3A_459, %lt3A_462 : vector<16xi1>
          %jit3A_464 = arith.constant 0 : i32
          %broadcast_in_dim3A_465 = vector.broadcast %jit3A_464 : i32 to vector<16xi32>
          %select_n3A_466 = arith.select %and3A_463, %add3A_455, %broadcast_in_dim3A_465 : vector<16xi1>, vector<16xi32>
          %add3A_467 = arith.constant 1 : i32
          %add3A_468 = vector.broadcast %add3A_467 : i32 to vector<16xi32>
          %add3A_469 = arith.addi %and3A_310, %add3A_468 : vector<16xi32>
          %jit3A_470 = arith.constant 0 : i32
          %broadcast_in_dim3A_471 = vector.broadcast %jit3A_470 : i32 to vector<16xi32>
          %select_n3A_472 = arith.select %and3A_463, %add3A_469, %broadcast_in_dim3A_471 : vector<16xi1>, vector<16xi32>
          %gather3A_473 = tpu.vector_load_idx %arg19[%select_n3A_466, %select_n3A_472] masked %and3A_463 : memref<4x2048xf32, #tpu.memory_space<vmem>>[vector<16xi32>, vector<16xi32>], vector<16xf32>, vector<16xi1>
          %max3A_474 = arith.maximumf %gather3A_473, %get3A_78 : vector<16xf32>
          tpu.vector_store_idx %arg19[%select_n3A_466, %select_n3A_472], %max3A_474 masked %and3A_463 : memref<4x2048xf32, #tpu.memory_space<vmem>>[vector<16xi32>, vector<16xi32>], vector<16xf32>, vector<16xi1>
          %add3A_475 = arith.constant 1 : i32
          %add3A_476 = vector.broadcast %add3A_475 : i32 to vector<16xi32>
          %add3A_477 = arith.addi %sub3A_312, %add3A_476 : vector<16xi32>
          %ge3A_478 = arith.constant 0 : i32
          %ge3A_479 = vector.broadcast %ge3A_478 : i32 to vector<16xi32>
          %ge3A_480 = arith.cmpi sge, %add3A_477, %ge3A_479 : vector<16xi32>
          %and3A_481 = arith.andi %and3A_343, %ge3A_480 : vector<16xi1>
          %lt3A_482 = arith.constant 4 : i32
          %lt3A_483 = vector.broadcast %lt3A_482 : i32 to vector<16xi32>
          %lt3A_484 = arith.cmpi slt, %add3A_477, %lt3A_483 : vector<16xi32>
          %and3A_485 = arith.andi %and3A_481, %lt3A_484 : vector<16xi1>
          %jit3A_486 = arith.constant 0 : i32
          %broadcast_in_dim3A_487 = vector.broadcast %jit3A_486 : i32 to vector<16xi32>
          %select_n3A_488 = arith.select %and3A_485, %add3A_477, %broadcast_in_dim3A_487 : vector<16xi1>, vector<16xi32>
          %add3A_489 = arith.constant -1 : i32
          %add3A_490 = vector.broadcast %add3A_489 : i32 to vector<16xi32>
          %add3A_491 = arith.addi %and3A_310, %add3A_490 : vector<16xi32>
          %jit3A_492 = arith.constant 0 : i32
          %broadcast_in_dim3A_493 = vector.broadcast %jit3A_492 : i32 to vector<16xi32>
          %select_n3A_494 = arith.select %and3A_485, %add3A_491, %broadcast_in_dim3A_493 : vector<16xi1>, vector<16xi32>
          %gather3A_495 = tpu.vector_load_idx %arg19[%select_n3A_488, %select_n3A_494] masked %and3A_485 : memref<4x2048xf32, #tpu.memory_space<vmem>>[vector<16xi32>, vector<16xi32>], vector<16xf32>, vector<16xi1>
          %max3A_496 = arith.maximumf %gather3A_495, %get3A_82 : vector<16xf32>
          tpu.vector_store_idx %arg19[%select_n3A_488, %select_n3A_494], %max3A_496 masked %and3A_485 : memref<4x2048xf32, #tpu.memory_space<vmem>>[vector<16xi32>, vector<16xi32>], vector<16xf32>, vector<16xi1>
          %add3A_497 = arith.constant 1 : i32
          %add3A_498 = vector.broadcast %add3A_497 : i32 to vector<16xi32>
          %add3A_499 = arith.addi %sub3A_312, %add3A_498 : vector<16xi32>
          %ge3A_500 = arith.constant 0 : i32
          %ge3A_501 = vector.broadcast %ge3A_500 : i32 to vector<16xi32>
          %ge3A_502 = arith.cmpi sge, %add3A_499, %ge3A_501 : vector<16xi32>
          %and3A_503 = arith.andi %and3A_343, %ge3A_502 : vector<16xi1>
          %lt3A_504 = arith.constant 4 : i32
          %lt3A_505 = vector.broadcast %lt3A_504 : i32 to vector<16xi32>
          %lt3A_506 = arith.cmpi slt, %add3A_499, %lt3A_505 : vector<16xi32>
          %and3A_507 = arith.andi %and3A_503, %lt3A_506 : vector<16xi1>
          %jit3A_508 = arith.constant 0 : i32
          %broadcast_in_dim3A_509 = vector.broadcast %jit3A_508 : i32 to vector<16xi32>
          %select_n3A_510 = arith.select %and3A_507, %add3A_499, %broadcast_in_dim3A_509 : vector<16xi1>, vector<16xi32>
          %add3A_511 = arith.constant 0 : i32
          %add3A_512 = vector.broadcast %add3A_511 : i32 to vector<16xi32>
          %add3A_513 = arith.addi %and3A_310, %add3A_512 : vector<16xi32>
          %jit3A_514 = arith.constant 0 : i32
          %broadcast_in_dim3A_515 = vector.broadcast %jit3A_514 : i32 to vector<16xi32>
          %select_n3A_516 = arith.select %and3A_507, %add3A_513, %broadcast_in_dim3A_515 : vector<16xi1>, vector<16xi32>
          %gather3A_517 = tpu.vector_load_idx %arg19[%select_n3A_510, %select_n3A_516] masked %and3A_507 : memref<4x2048xf32, #tpu.memory_space<vmem>>[vector<16xi32>, vector<16xi32>], vector<16xf32>, vector<16xi1>
          %max3A_518 = arith.maximumf %gather3A_517, %get3A_86 : vector<16xf32>
          tpu.vector_store_idx %arg19[%select_n3A_510, %select_n3A_516], %max3A_518 masked %and3A_507 : memref<4x2048xf32, #tpu.memory_space<vmem>>[vector<16xi32>, vector<16xi32>], vector<16xf32>, vector<16xi1>
          %add3A_519 = arith.constant 1 : i32
          %add3A_520 = vector.broadcast %add3A_519 : i32 to vector<16xi32>
          %add3A_521 = arith.addi %sub3A_312, %add3A_520 : vector<16xi32>
          %ge3A_522 = arith.constant 0 : i32
          %ge3A_523 = vector.broadcast %ge3A_522 : i32 to vector<16xi32>
          %ge3A_524 = arith.cmpi sge, %add3A_521, %ge3A_523 : vector<16xi32>
          %and3A_525 = arith.andi %and3A_343, %ge3A_524 : vector<16xi1>
          %lt3A_526 = arith.constant 4 : i32
          %lt3A_527 = vector.broadcast %lt3A_526 : i32 to vector<16xi32>
          %lt3A_528 = arith.cmpi slt, %add3A_521, %lt3A_527 : vector<16xi32>
          %and3A_529 = arith.andi %and3A_525, %lt3A_528 : vector<16xi1>
          %jit3A_530 = arith.constant 0 : i32
          %broadcast_in_dim3A_531 = vector.broadcast %jit3A_530 : i32 to vector<16xi32>
          %select_n3A_532 = arith.select %and3A_529, %add3A_521, %broadcast_in_dim3A_531 : vector<16xi1>, vector<16xi32>
          %add3A_533 = arith.constant 1 : i32
          %add3A_534 = vector.broadcast %add3A_533 : i32 to vector<16xi32>
          %add3A_535 = arith.addi %and3A_310, %add3A_534 : vector<16xi32>
          %jit3A_536 = arith.constant 0 : i32
          %broadcast_in_dim3A_537 = vector.broadcast %jit3A_536 : i32 to vector<16xi32>
          %select_n3A_538 = arith.select %and3A_529, %add3A_535, %broadcast_in_dim3A_537 : vector<16xi1>, vector<16xi32>
          %gather3A_539 = tpu.vector_load_idx %arg19[%select_n3A_532, %select_n3A_538] masked %and3A_529 : memref<4x2048xf32, #tpu.memory_space<vmem>>[vector<16xi32>, vector<16xi32>], vector<16xf32>, vector<16xi1>
          %max3A_540 = arith.maximumf %gather3A_539, %get3A_90 : vector<16xf32>
          tpu.vector_store_idx %arg19[%select_n3A_532, %select_n3A_538], %max3A_540 masked %and3A_529 : memref<4x2048xf32, #tpu.memory_space<vmem>>[vector<16xi32>, vector<16xi32>], vector<16xf32>, vector<16xi1>
        }
        %dma_start3A = arith.constant 0 : i32
        %dma_start3A_279 = tpu.memref_slice %arg6[%add3A_176, %dma_start3A] : memref<2048x2048xf32, #tpu.memory_space<hbm>> -> memref<4x2048xf32, #tpu.memory_space<hbm>>
        %dma_start3A_280 = arith.constant 0 : i32
        %dma_start3A_281 = tpu.memref_slice %arg6[%add3A_176, %dma_start3A_280] : memref<2048x2048xf32, #tpu.memory_space<hbm>> -> memref<4x2048xf32, #tpu.memory_space<hbm>>
        tpu.enqueue_dma source(%arg19 : memref<4x2048xf32, #tpu.memory_space<vmem>>) target(%dma_start3A_281 : memref<4x2048xf32, #tpu.memory_space<hbm>>) target_semaphore(%arg25 : memref<!tpu.dma_semaphore, #tpu.memory_space<semaphore_mem>>)
        %dma_start3A_282 = arith.constant 0 : i32
        %dma_start3A_283 = arith.constant 0 : i32
        %dma_start3A_284 = tpu.memref_slice %arg7[%dma_start3A_282, %add3A_176, %dma_start3A_283] : memref<2x2048x2048xf32, #tpu.memory_space<hbm>> -> memref<1x4x2048xf32, #tpu.memory_space<hbm>>
        %dma_start3A_285 = tpu.memref_squeeze %dma_start3A_284 : memref<1x4x2048xf32, #tpu.memory_space<hbm>> -> memref<4x2048xf32, #tpu.memory_space<hbm>>
        %dma_start3A_286 = arith.constant 0 : i32
        %dma_start3A_287 = tpu.memref_slice %arg7[%dma_start3A_282, %add3A_176, %dma_start3A_286] : memref<2x2048x2048xf32, #tpu.memory_space<hbm>> -> memref<1x4x2048xf32, #tpu.memory_space<hbm>>
        %dma_start3A_288 = tpu.memref_squeeze %dma_start3A_287 : memref<1x4x2048xf32, #tpu.memory_space<hbm>> -> memref<4x2048xf32, #tpu.memory_space<hbm>>
        tpu.enqueue_dma source(%arg21 : memref<4x2048xf32, #tpu.memory_space<vmem>>) target(%dma_start3A_288 : memref<4x2048xf32, #tpu.memory_space<hbm>>) target_semaphore(%arg25 : memref<!tpu.dma_semaphore, #tpu.memory_space<semaphore_mem>>)
        %dma_start3A_289 = arith.constant 1 : i32
        %dma_start3A_290 = arith.constant 0 : i32
        %dma_start3A_291 = tpu.memref_slice %arg7[%dma_start3A_289, %add3A_176, %dma_start3A_290] : memref<2x2048x2048xf32, #tpu.memory_space<hbm>> -> memref<1x4x2048xf32, #tpu.memory_space<hbm>>
        %dma_start3A_292 = tpu.memref_squeeze %dma_start3A_291 : memref<1x4x2048xf32, #tpu.memory_space<hbm>> -> memref<4x2048xf32, #tpu.memory_space<hbm>>
        %dma_start3A_293 = arith.constant 0 : i32
        %dma_start3A_294 = tpu.memref_slice %arg7[%dma_start3A_289, %add3A_176, %dma_start3A_293] : memref<2x2048x2048xf32, #tpu.memory_space<hbm>> -> memref<1x4x2048xf32, #tpu.memory_space<hbm>>
        %dma_start3A_295 = tpu.memref_squeeze %dma_start3A_294 : memref<1x4x2048xf32, #tpu.memory_space<hbm>> -> memref<4x2048xf32, #tpu.memory_space<hbm>>
        tpu.enqueue_dma source(%arg23 : memref<4x2048xf32, #tpu.memory_space<vmem>>) target(%dma_start3A_295 : memref<4x2048xf32, #tpu.memory_space<hbm>>) target_semaphore(%arg25 : memref<!tpu.dma_semaphore, #tpu.memory_space<semaphore_mem>>)
      } else {
      }
    }
    %scan3A_95 = arith.constant 16 : i32
    %add3A_96 = arith.constant 56 : i32
    %add3A_97 = arith.addi %mul3A_3, %add3A_96 : i32
    %dma_wait3A = arith.constant 0 : i32
    %dma_wait3A_98 = tpu.memref_slice %arg6[%add3A_97, %dma_wait3A] : memref<2048x2048xf32, #tpu.memory_space<hbm>> -> memref<4x2048xf32, #tpu.memory_space<hbm>>
    %dma_wait3A_99 = arith.constant 0 : i32
    %dma_wait3A_100 = tpu.memref_slice %arg6[%add3A_97, %dma_wait3A_99] : memref<2048x2048xf32, #tpu.memory_space<hbm>> -> memref<4x2048xf32, #tpu.memory_space<hbm>>
    tpu.wait_dma2 semaphore(%arg25 : memref<!tpu.dma_semaphore, #tpu.memory_space<semaphore_mem>>) src(%arg18 : memref<4x2048xf32, #tpu.memory_space<vmem>>) dst(%dma_wait3A_100 : memref<4x2048xf32, #tpu.memory_space<hbm>>)
    %dma_wait3A_101 = arith.constant 0 : i32
    %dma_wait3A_102 = arith.constant 0 : i32
    %dma_wait3A_103 = tpu.memref_slice %arg7[%dma_wait3A_101, %add3A_97, %dma_wait3A_102] : memref<2x2048x2048xf32, #tpu.memory_space<hbm>> -> memref<1x4x2048xf32, #tpu.memory_space<hbm>>
    %dma_wait3A_104 = tpu.memref_squeeze %dma_wait3A_103 : memref<1x4x2048xf32, #tpu.memory_space<hbm>> -> memref<4x2048xf32, #tpu.memory_space<hbm>>
    %dma_wait3A_105 = arith.constant 0 : i32
    %dma_wait3A_106 = tpu.memref_slice %arg7[%dma_wait3A_101, %add3A_97, %dma_wait3A_105] : memref<2x2048x2048xf32, #tpu.memory_space<hbm>> -> memref<1x4x2048xf32, #tpu.memory_space<hbm>>
    %dma_wait3A_107 = tpu.memref_squeeze %dma_wait3A_106 : memref<1x4x2048xf32, #tpu.memory_space<hbm>> -> memref<4x2048xf32, #tpu.memory_space<hbm>>
    tpu.wait_dma2 semaphore(%arg25 : memref<!tpu.dma_semaphore, #tpu.memory_space<semaphore_mem>>) src(%arg20 : memref<4x2048xf32, #tpu.memory_space<vmem>>) dst(%dma_wait3A_107 : memref<4x2048xf32, #tpu.memory_space<hbm>>)
    %dma_wait3A_108 = arith.constant 1 : i32
    %dma_wait3A_109 = arith.constant 0 : i32
    %dma_wait3A_110 = tpu.memref_slice %arg7[%dma_wait3A_108, %add3A_97, %dma_wait3A_109] : memref<2x2048x2048xf32, #tpu.memory_space<hbm>> -> memref<1x4x2048xf32, #tpu.memory_space<hbm>>
    %dma_wait3A_111 = tpu.memref_squeeze %dma_wait3A_110 : memref<1x4x2048xf32, #tpu.memory_space<hbm>> -> memref<4x2048xf32, #tpu.memory_space<hbm>>
    %dma_wait3A_112 = arith.constant 0 : i32
    %dma_wait3A_113 = tpu.memref_slice %arg7[%dma_wait3A_108, %add3A_97, %dma_wait3A_112] : memref<2x2048x2048xf32, #tpu.memory_space<hbm>> -> memref<1x4x2048xf32, #tpu.memory_space<hbm>>
    %dma_wait3A_114 = tpu.memref_squeeze %dma_wait3A_113 : memref<1x4x2048xf32, #tpu.memory_space<hbm>> -> memref<4x2048xf32, #tpu.memory_space<hbm>>
    tpu.wait_dma2 semaphore(%arg25 : memref<!tpu.dma_semaphore, #tpu.memory_space<semaphore_mem>>) src(%arg22 : memref<4x2048xf32, #tpu.memory_space<vmem>>) dst(%dma_wait3A_114 : memref<4x2048xf32, #tpu.memory_space<hbm>>)
    %add3A_115 = arith.constant 60 : i32
    %add3A_116 = arith.addi %mul3A_3, %add3A_115 : i32
    %dma_wait3A_117 = arith.constant 0 : i32
    %dma_wait3A_118 = tpu.memref_slice %arg6[%add3A_116, %dma_wait3A_117] : memref<2048x2048xf32, #tpu.memory_space<hbm>> -> memref<4x2048xf32, #tpu.memory_space<hbm>>
    %dma_wait3A_119 = arith.constant 0 : i32
    %dma_wait3A_120 = tpu.memref_slice %arg6[%add3A_116, %dma_wait3A_119] : memref<2048x2048xf32, #tpu.memory_space<hbm>> -> memref<4x2048xf32, #tpu.memory_space<hbm>>
    tpu.wait_dma2 semaphore(%arg25 : memref<!tpu.dma_semaphore, #tpu.memory_space<semaphore_mem>>) src(%arg19 : memref<4x2048xf32, #tpu.memory_space<vmem>>) dst(%dma_wait3A_120 : memref<4x2048xf32, #tpu.memory_space<hbm>>)
    %dma_wait3A_121 = arith.constant 0 : i32
    %dma_wait3A_122 = arith.constant 0 : i32
    %dma_wait3A_123 = tpu.memref_slice %arg7[%dma_wait3A_121, %add3A_116, %dma_wait3A_122] : memref<2x2048x2048xf32, #tpu.memory_space<hbm>> -> memref<1x4x2048xf32, #tpu.memory_space<hbm>>
    %dma_wait3A_124 = tpu.memref_squeeze %dma_wait3A_123 : memref<1x4x2048xf32, #tpu.memory_space<hbm>> -> memref<4x2048xf32, #tpu.memory_space<hbm>>
    %dma_wait3A_125 = arith.constant 0 : i32
    %dma_wait3A_126 = tpu.memref_slice %arg7[%dma_wait3A_121, %add3A_116, %dma_wait3A_125] : memref<2x2048x2048xf32, #tpu.memory_space<hbm>> -> memref<1x4x2048xf32, #tpu.memory_space<hbm>>
    %dma_wait3A_127 = tpu.memref_squeeze %dma_wait3A_126 : memref<1x4x2048xf32, #tpu.memory_space<hbm>> -> memref<4x2048xf32, #tpu.memory_space<hbm>>
    tpu.wait_dma2 semaphore(%arg25 : memref<!tpu.dma_semaphore, #tpu.memory_space<semaphore_mem>>) src(%arg21 : memref<4x2048xf32, #tpu.memory_space<vmem>>) dst(%dma_wait3A_127 : memref<4x2048xf32, #tpu.memory_space<hbm>>)
    %dma_wait3A_128 = arith.constant 1 : i32
    %dma_wait3A_129 = arith.constant 0 : i32
    %dma_wait3A_130 = tpu.memref_slice %arg7[%dma_wait3A_128, %add3A_116, %dma_wait3A_129] : memref<2x2048x2048xf32, #tpu.memory_space<hbm>> -> memref<1x4x2048xf32, #tpu.memory_space<hbm>>
    %dma_wait3A_131 = tpu.memref_squeeze %dma_wait3A_130 : memref<1x4x2048xf32, #tpu.memory_space<hbm>> -> memref<4x2048xf32, #tpu.memory_space<hbm>>
    %dma_wait3A_132 = arith.constant 0 : i32
    %dma_wait3A_133 = tpu.memref_slice %arg7[%dma_wait3A_128, %add3A_116, %dma_wait3A_132] : memref<2x2048x2048xf32, #tpu.memory_space<hbm>> -> memref<1x4x2048xf32, #tpu.memory_space<hbm>>
    %dma_wait3A_134 = tpu.memref_squeeze %dma_wait3A_133 : memref<1x4x2048xf32, #tpu.memory_space<hbm>> -> memref<4x2048xf32, #tpu.memory_space<hbm>>
    tpu.wait_dma2 semaphore(%arg25 : memref<!tpu.dma_semaphore, #tpu.memory_space<semaphore_mem>>) src(%arg23 : memref<4x2048xf32, #tpu.memory_space<vmem>>) dst(%dma_wait3A_134 : memref<4x2048xf32, #tpu.memory_space<hbm>>)
    return
  }
}

</mosaic_0001>

<sc_bundles>
// kernel: _sc_call.3.cloned.1.call-start
scs
__scs_entry_jumppad:
0x0: {  	(pc) =	sbr.rel $0x88, $3  }
0x1: {  	(tag) =	ssettag $0x0;
	lr =	simm.s32 $0x1  }
0x2: {  	[smem:$0x3F9D] =	sst lr;
	_ =	strace $0xD0000000  }
0x3: {  	_ = 	snop  }
0x4: {  	_ = 	snop  }
0x5: {  	_ = 	snop  }
0x6: {  	_ = 	snop  }
0x7: {  	_ = 	snop  }
__scs_overlays_trampoline_lowered:
0x8: {  	[smem:$0x3FAC] =	sst s0  }
0x9: {  	[smem:$0x3FAD] =	sst s1  }
0xa: {  	[smem:$0x3FAE] =	sst s2  }
0xb: {  	[smem:$0x3FAF] =	sst s3  }
0xc: {  	[smem:$0x3FB0] =	sst s4  }
0xd: {  	[smem:$0x3FB1] =	sst s5  }
0xe: {  	[smem:$0x3FB2] =	sst s6  }
0xf: {  	[smem:$0x3FB3] =	sst s7  }
0x10: {  	[smem:$0x3FB4] =	sst s8  }
0x11: {  	[smem:$0x3FB5] =	sst s9;
	s0 =	simm.s32 @!p0 $0x0  }
0x12: {  	s1 =	sld [smem:$0x3F9B];
	s0 =	simm.s32 @p0 $0x1  }
0x13: {  	[smem:$0x3FB6] =	sst s0;
	s0 =	simm.s32 @!p1 $0x0  }
0x14: {  	s2 =	sld [smem:$0x3F9A];
	s0 =	simm.s32 @p1 $0x1  }
0x15: {  	[smem:$0x3FB7] =	sst s0;
	s0 =	simm.s32 @!p2 $0x0  }
0x16: {  	s3 =	sld [smem:$0x3FDB];
	s0 =	simm.s32 @p2 $0x1  }
0x17: {  	s4 =	simm.s32 $0x1BF5;
	[smem:$0x3FB9] =	sst s0  }
0x18: {  	s0 =	sld [smem:$0x3F9C];
	_ =	swait.ge [sflag:s4], $0x0  }
0x19: {  	s7 =	sld [smem:$0x3F9D]  }
0x1a: {  	s8 =	sadd.s32 $0xFFFFE003, lr  }
0x1b: {  	s9 =	sadd.s32 $0xFFFFFEF7, lr;
	s5 =	simm.s32 $0xFFFFFFFF;
	p2 =	slt.u32 s8, $0xFFFFF086  }
0x1c: {  	p1 =	slt.u32 s9, $0xF7A;
	s5 =	simm.s32 @!p2 $0x0  }
0x1d: {  	s5 =	simm.s32 @p1 $0x1;
	p0 =	seq.s32 s7, s2  }
0x1e: {  	s7 =	smul.u32 @!p0 $0xF7A, s2;
	p2 =	seq.s32 @!p0 s5, $0x0  }
0x1f: {  	s9 =	smul.u32 $0xF7A, s1;
	s8 =	simm.s32 @!p0 $0x1BF5;
	p2 =	por !p2, p0  }
0x20: {  	[sflag:s8] =	ssyncset.s32 @!p0 $0xFFFFF086;
	s6 =	sadd.s32 @!p0 s3, s7;
	s7 =	simm.s32 @!p0 $0x108  }
0x21: {  	s3 =	sadd.s32 s3, s9;
	s6 =	sadd.s32 @!p0 $0x88, s6;
	s7 =	simm.s32 @p2 $0x1082  }
0x22: {  	[simem:s7], [sflag:s8] =	dma.local @!p0 [hbm:s6], $0xF7A  }
0x23: {  	s9 =	sor.u32 $0xD0000000, s2;
	s6 =	simm.s32 $0x108;
	_ =	swait.ge @!p0 [sflag:s8], $0x0  }
0x24: {  	s3 =	sadd.s32 $0x88, s3;
	s6 =	simm.s32 @!p1 $0x1082;
	[sflag:s4] =	ssyncset.s32 $0xFFFFF086  }
0x25: {  	[simem:s6], [sflag:s4] =	dma.local [hbm:s3], $0xF7A  }
0x26: {  	[smem:$0x3F9D] =	sst s1;
	(tag) =	ssettag s2;
	_ =	strace s9  }
0x27: {  	s1 =	sld [smem:$0x3FAD]  }
0x28: {  	s2 =	sld [smem:$0x3FAE]  }
0x29: {  	s4 =	sld [smem:$0x3FB0]  }
0x2a: {  	p0 =	seq.s32 s5, $0x0;
	s5 =	sld [smem:$0x3FB1]  }
0x2b: {  	s6 =	sld [smem:$0x3FB2]  }
0x2c: {  	s7 =	sld [smem:$0x3FB3]  }
0x2d: {  	s3 =	simm.s32 $0x108;
	s8 =	sld [smem:$0x3FB4]  }
0x2e: {  	s3 =	simm.s32 @!p0 $0x1082;
	s9 =	sld [smem:$0x3FB5]  }
0x2f: {  	lr =	sadd.s32 s0, s3;
	s0 =	sld [smem:$0x3FAC]  }
0x30: {  	s3 =	sld [smem:$0x3FAF]  }
0x31: {  	[smem:$0x3FB8] =	sst s10  }
0x32: {  	s10 =	sld [smem:$0x3FB6];
	_ =	sdelay $0x3  }
0x33: {  	p0 =	seq.s32 s10, $0x1;
	s10 =	sld [smem:$0x3FB8];
	_ =	sdelay $0x3  }
0x34: {  	[smem:$0x3FB8] =	sst s10  }
0x35: {  	s10 =	sld [smem:$0x3FB7];
	_ =	sdelay $0x3  }
0x36: {  	p1 =	seq.s32 s10, $0x1;
	s10 =	sld [smem:$0x3FB8];
	_ =	sdelay $0x3  }
0x37: {  	[smem:$0x3FB8] =	sst s10  }
0x38: {  	s10 =	sld [smem:$0x3FB9]  }
0x39: {  	_ = 	snop;
	(pc) =	sbr.ind lr, $3  }
0x3a: {  	_ = 	snop  }
0x3b: {  	_ = 	snop  }
0x3c: {  	p2 =	seq.s32 s10, $0x1;
	s10 =	sld [smem:$0x3FB8]  }
0x3d: {  	_ =	shalt  }
0x3e: {  	_ =	shalt  }
0x3f: {  	_ =	shalt  }
0x40: {  	_ =	shalt  }
0x41: {  	_ =	shalt  }
0x42: {  	_ =	shalt  }
0x43: {  	_ =	shalt  }
0x44: {  	_ =	shalt  }
0x45: {  	_ =	shalt  }
0x46: {  	_ =	shalt  }
0x47: {  	_ =	shalt  }
0x48: {  	_ =	shalt  }
0x49: {  	_ =	shalt  }
0x4a: {  	_ =	shalt  }
0x4b: {  	_ =	shalt  }
0x4c: {  	_ =	shalt  }
0x4d: {  	_ =	shalt  }
0x4e: {  	_ =	shalt  }
0x4f: {  	_ =	shalt  }
0x50: {  	_ =	shalt  }
0x51: {  	_ =	shalt  }
0x52: {  	_ =	shalt  }
0x53: {  	_ =	shalt  }
0x54: {  	_ =	shalt  }
0x55: {  	_ =	shalt  }
0x56: {  	_ =	shalt  }
0x57: {  	_ =	shalt  }
0x58: {  	_ =	shalt  }
0x59: {  	_ =	shalt  }
0x5a: {  	_ =	shalt  }
0x5b: {  	_ =	shalt  }
0x5c: {  	_ =	shalt  }
0x5d: {  	_ =	shalt  }
0x5e: {  	_ =	shalt  }
0x5f: {  	_ =	shalt  }
0x60: {  	_ =	shalt  }
0x61: {  	_ =	shalt  }
0x62: {  	_ =	shalt  }
0x63: {  	_ =	shalt  }
0x64: {  	_ =	shalt  }
0x65: {  	_ =	shalt  }
0x66: {  	_ =	shalt  }
0x67: {  	_ =	shalt  }
0x68: {  	_ =	shalt  }
0x69: {  	_ =	shalt  }
0x6a: {  	_ =	shalt  }
0x6b: {  	_ =	shalt  }
0x6c: {  	_ =	shalt  }
0x6d: {  	_ =	shalt  }
0x6e: {  	_ =	shalt  }
0x6f: {  	_ =	shalt  }
0x70: {  	_ =	shalt  }
0x71: {  	_ =	shalt  }
0x72: {  	_ =	shalt  }
0x73: {  	_ =	shalt  }
0x74: {  	_ =	shalt  }
0x75: {  	_ =	shalt  }
0x76: {  	_ =	shalt  }
0x77: {  	_ =	shalt  }
0x78: {  	_ =	shalt  }
0x79: {  	_ =	shalt  }
0x7a: {  	_ =	shalt  }
0x7b: {  	_ =	shalt  }
0x7c: {  	_ =	shalt  }
0x7d: {  	_ =	shalt  }
0x7e: {  	_ =	shalt  }
0x7f: {  	_ =	shalt  }
0x80: {  	_ =	shalt  }
0x81: {  	_ =	shalt  }
0x82: {  	_ =	shalt  }
0x83: {  	_ =	shalt  }
0x84: {  	_ =	shalt  }
0x85: {  	_ =	shalt  }
0x86: {  	_ =	shalt  }
0x87: {  	_ =	shalt  }
.Lfunc_end0:
.L_simem_size_0:
called_computation_lowered:
.L_overlay_start_0:
0x88: {  	s2 =	sld [smem:$0x3FD9]  }
0x89: {  	s3 =	sld [smem:$0x3FFE];
	_ =	sdelay $0x1  }
0x8a: {  	s1 =	srdreg.scid  }
0x8b: {  	s0 =	sand.u32 $0x1, s1  }
0x8c: {  	s15 =	sshll.u32 s0, $0xA;
	s2 =	sadd.s32 s3, s2  }
0x8d: {  	s2 =	sadd.s32 s2, s15  }
0x8e: {  	[smem:$0x3FC4] =	sst s2  }
0x8f: {  	_ = 	snop  }
0x90: {  	s2 =	sld [smem:$0x3FC9]  }
0x91: {  	s16 =	sld [smem:$0x3FD0]  }
0x92: {  	s4 =	sld [smem:$0x3FC8]  }
0x93: {  	s5 =	sld [smem:$0x3FC7]  }
0x94: {  	s7 =	simm.s32 $0xA;
	s8 =	simm.s32 $0x10;
	s6 =	sld [smem:$0x3FC6]  }
0x95: {  	[smem:s8], [sflag:s7] =	dma.local [hbm:s16], $0x1  }
0x96: {  	_ =	swait.eq [sflag:s7], $0x1  }
0x97: {  	[sflag:s7] =	ssyncset.done $0x0  }
0x98: {  	s17 =	sld [smem:$0x10];
	[sflag:s7] =	ssyncadd.s32 $0xFFFFFFFF  }
0x99: {  	s18 =	sld [smem:$0x11];
	(tm) =	ssettm $0x1  }
0x9a: {  	s19 =	sld [smem:$0x3FFB];
	_ =	sdelay $0x3  }
0x9b: {  	_ =	strace s19  }
0x9c: {  	s8 =	sld [smem:$0x3FFC];
	_ =	sdelay $0x3  }
0x9d: {  	_ =	strace s8  }
0x9e: {  	s8 =	sld [smem:$0x3FFD];
	_ =	sdelay $0x3  }
0x9f: {  	_ =	strace s8  }
0xa0: {  	_ =	strace $0x8FFFFFFF  }
0xa1: {  	s20 =	sld [smem:$0x3FDB];
	_ =	sdelay $0x1  }
0xa2: {  	s9 =	simm.s32 $_scs_section_size  }
0xa3: {  	s10 =	simm.s32 $_size__tile_overlayer_lowered;
	s11 =	simm.s32 $_tile_overlayer_lowered  }
0xa4: {  	s23 =	simm.s32 $0x1BFF;
	s22 =	sshll.u32 s11, $0x1;
	s8 =	sadd.s32 s9, s20  }
0xa5: {  	s12 =	simm.s32 $0x0;
	s21 =	sshll.u32 s10, $0x1;
	s10 =	sadd.s32 s22, s8  }
0xa6: {  	[timem:s12], [sflag:s23] =	dma.local [hbm:s10], s21  }
0xa7: {  	_ =	swait.ge [sflag:s23], s21  }
0xa8: {  	s9 =	ssub.s32 $0x0, s21;
	[sflag:s23] =	ssyncset.done $0x0  }
0xa9: {  	[sflag:s23] =	ssyncadd.s32 s9;
	_ =	sdelay $0x1  }
0xaa: {  	s24 =	simm.s32 $0x1B8B  }
0xab: {  	_ =	swait.ge [sflag:s24], $0x1  }
0xac: {  	[sflag:s24] =	ssyncset.done $0x0  }
0xad: {  	s25 =	simm.s32 $0x1B8E;
	[sflag:s24] =	ssyncadd.s32 $0xFFFFFFFF  }
0xae: {  	s26 =	simm.s32 $execute0_lowered;
	[smem:$0x3FD2] =	sst s25  }
0xaf: {  	s9 =	sshll.u32 s26, $0x1;
	_ =	strace $0x80000046;
	[dreg:$0x1] =	wrdreg $0xFFFFFFFF  }
0xb0: {  	s28 =	simm.s32 $_size_execute0_lowered;
	s8 =	sadd.s32 s8, s9;
	[dreg:$0x0] =	wrdreg $0x0  }
0xb1: {  	s9 =	sshll.u32 s28, $0x1;
	[dreg:$0x2] =	wrdreg s8  }
0xb2: {  	[dreg:$0x3] =	wrdreg s9  }
0xb3: {  	[dreg:$0x4] =	wrdreg $0xC0  }
0xb4: {  	_ =	task [dreg:s12], $0x5FFFF  }
0xb5: {  	[dreg:$0x1] =	wrdreg $0xFFFFFFFF  }
0xb6: {  	[dreg:$0x0] =	wrdreg $0x60  }
0xb7: {  	[dreg:$0x2] =	wrdreg s2  }
0xb8: {  	[dreg:$0x3] =	wrdreg s4  }
0xb9: {  	[dreg:$0x4] =	wrdreg s5  }
0xba: {  	[dreg:$0x5] =	wrdreg s6  }
0xbb: {  	[dreg:$0x6] =	wrdreg s17  }
0xbc: {  	[dreg:$0x7] =	wrdreg s18  }
0xbd: {  	[dreg:$0x8] =	wrdreg $0x9  }
0xbe: {  	_ =	task.clear_ibuf [dreg:s12], $0x9FFFF;
	_ =	strace $0x90000046  }
0xbf: {  	s29 =	simm.s32 $0x9;
	_ =	strace $0x80000048  }
0xc0: {  	_ =	swait.ge [sflag:s29], $0x1  }
0xc1: {  	[sflag:s29] =	ssyncadd.s32 $0xFFFFFFFF  }
0xc2: {  	_ =	strace $0x90000048  }
0xc3: {  	_ =	sfence  }
0xc4: {  	s30 =	sld [smem:$0x0];
	_ =	sdelay $0x2  }
0xc5: {  	s31 =	sshll.u32 s1, $0xD;
	s1 =	sshrl.u32 s1, $0x2  }
0xc6: {  	s3 =	sand.u32 $0x4000, s31;
	s1 =	sadd.s32 s1, s30  }
0xc7: {  	s0 =	sor.u32 s3, s0;
	s1 =	sshll.u32 s1, $0x11  }
0xc8: {  	s0 =	sor.u32 s1, s0  }
0xc9: {  	s0 =	sadd.s32 $0x8F2B, s0  }
0xca: {  	[sflag:s0] =	ssyncadd.remote.s32 $0x1  }
0xcb: {  	_ =	sfence.sel $0xFFFF  }
0xcc: {  	[dreg:$0x0] =	wrdreg $0xFFFFFFFF;
	(pc) =	sbr.abs _section_cstart, $3  }
0xcd: {  	[dreg:$0x1] =	wrdreg $0xFFFFFFFF  }
0xce: {  	_ =	task.clear_ibuf [dreg:s12], $0x2FFFF;
	_ =	strace $0x9FFFFFFF  }
0xcf: {  	(tm) =	ssettm $0x7FFFFFFF  }
tec
execute0_lowered:
.L_overlay_start_1:
0x0: {  	(tag) =	ssettag $0x1  }
0x1: {  	s24 =	rddreg [dreg:$0x4]  }
0x2: {  	s25 =	rddreg [dreg:$0x5];
	s0 =	srdreg.scid  }
0x3: {  	s3 =	simm.s32 $0x0;
	s2 =	stileid.u32;
	s12 =	simm.s32 $0x4E80  }
0x4: {  	s13 =	simm.s32 $0x9D00;
	s16 =	simm.s32 $0xF380;
	s17 =	simm.s32 $0xF880  }
0x5: {  	s7 =	simm.s32 $0x1;
	s19 =	simm.s32 $0x17180;
	s20 =	simm.s32 $0x1B180  }
0x6: {  	s28 =	simm.s32 $0x19180;
	s29 =	simm.s32 $0x11180;
	s30 =	simm.s32 $0x10780  }
0x7: {  	s31 =	simm.s32 $0xFD80;
	s0 =	sand.u32 $0x1, s0;
	s2 =	sshll.u32 s2, $0x7  }
0x8: {  	[smem:$0x7FF] =	sst s3;
	s26 =	sadd.s32 $0x80000, s25;
	s1 =	ssub.s32 $0x2, s0  }
0x9: {  	s0 =	sshll.u32 s0, $0x6;
	_ =	strace $0x80000047;
	[dreg:$0x8] =	wrdreg s26  }
.Ltmp0:
0xa: {  	s21 =	sshrl.u32 s1, $0x1;
	s2 =	sor.u32 s0, s2;
	(pc) =	sbr.rel .LBB2_1-.Ltmp0, $4  }
0xb: {  	s26 =	simm.s32 $0x15180;
	s22 =	ssub.s32 s1, s21;
	s23 =	sshll.u32 s2, $0xB  }
0xc: {  	[dreg:$0x7] =	wrdreg s2;
	s21 =	simm.s32 $0x13180;
	s2 =	sadd.s32 $0xFFFFF800, s23  }
0xd: {  	v2 =	vimm.f32 $0.0e+00;
	v3 =	vimm.s32 $0x0;
	v4 =	vlaneseq.u32;
	s1 =	sadd.s32 $0x20800, s23;
	s0 =	smax.u32 s22, $0x1;
	s22 =	simm.s32 $0x10C80  }
0xe: {  	v5 =	vimm.s32 $0x1;
	s23 =	simm.s32 $0x10280;
	[dreg:$0x9] =	wrdreg s0;
	v0 =	vmov s2;
	v1 =	vmov s1;
	s1 =	simm.s32 $0x0  }
.LBB2_36:
0xf: {  	s7 =	simm.s32 $0x1  }
0x10: {  	_ =	swait.ge [sflag:s7], $0x2000  }
0x11: {  	[sflag:s7] =	ssyncset.done $0x0  }
0x12: {  	[sflag:s7] =	ssyncadd.s32 $0xFFFFE000  }
0x13: {  	_ =	swait.ge [sflag:s7], $0x2000  }
0x14: {  	[sflag:s7] =	ssyncset.done $0x0  }
0x15: {  	[sflag:s7] =	ssyncadd.s32 $0xFFFFE000  }
0x16: {  	_ =	swait.ge [sflag:s7], $0x2000  }
0x17: {  	[sflag:s7] =	ssyncset.done $0x0  }
0x18: {  	[sflag:s7] =	ssyncadd.s32 $0xFFFFE000  }
0x19: {  	_ =	swait.ge [sflag:s7], $0x2000  }
0x1a: {  	[sflag:s7] =	ssyncset.done $0x0  }
0x1b: {  	[sflag:s7] =	ssyncadd.s32 $0xFFFFE000  }
0x1c: {  	_ =	swait.ge [sflag:s7], $0x2000  }
0x1d: {  	[sflag:s7] =	ssyncset.done $0x0  }
0x1e: {  	[sflag:s7] =	ssyncadd.s32 $0xFFFFE000  }
0x1f: {  	_ =	swait.ge [sflag:s7], $0x2000  }
0x20: {  	s1 =	rddreg [dreg:$0xa]  }
0x21: {  	s0 =	rddreg [dreg:$0x9];
	s1 =	sadd.s32 $0x1, s1  }
0x22: {  	p0 =	sne.s32 s1, s0  }
.Ltmp1:
0x23: {  	_ = 	snop;
	(pc) =	sbr.rel @!p0 .LBB2_37-.Ltmp1, $3  }
0x24: {  	_ =	sdelay $0x1  }
0x25: {  	[sflag:s7] =	ssyncset.done $0x0  }
0x26: {  	[sflag:s7] =	ssyncadd.s32 $0xFFFFE000  }
.LBB2_1:
0x27: {  	s0 =	rddreg [dreg:$0x0];
	s4 =	simm.s32 $0x0  }
0x28: {  	[tilespmem:s4], [sflag:$0x2] =	stream.linear.gather [hbm4b:s0+s4], $0x4E80, $0x38;
	[tilespmem:$0x1D180] =	vst v63  }
0x29: {  	[dreg:$0xa] =	wrdreg s1;
	s0 =	simm.s32 $0x0  }
0x2a: {  	s10 =	rddreg [dreg:$0x1];
	s2 =	sand.u32 $0x1E00, s4;
	s18 =	sand.u32 $0x180, s0  }
0x2b: {  	[tilespmem:s12], [sflag:$0x1] =	stream.linear.gather [hbm4b:s10+s4], $0x4E80, $0x38;
	[tilespmem:$0x1D180] =	vst v63  }
0x2c: {  	s11 =	rddreg [dreg:$0x2];
	s3 =	sand.u32 $0x40, s4;
	s1 =	sor.u32 s18, s2  }
0x2d: {  	[tilespmem:s13], [sflag:$0x1] =	stream.linear.gather [hbm4b:s11+s4], $0x4E80, $0x38;
	[tilespmem:$0x1D180] =	vst v63  }
0x2e: {  	s14 =	rddreg [dreg:$0x3];
	s15 =	simm.s32 $0xEB80;
	s1 =	sor.u32 s3, s1  }
0x2f: {  	[tilespmem:s15], [sflag:$0x1] =	stream.linear.gather [hbm4b:s14+s4], $0x480, $0x38;
	[tilespmem:$0x1D180] =	vst v63  }
0x30: {  	[tilespmem:s1+$0x1B1B0] =	vst v2  }
0x31: {  	[tilespmem:s1+$0x11180] =	vst v2  }
0x32: {  	[tilespmem:s1+$0x13180] =	vst v2  }
0x33: {  	[tilespmem:s1+$0x15180] =	vst v2  }
0x34: {  	[tilespmem:s1+$0x17180] =	vst v2  }
0x35: {  	[tilespmem:s1+$0x19180] =	vst v2  }
0x36: {  	[tilespmem:s1+$0x1B180] =	vst v2  }
0x37: {  	[tilespmem:s1+$0x11190] =	vst v2  }
0x38: {  	[tilespmem:s1+$0x13190] =	vst v2  }
0x39: {  	[tilespmem:s1+$0x15190] =	vst v2  }
0x3a: {  	[tilespmem:s1+$0x17190] =	vst v2  }
0x3b: {  	[tilespmem:s1+$0x19190] =	vst v2  }
0x3c: {  	[tilespmem:s1+$0x1B190] =	vst v2  }
0x3d: {  	[tilespmem:s1+$0x111A0] =	vst v2  }
0x3e: {  	[tilespmem:s1+$0x131A0] =	vst v2  }
0x3f: {  	[tilespmem:s1+$0x151A0] =	vst v2  }
0x40: {  	[tilespmem:s1+$0x171A0] =	vst v2  }
0x41: {  	[tilespmem:s1+$0x191A0] =	vst v2  }
0x42: {  	[smem:$0x0] =	sst s4;
	[tilespmem:s1+$0x1B1A0] =	vst v2  }
0x43: {  	[smem:$0x1] =	sst s4;
	s2 =	simm.s32 $0x0;
	s3 =	simm.s32 $0x0;
	[tilespmem:s1+$0x111B0] =	vst v2  }
.LBB2_2:
0x44: {  	s0 =	sadd.s32 $0x4, s0;
	[tilespmem:s1+$0x131B0] =	vst v2;
	s2 =	sadd.s32 $0x100, s2  }
0x45: {  	s3 =	sadd.s32 $0x40, s3;
	s4 =	sand.u32 $0x180, s0;
	s5 =	sand.u32 $0x1E00, s2;
	[tilespmem:s1+$0x151B0] =	vst v2  }
0x46: {  	s6 =	sand.u32 $0x40, s3;
	p0 =	slt.u32 s0, $0x1FC;
	s4 =	sor.u32 s4, s5;
	[tilespmem:s1+$0x171B0] =	vst v2  }
0x47: {  	[tilespmem:s1+$0x191B0] =	vst v2;
	s1 =	sor.u32 s6, s4  }
0x48: {  	[tilespmem:s1+$0x1B1B0] =	vst v2  }
0x49: {  	[tilespmem:s1+$0x11180] =	vst v2  }
0x4a: {  	[tilespmem:s1+$0x13180] =	vst v2  }
0x4b: {  	[tilespmem:s1+$0x15180] =	vst v2  }
0x4c: {  	[tilespmem:s1+$0x17180] =	vst v2  }
0x4d: {  	[tilespmem:s1+$0x19180] =	vst v2  }
0x4e: {  	[tilespmem:s1+$0x1B180] =	vst v2  }
0x4f: {  	[tilespmem:s1+$0x11190] =	vst v2  }
0x50: {  	[tilespmem:s1+$0x13190] =	vst v2  }
0x51: {  	[tilespmem:s1+$0x15190] =	vst v2  }
0x52: {  	[tilespmem:s1+$0x17190] =	vst v2  }
0x53: {  	[tilespmem:s1+$0x19190] =	vst v2  }
0x54: {  	[tilespmem:s1+$0x1B190] =	vst v2  }
0x55: {  	[tilespmem:s1+$0x111A0] =	vst v2  }
0x56: {  	[tilespmem:s1+$0x131A0] =	vst v2  }
.Ltmp2:
0x57: {  	[tilespmem:s1+$0x151A0] =	vst v2;
	(pc) =	sbr.rel @p0 .LBB2_2-.Ltmp2, $4  }
0x58: {  	[tilespmem:s1+$0x171A0] =	vst v2  }
0x59: {  	[tilespmem:s1+$0x191A0] =	vst v2  }
0x5a: {  	[tilespmem:s1+$0x1B1A0] =	vst v2  }
0x5b: {  	[tilespmem:s1+$0x111B0] =	vst v2  }
0x5c: {  	[tilespmem:s1+$0x131B0] =	vst v2  }
0x5d: {  	[tilespmem:s1+$0x151B0] =	vst v2  }
0x5e: {  	[tilespmem:s1+$0x171B0] =	vst v2  }
0x5f: {  	[tilespmem:s1+$0x191B0] =	vst v2;
	s0 =	simm.s32 $0x2  }
0x60: {  	_ =	swait.ge [sflag:s0], $0x4E80  }
0x61: {  	[sflag:s0] =	ssyncset.done $0x0  }
0x62: {  	s15 =	simm.s32 $0x20;
	[sflag:s0] =	ssyncadd.s32 $0xFFFFB180  }
0x63: {  	v15 =	vld [tilespmem:s15+$0xFFFFFFE0]  }
0x64: {  	v8 =	vld [tilespmem:s15+$0xFFFFFFF0]  }
0x65: {  	v7 =	vld [tilespmem:s15+$0x0]  }
0x66: {  	v6 =	vld [tilespmem:s15+$0x10];
	_ =	sdelay $0x1  }
0x67: {  	v9 =	vimm.s32 $0x0;
	vm0 =	vge.s32 v15, v0  }
0x68: {  	vm1 =	vlt.s32 v15, v1;
	vm2 =	vge.s32 v8, v0;
	vm3 =	vlt.s32 v8, v1  }
0x69: {  	vm4 =	vlt.s32 v7, v1;
	vm0 =	vmand vm0, vm1;
	vm1 =	vge.s32 v7, v0  }
0x6a: {  	vm3 =	vmand vm2, vm3;
	vm2 =	vge.s32 v6, v0;
	v10 =	vmpcnt.ones.xlane vm0  }
0x6b: {  	vm0 =	vmmov vm0;
	v11 =	vmpcnt.ones.xlane vm3;
	vm1 =	vmand vm1, vm4  }
0x6c: {  	vm4 =	vlt.s32 v6, v1;
	v13 =	vsel vm3, $0x1, v3;
	v12 =	vsel vm0, $0x1, v3  }
0x6d: {  	vm2 =	vmand vm2, vm4;
	v10 =	vadd.s32 v9, v10;
	(xrf0) =	vadd.scan.msk.s32 $0xffff, v12;
	v12 =	vmpcnt.ones.xlane vm1  }
0x6e: {  	v14 =	vsel vm1, $0x1, v3;
	(xrf0) =	vadd.scan.msk.s32 $0xffff, v13;
	v11 =	vadd.s32 v10, v11;
	v13 =	vmpcnt.ones.xlane vm2  }
0x6f: {  	v17 =	vsel vm0, $0xFFFFFFFF, v3;
	v16 =	vsel vm2, $0x1, v3;
	(xrf0) =	vadd.scan.msk.s32 $0xffff, v14;
	v14 =	vadd.s32 v11, v12  }
0x70: {  	s2 =	simm.s32 $0x60;
	(xrf0) =	vadd.scan.msk.s32 $0xffff, v16;
	v12 =	vadd.s32 v14, v13;
	v13 =	vsel vm3, $0xFFFFFFFF, v3;
	v16 =	vsel vm1, $0xFFFFFFFF, v3  }
0x71: {  	v13 =	vadd.s32 v13, v10;
	v10 =	vadd.s32 v17, v9;
	v9 =	vld [tilespmem:s2+$0xFFFFFFE0]  }
0x72: {  	v18 =	vsel vm2, $0xFFFFFFFF, v3;
	v19 =	vadd.s32 v16, v11;
	v11 =	vld [tilespmem:s2+$0xFFFFFFF0]  }
0x73: {  	s0 =	simm.s32 $0x0;
	v14 =	vadd.s32 v18, v14;
	vm1 =	vmmov vm1;
	v16, _, _ =	vpop (xrf0)  }
0x74: {  	s18 =	simm.s32 $0x10;
	vm3 =	vmmov vm3;
	v18 =	vor.u32 s0, v4;
	v17 =	vadd.s32 v16, v10;
	v20, _, _ =	vpop (xrf0)  }
0x75: {  	v16 =	vor.u32 s18, v4;
	v10 =	vld [tilespmem:s2+$0x0];
	vm4 =	vlt.s32 v17, $0x4FF;
	v21 =	vadd.s32 v20, v13;
	v22, _, _ =	vpop (xrf0)  }
0x76: {  	v13 =	vld [tilespmem:s2+$0x10];
	v20 =	vnsel vm4, $0x4FF, v17;
	vm4 =	vlt.s32 v21, $0x4FF;
	v22 =	vadd.s32 v22, v19  }
0x77: {  	vm6 =	vge.s32 v9, v0;
	vm9 =	vge.s32 v11, v0;
	vm11 =	vlt.s32 v11, v1;
	v17, _, _ =	vpop (xrf0)  }
0x78: {  	v19 =	vnsel vm4, $0x4FF, v21;
	vm4 =	vlt.s32 v22, $0x4FF;
	v17 =	vadd.s32 v17, v14  }
0x79: {  	v14 =	vnsel vm4, $0x4FF, v22;
	vm4 =	vlt.s32 v9, v1;
	vm5 =	vlt.s32 v17, $0x4FF  }
0x7a: {  	vm8 =	vmand vm6, vm4;
	vm7 =	vge.s32 v10, v0;
	vm10 =	vlt.s32 v10, v1  }
0x7b: {  	s3 =	simm.s32 $0x4;
	s1 =	simm.s32 $0x0;
	vm4 =	vmand vm9, vm11;
	v21 =	vmpcnt.ones.xlane vm8;
	vm9 =	vge.s32 v13, v0;
	[tilespmem:v20+s16+$0x0] =	vst.idx.msk vm0, v15;
	v15 =	vmovc v12  }
.LBB2_4:
0x7c: {  	v22 =	vmpcnt.ones.xlane vm4;
	vm7 =	vmand vm7, vm10  }
0x7d: {  	s3 =	sadd.s32 $0x4, s3;
	vm10 =	vlt.s32 v13, v1;
	[tilespmem:v20+s17+$0x0] =	vst.idx.msk vm0, v18;
	v23 =	vmovc v13;
	vm6 =	vmmov vm2;
	vm0 =	vmmov vm8  }
0x7e: {  	p0 =	slt.u32 s3, $0x4DC;
	v13 =	vadd.s32 v12, v21;
	v12 =	vmpcnt.ones.xlane vm7;
	vm2 =	vmand vm9, vm10;
	[tilespmem:v19+s16+$0x0] =	vst.idx.msk vm3, v8;
	v8 =	vmovc v11  }
0x7f: {  	v11 =	vsel vm0, $0x1, v3;
	v18 =	vadd.s32 v13, v22;
	v20 =	vmpcnt.ones.xlane vm2;
	[tilespmem:v19+s17+$0x0] =	vst.idx.msk vm3, v16  }
0x80: {  	v16 =	vsel vm4, $0x1, v3;
	v19 =	vsel vm7, $0x1, v3;
	v21 =	vadd.s32 v18, v12;
	(xrf0) =	vadd.scan.msk.s32 $0xffff, v11  }
0x81: {  	v22 =	vsel vm2, $0x1, v3;
	v11 =	vsel vm0, $0xFFFFFFFF, v3;
	v12 =	vadd.s32 v21, v20;
	(xrf0) =	vadd.scan.msk.s32 $0xffff, v16  }
0x82: {  	v24 =	vsel vm2, $0xFFFFFFFF, v3;
	v16 =	vsel vm4, $0xFFFFFFFF, v3;
	v20 =	vsel vm7, $0xFFFFFFFF, v3;
	(xrf0) =	vadd.scan.msk.s32 $0xffff, v19  }
0x83: {  	s4 =	sadd.s32 $0x20, s0;
	v21 =	vadd.s32 v24, v21;
	v13 =	vadd.s32 v16, v13;
	v19 =	vadd.s32 v20, v18;
	(xrf0) =	vadd.scan.msk.s32 $0xffff, v22  }
0x84: {  	v16 =	vadd.s32 v11, v15;
	v11 =	vor.u32 s4, v4;
	v15 =	vmovc v12;
	v22 =	vnsel vm5, $0x4FF, v17;
	[tilespmem:v14+s16+$0x0] =	vst.idx.msk vm1, v7  }
0x85: {  	s2 =	sadd.s32 $0x40, s2;
	s0 =	sadd.s32 $0x40, s0;
	vm3 =	vmmov vm4;
	v7 =	vmov v10;
	[tilespmem:v14+s17+$0x0] =	vst.idx.msk vm1, v11;
	vm1 =	vmmov vm7  }
0x86: {  	s4 =	sadd.s32 $0x10, s0;
	v24 =	vld [tilespmem:s2+$0xFFFFFFE0];
	v10, _, _ =	vpop (xrf0)  }
0x87: {  	v18 =	vor.u32 s0, v4;
	v11 =	vld [tilespmem:s2+$0xFFFFFFF0];
	v14 =	vadd.s32 v10, v16;
	v16 =	vor.u32 s4, v4;
	v17, _, _ =	vpop (xrf0);
	s4 =	sadd.s32 $0x30, s1;
	s1 =	smov.u32 s0  }
0x88: {  	v10 =	vld [tilespmem:s2+$0x0];
	vm4 =	vlt.s32 v14, $0x4FF;
	v17 =	vadd.s32 v17, v13;
	v25, _, _ =	vpop (xrf0);
	v26 =	vor.u32 s4, v4  }
0x89: {  	v13 =	vld [tilespmem:s2+$0x10];
	v20 =	vnsel vm4, $0x4FF, v14;
	vm4 =	vlt.s32 v17, $0x4FF;
	v14 =	vadd.s32 v25, v19;
	v25, _, _ =	vpop (xrf0);
	[tilespmem:v22+s16+$0x0] =	vst.idx.msk vm6, v6  }
.Ltmp3:
0x8a: {  	v6 =	vmovc v23;
	v19 =	vnsel vm4, $0x4FF, v17;
	vm4 =	vlt.s32 v14, $0x4FF;
	v17 =	vadd.s32 v25, v21;
	[tilespmem:v22+s17+$0x0] =	vst.idx.msk vm6, v26;
	(pc) =	sbr.rel @p0 .LBB2_4-.Ltmp3, $4  }
0x8b: {  	vm6 =	vge.s32 v24, v0;
	v14 =	vnsel vm4, $0x4FF, v14;
	vm5 =	vlt.s32 v17, $0x4FF  }
0x8c: {  	vm4 =	vlt.s32 v24, v1;
	vm9 =	vge.s32 v11, v0;
	vm11 =	vlt.s32 v11, v1  }
0x8d: {  	vm8 =	vmand vm6, vm4;
	vm7 =	vge.s32 v10, v0;
	vm10 =	vlt.s32 v10, v1  }
0x8e: {  	v21 =	vmpcnt.ones.xlane vm8;
	vm4 =	vmand vm9, vm11;
	vm9 =	vge.s32 v13, v0;
	[tilespmem:v20+s16+$0x0] =	vst.idx.msk vm0, v9;
	v9 =	vmovc v24  }
0x8f: {  	vm6 =	vmmov vm8  }
0x90: {  	v22 =	vsel vm6, $0x1, v3  }
0x91: {  	(xrf0) =	vadd.scan.msk.s32 $0xffff, v22  }
0x92: {  	v50 =	vsel vm4, $0x1, v3  }
0x93: {  	vm8 =	vmand vm7, vm10;
	(xrf0) =	vadd.scan.msk.s32 $0xffff, v50  }
0x94: {  	v23 =	vmpcnt.ones.xlane vm4;
	vm14 =	vlt.s32 v13, v1;
	v51 =	vsel vm8, $0x1, v3  }
0x95: {  	vm15 =	vmmov vm2;
	v55 =	vsel vm4, $0xFFFFFFFF, v3;
	vm2 =	vmand vm9, vm14;
	(xrf0) =	vadd.scan.msk.s32 $0xffff, v51  }
0x96: {  	v17 =	vnsel vm5, $0x4FF, v17;
	v54 =	vsel vm6, $0xFFFFFFFF, v3;
	v24 =	vsel vm2, $0x1, v3  }
0x97: {  	vm10 =	vmmov vm4;
	v12 =	vadd.s32 v12, v21;
	v15 =	vadd.s32 v54, v15;
	(xrf0) =	vadd.scan.msk.s32 $0xffff, v24;
	v56, _, _ =	vpop (xrf0)  }
0x98: {  	[tilespmem:v20+s17+$0x0] =	vst.idx.msk vm0, v18;
	v52 =	vmpcnt.ones.xlane vm8;
	v57 =	vsel vm8, $0xFFFFFFFF, v3;
	v15 =	vadd.s32 v56, v15  }
0x99: {  	[tilespmem:v19+s16+$0x0] =	vst.idx.msk vm3, v8;
	s2 =	sadd.s32 $0x20, s0;
	v53 =	vadd.s32 v12, v23;
	v12 =	vadd.s32 v55, v12;
	v58, _, _ =	vpop (xrf0);
	vm9 =	vlt.s32 v15, $0x4FF  }
0x9a: {  	[tilespmem:v14+s16+$0x0] =	vst.idx.msk vm1, v7;
	v7 =	vor.u32 s2, v4;
	v12 =	vadd.s32 v58, v12;
	v15 =	vnsel vm9, $0x4FF, v15  }
0x9b: {  	[tilespmem:v19+s17+$0x0] =	vst.idx.msk vm3, v16;
	v8 =	vsel vm2, $0xFFFFFFFF, v3;
	v59 =	vadd.s32 v57, v53;
	v60, _, _ =	vpop (xrf0);
	vm11 =	vlt.s32 v12, $0x4FF  }
0x9c: {  	s1 =	sadd.s32 $0x30, s1;
	[tilespmem:v14+s17+$0x0] =	vst.idx.msk vm1, v7;
	v21 =	vadd.s32 v53, v52;
	v7 =	vadd.s32 v60, v59;
	v12 =	vnsel vm11, $0x4FF, v12  }
0x9d: {  	v61 =	vor.u32 s1, v4;
	v8 =	vadd.s32 v8, v21;
	[tilespmem:v17+s16+$0x0] =	vst.idx.msk vm15, v6;
	v62, _, _ =	vpop (xrf0);
	vm13 =	vlt.s32 v7, $0x4FF  }
0x9e: {  	s14 =	sadd.s32 $0x40, s0;
	[tilespmem:v17+s17+$0x0] =	vst.idx.msk vm15, v61;
	v6 =	vadd.s32 v62, v8;
	v7 =	vnsel vm13, $0x4FF, v7  }
0x9f: {  	v8 =	vor.u32 s14, v4;
	vm14 =	vlt.s32 v6, $0x4FF;
	[tilespmem:v15+s16+$0x0] =	vst.idx.msk vm6, v9  }
0xa0: {  	s15 =	sadd.s32 $0x10, s14;
	[tilespmem:v15+s17+$0x0] =	vst.idx.msk vm6, v8;
	v8 =	vnsel vm14, $0x4FF, v6  }
0xa1: {  	v6 =	vor.u32 s15, v4;
	[tilespmem:v12+s16+$0x0] =	vst.idx.msk vm10, v11  }
0xa2: {  	s18 =	sadd.s32 $0x20, s14;
	[tilespmem:v12+s17+$0x0] =	vst.idx.msk vm10, v6  }
0xa3: {  	[tilespmem:v7+s16+$0x0] =	vst.idx.msk vm8, v10;
	v6 =	vor.u32 s18, v4  }
0xa4: {  	s0 =	sadd.s32 $0x30, s14;
	v63 =	vmpcnt.ones.xlane vm2;
	[tilespmem:v7+s17+$0x0] =	vst.idx.msk vm8, v6  }
0xa5: {  	v7 =	vor.u32 s0, v4;
	[tilespmem:v8+s16+$0x0] =	vst.idx.msk vm2, v13  }
0xa6: {  	vm12 =	vmmov vm8;
	s1 =	simm.s32 $0x4E00;
	vm15 =	vmmov vm2;
	v6 =	vadd.s32 v21, v63;
	s0 =	simm.s32 $0x4E00;
	[tilespmem:v8+s17+$0x0] =	vst.idx.msk vm2, v7  }
.LBB2_6:
0xa7: {  	v7 =	vld [tilespmem:s0+$0x0];
	_ =	sdelay $0x4  }
0xa8: {  	vm0 =	vge.s32 v7, v0;
	vm1 =	vlt.s32 v7, v1  }
0xa9: {  	vm0 =	vmand vm0, vm1  }
0xaa: {  	v8 =	vsel vm0, $0x1, v3  }
0xab: {  	(xrf0) =	vadd.scan.msk.s32 $0xffff, v8;
	_ =	sdelay $0x4  }
0xac: {  	v8 =	vsel vm0, $0xFFFFFFFF, v3  }
0xad: {  	v8 =	vadd.s32 v8, v6;
	v9, _, _ =	vpop (xrf0)  }
0xae: {  	v8 =	vadd.s32 v9, v8  }
0xaf: {  	vm15 =	vlt.s32 v8, $0x4FF  }
0xb0: {  	v8 =	vnsel vm15, $0x4FF, v8  }
0xb1: {  	p0 =	sne.s32 s1, $0x4E10  }
.Ltmp4:
0xb2: {  	_ = 	snop;
	(pc) =	sbr.rel @p0 .LBB2_6-.Ltmp4, $4  }
0xb3: {  	_ = 	snop  }
0xb4: {  	v63 =	vmpcnt.ones.xlane vm0  }
0xb5: {  	[tilespmem:v8+s16+$0x0] =	vst.idx.msk vm0, v7;
	v7 =	vor.u32 s1, v4  }
0xb6: {  	s0 =	sadd.s32 $0x10, s0;
	v6 =	vadd.s32 v6, v63;
	s1 =	sadd.s32 $0x10, s1;
	[tilespmem:v8+s17+$0x0] =	vst.idx.msk vm0, v7  }
0xb7: {  	v6 =	vxor.u32 $0x80000000, v6  }
0xb8: {  	(xrf0) =	vmax.scan.msk.u32 $0xffff, v6;
	_ =	sdelay $0x5  }
0xb9: {  	v6, _, _ =	vpop (xrf0)  }
0xba: {  	(v2sf) =	vpush v6, $0xF;
	_ =	sdelay $0xe  }
0xbb: {  	s0 =	spop (v2sf)  }
0xbc: {  	_ =	swait.ge [sflag:s7], $0x4E80  }
0xbd: {  	[sflag:s7] =	ssyncset.done $0x0  }
0xbe: {  	[sflag:s7] =	ssyncadd.s32 $0xFFFFB180  }
0xbf: {  	_ =	swait.ge [sflag:s7], $0x4E80  }
0xc0: {  	[sflag:s7] =	ssyncset.done $0x0  }
0xc1: {  	s1 =	sadd.s32 $0x8000000F, s0;
	[sflag:s7] =	ssyncadd.s32 $0xFFFFB180  }
0xc2: {  	s2 =	sshra.s32 s1, $0x1F;
	s3 =	sand.u32 $0xF, s1;
	_ =	swait.ge [sflag:s7], $0x480  }
0xc3: {  	p0 =	slt.s32 s1, $0x1;
	p1 =	sne.s32 s3, $0x0;
	[sflag:s7] =	ssyncset.done $0x0  }
0xc4: {  	s2 =	sshrl.u32 s2, $0x1C;
	p0 =	por !p0, !p1;
	[sflag:s7] =	ssyncadd.s32 $0xFFFFFB80  }
0xc5: {  	s1 =	sadd.s32 s2, s1;
	s2 =	simm.s32 $0x1;
	p0 =	por !p0, !p0;
	v6 =	vld [tilespmem:$0xEB80]  }
0xc6: {  	s1 =	sshra.s32 s1, $0x4;
	s2 =	simm.s32 @!p0 $0x0;
	v7 =	vld [tilespmem:$0xEC00]  }
0xc7: {  	s2 =	ssub.s32 s1, s2;
	v8 =	vld [tilespmem:$0xEC80]  }
0xc8: {  	s1 =	sshrl.u32 s2, $0x1F;
	v9 =	vld [tilespmem:$0xED00]  }
.Ltmp5:
0xc9: {  	s1 =	sadd.s32 s1, s2;
	v10 =	vld [tilespmem:$0xED80];
	(pc) =	sbr.rel .LBB2_8-.Ltmp5, $4  }
0xca: {  	s18 =	sxor.u32 $0x80000000, s0;
	s6 =	sand.u32 $0xFFFFFFFE, s1;
	v14 =	vld [tilespmem:$0xEF80]  }
0xcb: {  	s7 =	sadd.s32 $0x7FFFFFF0, s0;
	v11 =	vld [tilespmem:$0xEE00];
	s1 =	sshll.u32 s6, $0x4;
	s2 =	ssub.s32 s2, s6  }
0xcc: {  	v12 =	vld [tilespmem:$0xEE80];
	p0 =	slt.s32 s6, $0x1;
	[dreg:$0xb] =	wrdreg s1;
	s3 =	ssub.s32 s18, s1  }
0xcd: {  	v13 =	vld [tilespmem:$0xEF00];
	p1 =	slt.s32 s2, $0x1;
	s1 =	rddreg [dreg:$0x7];
	v15 =	vmov s3;
	s3 =	simm.s32 $0x0  }
.LBB2_33:
0xce: {  	_ =	sdelay $0x3  }
0xcf: {  	v16 =	vmax.f32 v18, v14  }
0xd0: {  	[tilespmem:v17+s21+$0x0] =	vst.idx.msk vm0, v16  }
.LBB2_34:
0xd1: {  	s0 =	sshll.u32 s3, $0x9  }
0xd2: {  	s2 =	sand.u32 $0x3FC000, s11;
	s0 =	sand.u32 $0x200, s0  }
0xd3: {  	s0 =	sor.u32 s0, s2  }
0xd4: {  	s0 =	sshrl.u32 s0, $0x3  }
0xd5: {  	s4 =	simm.s32 $0x200;
	s5 =	simm.s32 $0x400;
	s14 =	sadd.s32 s24, s0  }
0xd6: {  	[hbm4b:s14+s4] =	stream.strided.scatter [tilespmem:s21], [sflag:$0x1], $0x2000, s5, s4, $0x38;
	[tilespmem:$0x1D180] =	vst v63  }
0xd7: {  	s18 =	rddreg [dreg:$0x8];
	s15 =	sadd.s32 s25, s0  }
0xd8: {  	[hbm4b:s15+s4] =	stream.strided.scatter [tilespmem:s19], [sflag:$0x1], $0x2000, s5, s4, $0x38;
	[tilespmem:$0x1D180] =	vst v63  }
0xd9: {  	s0 =	sadd.s32 s0, s18  }
0xda: {  	[hbm4b:s0+s4] =	stream.strided.scatter [tilespmem:s20], [sflag:$0x1], $0x2000, s5, s4, $0x38;
	[tilespmem:$0x1D180] =	vst v63  }
.LBB2_35:
0xdb: {  	s3 =	sadd.s32 $0x1, s3  }
0xdc: {  	p2 =	sne.s32 s3, $0x10  }
.Ltmp6:
0xdd: {  	_ = 	snop;
	(pc) =	sbr.rel @!p2 .LBB2_36-.Ltmp6, $1  }
0xde: {  	_ =	sdelay $0x3  }
.LBB2_8:
0xdf: {  	s11 =	sand.u32 $0x1, s3  }
0xe0: {  	p2 =	seq.s32 s11, $0x1  }
.Ltmp7:
0xe1: {  	_ = 	snop;
	(pc) =	sbr.rel @p2 .LBB2_22-.Ltmp7, $4  }
0xe2: {  	_ = 	snop  }
0xe3: {  	s0 =	sshll.u32 s3, $0x2  }
0xe4: {  	s4 =	sadd.s32 s1, s0  }
0xe5: {  	s14 =	sadd.s32 $0xFFFFFFF8, s4  }
0xe6: {  	p2 =	slt.u32 s3, $0x2  }
0xe7: {  	s0 =	simm.s32 @!p2 $0x1  }
0xe8: {  	_ =	swait.ge @!p2 [sflag:s0], $0x2000  }
0xe9: {  	[sflag:s0] =	ssyncset.done @!p2 $0x0  }
0xea: {  	[sflag:s0] =	ssyncadd.s32 @!p2 $0xFFFFE000  }
0xeb: {  	_ =	swait.ge @!p2 [sflag:s0], $0x2000  }
0xec: {  	[sflag:s0] =	ssyncset.done @!p2 $0x0  }
0xed: {  	[sflag:s0] =	ssyncadd.s32 @!p2 $0xFFFFE000  }
0xee: {  	_ =	swait.ge @!p2 [sflag:s0], $0x2000  }
0xef: {  	[sflag:s0] =	ssyncset.done @!p2 $0x0  }
0xf0: {  	[sflag:s0] =	ssyncadd.s32 @!p2 $0xFFFFE000  }
0xf1: {  	s8 =	sld [smem:$0x0];
	_ =	sdelay $0x2  }
0xf2: {  	s15 =	sadd.s32 $0xF, s8  }
0xf3: {  	s2 =	sand.u32 $0xF, s15  }
0xf4: {  	s18 =	sshra.s32 s15, $0x1F;
	p3 =	slt.s32 s15, $0x1;
	p6 =	sne.s32 s2, $0x0  }
0xf5: {  	s2 =	sshrl.u32 s18, $0x1C;
	p2 =	por !p3, !p6  }
0xf6: {  	s0 =	sadd.s32 s2, s15;
	s2 =	simm.s32 $0x1;
	p2 =	por !p2, !p2  }
0xf7: {  	s0 =	sshra.s32 s0, $0x4;
	s2 =	simm.s32 @!p2 $0x0  }
0xf8: {  	s15 =	ssub.s32 s0, s2  }
0xf9: {  	s0 =	sshrl.u32 s15, $0x1F  }
0xfa: {  	s0 =	sadd.s32 s0, s15  }
0xfb: {  	s0 =	sand.u32 $0xFFFFFFFE, s0  }
0xfc: {  	p2 =	slt.s32 s0, $0x1  }
.Ltmp8:
0xfd: {  	_ = 	snop;
	(pc) =	sbr.rel @p2 .LBB2_13-.Ltmp8, $2  }
0xfe: {  	_ =	sdelay $0x2  }
0xff: {  	v16 =	vmov s14  }
0x100: {  	s2 =	simm.s32 $0x10790  }
0x101: {  	v17 =	vld [tilespmem:s2+$0x0]  }
0x102: {  	v20 =	vld [tilespmem:s2+$0xFFFFFFF0];
	_ =	sdelay $0x1  }
0x103: {  	s18 =	sadd.s32 $0xFFFFFFF0, s8  }
0x104: {  	s10 =	sadd.s32 $0x10, s18;
	v19 =	vmov s18  }
0x105: {  	v21 =	vmov s10;
	vm0 =	vgt.s32 v19, v4  }
0x106: {  	vm6 =	vgt.s32 v21, v4;
	v18 =	vshrl.u32 v17, $0xB;
	v23 =	vshrl.u32 v20, $0xB  }
0x107: {  	v21 =	vand.u32 $0x7FF, v17;
	v26 =	vand.u32 $0x7F, v17;
	v17 =	vshll.u32 v17, $0x2  }
0x108: {  	v62 =	vand.u32 $0x7F, v20;
	v18 =	vsub.s32 v18, v16;
	v23 =	vsub.s32 v23, v16  }
0x109: {  	v17 =	vand.u32 $0x1E00, v17;
	v27 =	vmax.u32 v21, $0x1;
	v21 =	vmin.u32 v21, $0x7FE  }
0x10a: {  	vm1 =	vlt.u32 v18, $0x4;
	v19 =	vadd.s32 $0xFFFFFFFF, v18;
	v22 =	vadd.s32 $0x1, v18  }
0x10b: {  	v24 =	vadd.s32 $0xFFFFFFFF, v23;
	v25 =	vadd.s32 $0x1, v23;
	v17 =	vor.u32 v26, v17  }
0x10c: {  	v26 =	vsub.s32 v27, v5;
	v21 =	vadd.s32 $0x1, v21;
	vm4 =	vmand vm0, vm1  }
0x10d: {  	vm1 =	vlt.u32 v19, $0x4;
	vm2 =	vlt.u32 v22, $0x4;
	vm7 =	vlt.u32 v25, $0x4  }
0x10e: {  	v27 =	vand.u32 $0x7F, v21;
	v28 =	vand.u32 $0x7F, v26;
	v26 =	vshll.u32 v26, $0x2  }
0x10f: {  	v21 =	vshll.u32 v21, $0x2;
	vm5 =	vmand vm0, vm1;
	vm3 =	vmand vm0, vm2  }
0x110: {  	vm0 =	vlt.u32 v23, $0x4;
	vm2 =	vlt.u32 v24, $0x4;
	v18 =	vnsel vm4, $0x0, v18  }
0x111: {  	v26 =	vand.u32 $0x1E00, v26;
	v21 =	vand.u32 $0x3E00, v21;
	vm1 =	vmand vm6, vm0  }
0x112: {  	vm2 =	vmand vm6, vm2;
	vm0 =	vmand vm6, vm7;
	v29 =	vshll.u32 v18, $0xB  }
0x113: {  	v26 =	vor.u32 v28, v26;
	v18 =	vshll.u32 v18, $0x7;
	v19 =	vnsel vm5, $0x0, v19  }
0x114: {  	v22 =	vnsel vm3, $0x0, v22;
	v28 =	vand.u32 $0xFFFFE000, v29;
	v18 =	vand.u32 $0x180, v18  }
0x115: {  	v30 =	vshll.u32 v19, $0xB;
	v19 =	vshll.u32 v19, $0x7;
	v33 =	vshll.u32 v22, $0xB  }
0x116: {  	v22 =	vshll.u32 v22, $0x7;
	v24 =	vnsel vm2, $0x0, v24;
	v25 =	vnsel vm0, $0x0, v25  }
0x117: {  	v23 =	vnsel vm1, $0x0, v23;
	v29 =	vor.u32 v28, v17;
	v30 =	vand.u32 $0xFFFFE000, v30  }
0x118: {  	v19 =	vand.u32 $0x180, v19;
	v60 =	vor.u32 v28, v26;
	v28 =	vadd.s32 v21, v28  }
0x119: {  	v33 =	vand.u32 $0xFFFFE000, v33;
	v29 =	vor.u32 v18, v29;
	v31 =	vor.u32 v30, v26  }
0x11a: {  	v32 =	vadd.s32 v21, v30;
	v30 =	vor.u32 v30, v17;
	v26 =	vor.u32 v33, v26  }
0x11b: {  	v31 =	vor.u32 v19, v31;
	v32 =	vor.u32 v19, v32;
	v19 =	vor.u32 v19, v30  }
0x11c: {  	v30 =	vor.u32 v27, v32;
	v32 =	vor.u32 v18, v60;
	v18 =	vor.u32 v18, v28  }
0x11d: {  	v17 =	vor.u32 v33, v17;
	v28 =	vor.u32 v27, v18;
	v18 =	vand.u32 $0x180, v22  }
0x11e: {  	v21 =	vadd.s32 v21, v33;
	v22 =	vor.u32 v18, v26;
	v26 =	vand.u32 $0x7FF, v20  }
0x11f: {  	v21 =	vor.u32 v18, v21;
	v17 =	vor.u32 v18, v17;
	[tilespmem:v29+s26+$0x0] =	vst.idx.msk vm4, v2;
	v18 =	vmax.u32 v26, $0x1  }
0x120: {  	v21 =	vor.u32 v27, v21;
	v26 =	vmin.u32 v26, $0x7FE;
	[tilespmem:v29+s28+$0x0] =	vst.idx.msk vm4, v2;
	v27 =	vsub.s32 v18, v5  }
0x121: {  	v18 =	vadd.s32 $0x1, v26;
	v26 =	vshll.u32 v24, $0xB;
	v24 =	vshll.u32 v24, $0x7;
	[tilespmem:v31+s29+$0x0] =	vst.idx.msk vm5, v2  }
0x122: {  	v31 =	vshll.u32 v25, $0xB;
	v61 =	vshll.u32 v27, $0x2;
	v34 =	vshll.u32 v18, $0x2;
	[tilespmem:v19+s29+$0x0] =	vst.idx.msk vm5, v2  }
0x123: {  	v26 =	vand.u32 $0xFFFFE000, v26;
	v25 =	vshll.u32 v25, $0x7;
	v27 =	vand.u32 $0x7F, v27;
	[tilespmem:v30+s29+$0x0] =	vst.idx.msk vm5, v2  }
0x124: {  	v19 =	vshll.u32 v23, $0xB;
	v31 =	vand.u32 $0xFFFFE000, v31;
	v30 =	vshll.u32 v20, $0x2;
	[tilespmem:v32+s29+$0x0] =	vst.idx.msk vm4, v2  }
0x125: {  	v23 =	vshll.u32 v23, $0x7;
	v19 =	vand.u32 $0xFFFFE000, v19;
	v30 =	vand.u32 $0x1E00, v30;
	[tilespmem:v29+s29+$0x0] =	vst.idx.msk vm4, v2  }
0x126: {  	p2 =	sgt.s32 s0, $0x2;
	v20 =	vand.u32 $0x180, v23;
	v29 =	vand.u32 $0x3E00, v34;
	v32 =	vor.u32 v62, v30;
	[tilespmem:v28+s29+$0x0] =	vst.idx.msk vm4, v2  }
.Ltmp9:
0x127: {  	v28 =	vand.u32 $0x1E00, v61;
	v63 =	vadd.s32 v29, v26;
	v34 =	vadd.s32 v29, v19;
	[tilespmem:v22+s29+$0x0] =	vst.idx.msk vm3, v2;
	(pc) =	sbr.rel @!p2 .LBB2_12-.Ltmp9, $4  }
0x128: {  	v29 =	vadd.s32 v29, v31;
	v22 =	vand.u32 $0x180, v24;
	[tilespmem:v17+s29+$0x0] =	vst.idx.msk vm3, v2;
	v17 =	vor.u32 v27, v28  }
0x129: {  	v24 =	vor.u32 v22, v63;
	v28 =	vor.u32 v19, v32;
	[tilespmem:v21+s29+$0x0] =	vst.idx.msk vm3, v2;
	v21 =	vand.u32 $0x180, v25  }
0x12a: {  	v30 =	vor.u32 v26, v17;
	v25 =	vor.u32 v20, v34;
	v27 =	vor.u32 v31, v17  }
0x12b: {  	s5 =	simm.s32 $0x2;
	s2 =	simm.s32 $0x107B0;
	v23 =	vor.u32 v21, v29;
	v29 =	vor.u32 v26, v32;
	v26 =	vor.u32 v31, v32  }
.LBB2_11:
0x12c: {  	v31 =	vld [tilespmem:s2+$0x0];
	v30 =	vor.u32 v22, v30;
	v18 =	vand.u32 $0x7F, v18;
	v19 =	vor.u32 v19, v17  }
0x12d: {  	v22 =	vor.u32 v22, v29;
	v17 =	vld [tilespmem:s2+$0xFFFFFFF0];
	v24 =	vor.u32 v18, v24;
	v23 =	vor.u32 v18, v23  }
0x12e: {  	s18 =	sadd.s32 $0xFFFFFFE0, s18;
	v18 =	vor.u32 v18, v25;
	v25 =	vor.u32 v21, v27;
	v21 =	vor.u32 v21, v26  }
0x12f: {  	s9 =	sadd.s32 $0x10, s18;
	v26 =	vmov s18;
	v27 =	vor.u32 v20, v28;
	v19 =	vor.u32 v20, v19  }
0x130: {  	v20 =	vmov s9;
	vm4 =	vgt.s32 v26, v4  }
0x131: {  	v26 =	vand.u32 $0x7FF, v31;
	v28 =	vand.u32 $0x7F, v31;
	v29 =	vshll.u32 v31, $0x2  }
0x132: {  	v31 =	vshrl.u32 v31, $0xB;
	v29 =	vand.u32 $0x1E00, v29;
	v32 =	vmax.u32 v26, $0x1  }
0x133: {  	v31 =	vsub.s32 v31, v16;
	v26 =	vmin.u32 v26, $0x7FE;
	v28 =	vor.u32 v28, v29  }
0x134: {  	vm3 =	vlt.u32 v31, $0x4;
	v29 =	vsub.s32 v32, v5;
	v26 =	vadd.s32 $0x1, v26;
	[tilespmem:v27+s26+$0x0] =	vst.idx.msk vm1, v2  }
0x135: {  	v32 =	vadd.s32 $0xFFFFFFFF, v31;
	v34 =	vadd.s32 $0x1, v31;
	v33 =	vand.u32 $0x7F, v26;
	[tilespmem:v27+s28+$0x0] =	vst.idx.msk vm1, v2  }
0x136: {  	v35 =	vand.u32 $0x7F, v29;
	v29 =	vshll.u32 v29, $0x2;
	v26 =	vshll.u32 v26, $0x2;
	[tilespmem:v30+s29+$0x0] =	vst.idx.msk vm2, v2  }
0x137: {  	s5 =	sadd.s32 $0x2, s5;
	vm3 =	vmand vm4, vm3;
	vm5 =	vlt.u32 v32, $0x4;
	vm6 =	vlt.u32 v34, $0x4;
	[tilespmem:v22+s29+$0x0] =	vst.idx.msk vm2, v2  }
0x138: {  	p2 =	slt.s32 s5, s0;
	v29 =	vand.u32 $0x1E00, v29;
	v26 =	vand.u32 $0x3E00, v26;
	v22 =	vnsel vm3, $0x0, v31;
	[tilespmem:v24+s29+$0x0] =	vst.idx.msk vm2, v2  }
0x139: {  	v29 =	vor.u32 v35, v29;
	v24 =	vshll.u32 v22, $0xB;
	vm2 =	vmand vm4, vm5;
	[tilespmem:v19+s29+$0x0] =	vst.idx.msk vm1, v2  }
0x13a: {  	v22 =	vshll.u32 v22, $0x7;
	v19 =	vand.u32 $0xFFFFE000, v24;
	v24 =	vnsel vm2, $0x0, v32;
	[tilespmem:v27+s29+$0x0] =	vst.idx.msk vm1, v2  }
0x13b: {  	v22 =	vand.u32 $0x180, v22;
	v27 =	vor.u32 v19, v28;
	v30 =	vshll.u32 v24, $0xB;
	[tilespmem:v18+s29+$0x0] =	vst.idx.msk vm1, v2  }
0x13c: {  	v24 =	vshll.u32 v24, $0x7;
	v18 =	vor.u32 v22, v27;
	v27 =	vand.u32 $0xFFFFE000, v30;
	[tilespmem:v25+s29+$0x0] =	vst.idx.msk vm0, v2  }
0x13d: {  	vm4 =	vmand vm4, vm6;
	v24 =	vand.u32 $0x180, v24;
	v25 =	vor.u32 v27, v29;
	[tilespmem:v21+s29+$0x0] =	vst.idx.msk vm0, v2  }
0x13e: {  	v21 =	vor.u32 v24, v25;
	v25 =	vor.u32 v27, v28;
	v27 =	vadd.s32 v26, v27  }
0x13f: {  	v25 =	vor.u32 v24, v25;
	v24 =	vor.u32 v24, v27;
	v27 =	vnsel vm4, $0x0, v34;
	[tilespmem:v23+s29+$0x0] =	vst.idx.msk vm0, v2  }
0x140: {  	v23 =	vor.u32 v33, v24;
	v24 =	vor.u32 v19, v29;
	v30 =	vshll.u32 v27, $0xB  }
0x141: {  	v19 =	vadd.s32 v26, v19;
	v24 =	vor.u32 v22, v24;
	v30 =	vand.u32 $0xFFFFE000, v30;
	[tilespmem:v18+s26+$0x0] =	vst.idx.msk vm3, v2  }
0x142: {  	v19 =	vor.u32 v22, v19;
	v22 =	vshll.u32 v27, $0x7;
	v27 =	vor.u32 v30, v29;
	[tilespmem:v18+s28+$0x0] =	vst.idx.msk vm3, v2  }
0x143: {  	v19 =	vor.u32 v33, v19;
	[tilespmem:v21+s29+$0x0] =	vst.idx.msk vm2, v2;
	v21 =	vand.u32 $0x180, v22;
	v22 =	vor.u32 v30, v28  }
0x144: {  	v26 =	vadd.s32 v26, v30;
	v28 =	vshrl.u32 v17, $0xB;
	[tilespmem:v25+s29+$0x0] =	vst.idx.msk vm2, v2;
	v25 =	vor.u32 v21, v27  }
0x145: {  	v27 =	vand.u32 $0x7FF, v17;
	v22 =	vor.u32 v21, v22;
	v21 =	vor.u32 v21, v26;
	[tilespmem:v23+s29+$0x0] =	vst.idx.msk vm2, v2  }
0x146: {  	v23 =	vsub.s32 v28, v16;
	v26 =	vmax.u32 v27, $0x1;
	v21 =	vor.u32 v33, v21;
	[tilespmem:v24+s29+$0x0] =	vst.idx.msk vm3, v2  }
0x147: {  	vm0 =	vlt.u32 v23, $0x4;
	v24 =	vadd.s32 $0xFFFFFFFF, v23;
	v28 =	vadd.s32 $0x1, v23;
	[tilespmem:v18+s29+$0x0] =	vst.idx.msk vm3, v2  }
0x148: {  	vm5 =	vgt.s32 v20, v4;
	vm2 =	vlt.u32 v24, $0x4;
	vm6 =	vlt.u32 v28, $0x4;
	[tilespmem:v19+s29+$0x0] =	vst.idx.msk vm3, v2  }
0x149: {  	vm1 =	vmand vm5, vm0;
	vm2 =	vmand vm5, vm2;
	vm0 =	vmand vm5, vm6;
	[tilespmem:v25+s29+$0x0] =	vst.idx.msk vm4, v2  }
0x14a: {  	v18 =	vmin.u32 v27, $0x7FE;
	v20 =	vnsel vm2, $0x0, v24;
	v24 =	vnsel vm0, $0x0, v28;
	[tilespmem:v22+s29+$0x0] =	vst.idx.msk vm4, v2  }
0x14b: {  	v18 =	vadd.s32 $0x1, v18;
	v22 =	vnsel vm1, $0x0, v23;
	v23 =	vsub.s32 v26, v5;
	[tilespmem:v21+s29+$0x0] =	vst.idx.msk vm4, v2  }
0x14c: {  	v25 =	vshll.u32 v24, $0xB;
	v19 =	vshll.u32 v22, $0xB;
	v21 =	vshll.u32 v20, $0xB  }
0x14d: {  	v28 =	vshll.u32 v18, $0x2;
	v26 =	vshll.u32 v17, $0x2;
	v27 =	vshll.u32 v23, $0x2  }
0x14e: {  	v31 =	vand.u32 $0xFFFFE000, v25;
	v19 =	vand.u32 $0xFFFFE000, v19;
	v29 =	vand.u32 $0xFFFFE000, v21  }
0x14f: {  	v24 =	vshll.u32 v24, $0x7;
	v20 =	vshll.u32 v20, $0x7;
	v21 =	vshll.u32 v22, $0x7  }
0x150: {  	v23 =	vand.u32 $0x7F, v23;
	v25 =	vand.u32 $0x1E00, v27;
	v27 =	vand.u32 $0x3E00, v28  }
0x151: {  	v26 =	vand.u32 $0x1E00, v26;
	v28 =	vand.u32 $0x7F, v17;
	v30 =	vadd.s32 v27, v29  }
.Ltmp10:
0x152: {  	v22 =	vand.u32 $0x180, v20;
	v32 =	vadd.s32 v27, v19;
	v27 =	vadd.s32 v27, v31;
	(pc) =	sbr.rel @p2 .LBB2_11-.Ltmp10, $4  }
0x153: {  	v20 =	vand.u32 $0x180, v21;
	v17 =	vor.u32 v23, v25;
	v21 =	vand.u32 $0x180, v24  }
0x154: {  	v26 =	vor.u32 v28, v26;
	v24 =	vor.u32 v22, v30;
	v23 =	vor.u32 v21, v27  }
0x155: {  	v30 =	vor.u32 v29, v17;
	v29 =	vor.u32 v29, v26;
	v25 =	vor.u32 v20, v32  }
0x156: {  	s2 =	sadd.s32 $0x20, s2;
	v28 =	vor.u32 v19, v26;
	v27 =	vor.u32 v31, v17;
	v26 =	vor.u32 v31, v26  }
.LBB2_12:
0x157: {  	v28 =	vor.u32 v20, v28;
	_ =	sdelay $0x1  }
0x158: {  	v30 =	vor.u32 v22, v30  }
0x159: {  	v18 =	vand.u32 $0x7F, v18;
	v60 =	vor.u32 v22, v29  }
0x15a: {  	v17 =	vor.u32 v19, v17;
	v19 =	vor.u32 v18, v24  }
0x15b: {  	v17 =	vor.u32 v20, v17;
	[tilespmem:v28+s26+$0x0] =	vst.idx.msk vm1, v2  }
0x15c: {  	[tilespmem:v28+s28+$0x0] =	vst.idx.msk vm1, v2  }
0x15d: {  	v61 =	vor.u32 v18, v25;
	[tilespmem:v30+s29+$0x0] =	vst.idx.msk vm2, v2  }
0x15e: {  	v62 =	vor.u32 v21, v27;
	[tilespmem:v60+s29+$0x0] =	vst.idx.msk vm2, v2  }
0x15f: {  	v63 =	vor.u32 v21, v26;
	[tilespmem:v19+s29+$0x0] =	vst.idx.msk vm2, v2  }
0x160: {  	v18 =	vor.u32 v18, v23;
	[tilespmem:v17+s29+$0x0] =	vst.idx.msk vm1, v2  }
0x161: {  	[tilespmem:v28+s29+$0x0] =	vst.idx.msk vm1, v2  }
0x162: {  	[tilespmem:v61+s29+$0x0] =	vst.idx.msk vm1, v2  }
0x163: {  	[tilespmem:v62+s29+$0x0] =	vst.idx.msk vm0, v2  }
0x164: {  	[tilespmem:v63+s29+$0x0] =	vst.idx.msk vm0, v2  }
0x165: {  	[tilespmem:v18+s29+$0x0] =	vst.idx.msk vm0, v2  }
.LBB2_13:
0x166: {  	s2 =	ssub.s32 s15, s0  }
0x167: {  	p2 =	slt.s32 s2, $0x1  }
.Ltmp11:
0x168: {  	_ = 	snop;
	(pc) =	sbr.rel @p2 .LBB2_15-.Ltmp11, $1  }
0x169: {  	_ =	sdelay $0x3  }
0x16a: {  	s0 =	sshll.u32 s0, $0x4  }
0x16b: {  	v17 =	vld [tilespmem:s0+$0x10780];
	_ =	sdelay $0x3  }
0x16c: {  	s0 =	ssub.s32 s8, s0  }
0x16d: {  	v19 =	vmov s0;
	v18 =	vshrl.u32 v17, $0xB  }
0x16e: {  	v20 =	vand.u32 $0x7FF, v17;
	v21 =	vand.u32 $0x7F, v17;
	v17 =	vshll.u32 v17, $0x2  }
0x16f: {  	vm2 =	vgt.s32 v19, v4;
	v16 =	vsub.s32 v18, v16;
	v17 =	vand.u32 $0x1E00, v17  }
0x170: {  	v61 =	vmax.u32 v20, $0x1;
	v20 =	vmin.u32 v20, $0x7FE;
	vm0 =	vlt.u32 v16, $0x4  }
0x171: {  	v22 =	vadd.s32 $0xFFFFFFFF, v16;
	v17 =	vor.u32 v21, v17;
	v21 =	vsub.s32 v61, v5  }
0x172: {  	v20 =	vadd.s32 $0x1, v20;
	vm0 =	vmand vm2, vm0;
	vm1 =	vlt.u32 v22, $0x4  }
0x173: {  	v25 =	vshll.u32 v21, $0x2;
	v21 =	vand.u32 $0x7F, v21;
	v26 =	vshll.u32 v20, $0x2  }
0x174: {  	v20 =	vand.u32 $0x7F, v20;
	v18 =	vnsel vm0, $0x0, v16;
	vm1 =	vmand vm2, vm1  }
0x175: {  	v25 =	vand.u32 $0x1E00, v25;
	v26 =	vand.u32 $0x3E00, v26;
	v16 =	vadd.s32 $0x1, v16  }
0x176: {  	v60 =	vshll.u32 v18, $0xB;
	v18 =	vshll.u32 v18, $0x7;
	v22 =	vnsel vm1, $0x0, v22  }
0x177: {  	v21 =	vor.u32 v21, v25;
	vm3 =	vlt.u32 v16, $0x4;
	v19 =	vand.u32 $0xFFFFE000, v60  }
0x178: {  	v18 =	vand.u32 $0x180, v18;
	v24 =	vshll.u32 v22, $0xB;
	v23 =	vor.u32 v19, v17  }
0x179: {  	v22 =	vshll.u32 v22, $0x7;
	v24 =	vand.u32 $0xFFFFE000, v24;
	v23 =	vor.u32 v18, v23  }
0x17a: {  	vm2 =	vmand vm2, vm3;
	v22 =	vand.u32 $0x180, v22;
	v25 =	vor.u32 v24, v21  }
0x17b: {  	v27 =	vor.u32 v24, v17;
	v24 =	vadd.s32 v26, v24;
	v25 =	vor.u32 v22, v25  }
0x17c: {  	v62 =	vor.u32 v19, v21;
	v27 =	vor.u32 v22, v27;
	v22 =	vor.u32 v22, v24  }
0x17d: {  	v16 =	vnsel vm2, $0x0, v16;
	v19 =	vadd.s32 v26, v19;
	v22 =	vor.u32 v20, v22  }
0x17e: {  	v28 =	vshll.u32 v16, $0xB;
	v24 =	vor.u32 v18, v62;
	v18 =	vor.u32 v18, v19;
	[tilespmem:v23+s26+$0x0] =	vst.idx.msk vm0, v2  }
0x17f: {  	v16 =	vshll.u32 v16, $0x7;
	v63 =	vand.u32 $0xFFFFE000, v28;
	v18 =	vor.u32 v20, v18;
	[tilespmem:v23+s28+$0x0] =	vst.idx.msk vm0, v2  }
0x180: {  	v16 =	vand.u32 $0x180, v16;
	v21 =	vor.u32 v63, v21;
	v17 =	vor.u32 v63, v17;
	[tilespmem:v25+s29+$0x0] =	vst.idx.msk vm1, v2  }
0x181: {  	v19 =	vadd.s32 v26, v63;
	v21 =	vor.u32 v16, v21;
	[tilespmem:v27+s29+$0x0] =	vst.idx.msk vm1, v2  }
0x182: {  	v17 =	vor.u32 v16, v17;
	v16 =	vor.u32 v16, v19;
	[tilespmem:v22+s29+$0x0] =	vst.idx.msk vm1, v2  }
0x183: {  	v16 =	vor.u32 v20, v16;
	[tilespmem:v24+s29+$0x0] =	vst.idx.msk vm0, v2  }
0x184: {  	[tilespmem:v23+s29+$0x0] =	vst.idx.msk vm0, v2  }
0x185: {  	[tilespmem:v18+s29+$0x0] =	vst.idx.msk vm0, v2  }
0x186: {  	[tilespmem:v21+s29+$0x0] =	vst.idx.msk vm2, v2  }
0x187: {  	[tilespmem:v17+s29+$0x0] =	vst.idx.msk vm2, v2  }
0x188: {  	[tilespmem:v16+s29+$0x0] =	vst.idx.msk vm2, v2  }
.LBB2_15:
.Ltmp12:
0x189: {  	(pc) =	sbr.rel @p0 .LBB2_16-.Ltmp12, $3  }
0x18a: {  	_ =	sdelay $0x1  }
0x18b: {  	s0 =	sshll.u32 s4, $0xB  }
0x18c: {  	s15 =	sadd.s32 $0xFFFFF800, s0;
	s8 =	sor.u32 $0x2800, s0  }
0x18d: {  	p5 =	sgt.s32 s6, $0x2  }
.Ltmp13:
0x18e: {  	_ = 	snop;
	(pc) =	sbr.rel @!p5 .LBB2_39-.Ltmp13, $3  }
0x18f: {  	_ =	sdelay $0x1  }
0x190: {  	s18 =	simm.s32 $0xF390;
	s0 =	simm.s32 $0xF890  }
0x191: {  	v17 =	vmov s15;
	v16 =	vmov s8;
	v25 =	vimm.s32 $0x0;
	p2 =	por $0x0, $0x0;
	p3 =	por $0x0, $0x0;
	p4 =	por $0x0, $0x0  }
0x192: {  	v19 =	vld [tilespmem:s18+$0xFFFFFFF0]  }
0x193: {  	v18 =	vld [tilespmem:s18+$0x0]  }
0x194: {  	p5 =	sgt.s32 s6, $0x4  }
.Ltmp14:
0x195: {  	s2 =	sadd.s32 $0x10, s7;
	(pc) =	sbr.rel @!p5 .LBB2_41-.Ltmp14, $4  }
0x196: {  	v21 =	vmov s7;
	v20 =	vmov s2  }
0x197: {  	vm2 =	vgt.s32 v21, v4;
	vm0 =	vgt.s32 v20, v4;
	vm1 =	vge.s32 v19, v17  }
0x198: {  	vm15 =	vlt.s32 v19, v16;
	vm3 =	vge.s32 v18, v17;
	vm0 =	vmand vm0, vm1  }
0x199: {  	p2 =	por $0x1, $0x1;
	vm10 =	vlt.s32 v18, v16;
	vm9 =	vmand vm2, vm3;
	vm6 =	vmand vm15, vm0  }
0x19a: {  	v20 =	vsel vm6, $0x1, v3;
	vm0 =	vmand vm10, vm9  }
0x19b: {  	v21 =	vsel vm0, $0x1, v3;
	(xrf0) =	vadd.scan.msk.s32 $0xffff, v20  }
0x19c: {  	(xrf0) =	vadd.scan.msk.s32 $0xffff, v21  }
0x19d: {  	s5 =	simm.s32 $0xF3B0;
	v22 =	vmpcnt.ones.xlane vm0;
	v21 =	vmpcnt.ones.xlane vm6  }
0x19e: {  	v20 =	vld [tilespmem:s5+$0xFFFFFFF0]  }
0x19f: {  	v23 =	vsel vm6, $0xFFFFFFFF, v3;
	v26 =	vsel vm0, $0xFFFFFFFF, v3;
	v24 =	vadd.s32 v25, v21;
	v21 =	vld [tilespmem:s5+$0x0]  }
0x1a0: {  	s2 =	sadd.s32 $0xFFFFFFE0, s7;
	p5 =	sgt.s32 s6, $0x6;
	v23 =	vadd.s32 v23, v25;
	vm2 =	vmmov vm0;
	vm0 =	vmmov vm6  }
.Ltmp15:
0x1a1: {  	s9 =	sadd.s32 $0x10, s2;
	v28 =	vmov s2;
	v25 =	vadd.s32 v26, v24;
	v24 =	vadd.s32 v24, v22;
	v22, _, _ =	vpop (xrf0);
	(pc) =	sbr.rel @!p5 .LBB2_43-.Ltmp15, $4  }
0x1a2: {  	vm4 =	vgt.s32 v28, v4;
	v26 =	vadd.s32 v22, v23;
	v22, _, _ =	vpop (xrf0);
	v23 =	vmov s9  }
0x1a3: {  	vm3 =	vge.s32 v20, v17;
	v27 =	vadd.s32 v22, v25;
	vm1 =	vgt.s32 v23, v4  }
0x1a4: {  	vm5 =	vge.s32 v21, v17;
	vm1 =	vmand vm1, vm3;
	vm3 =	vlt.s32 v20, v16  }
0x1a5: {  	p3 =	por $0x1, $0x1;
	vm10 =	vlt.s32 v21, v16;
	vm9 =	vmand vm4, vm5;
	vm8 =	vmand vm3, vm1  }
0x1a6: {  	v22 =	vsel vm8, $0x1, v3  }
0x1a7: {  	vm3 =	vmand vm10, vm9;
	(xrf0) =	vadd.scan.msk.s32 $0xffff, v22  }
0x1a8: {  	vm1 =	vlt.s32 v26, $0x4FF;
	v25 =	vsel vm8, $0xFFFFFFFF, v3;
	s5 =	simm.s32 $0xF3D0;
	vm4 =	vlt.s32 v27, $0x4FF  }
0x1a9: {  	v23 =	vsel vm3, $0x1, v3;
	v22 =	vmpcnt.ones.xlane vm8;
	v28 =	vmpcnt.ones.xlane vm3;
	v35 =	vld [tilespmem:s5+$0xFFFFFFF0]  }
0x1aa: {  	s2 =	sadd.s32 $0xFFFFFFE0, s2;
	vm5 =	vmmov vm8;
	v29 =	vadd.s32 v25, v24;
	v34 =	vld [tilespmem:s5+$0x0];
	(xrf0) =	vadd.scan.msk.s32 $0xffff, v23;
	v23 =	vnsel vm1, $0x4FF, v26  }
0x1ab: {  	v32 =	vmov s2;
	v25 =	vadd.s32 v24, v22;
	v22 =	vnsel vm4, $0x4FF, v27  }
0x1ac: {  	p5 =	sgt.s32 s6, $0x8;
	v30 =	vsel vm3, $0xFFFFFFFF, v3;
	vm1 =	vmmov vm2;
	vm9 =	vgt.s32 v32, v4  }
.Ltmp16:
0x1ad: {  	s9 =	sadd.s32 $0x10, s2;
	vm4 =	vmmov vm3;
	v31 =	vadd.s32 v30, v25;
	v25 =	vadd.s32 v25, v28;
	v28, _, _ =	vpop (xrf0);
	(pc) =	sbr.rel @!p5 .LBB2_45-.Ltmp16, $4  }
0x1ae: {  	vm7 =	vge.s32 v35, v17;
	v30 =	vadd.s32 v28, v29;
	v29 =	vmov s9  }
0x1af: {  	vm3 =	vmmov vm0;
	vm10 =	vge.s32 v34, v17;
	[tilespmem:v23+s30+$0x0] =	vst.idx.msk vm0, v19;
	vm6 =	vgt.s32 v29, v4  }
0x1b0: {  	s1 =	smov.u32 s25;
	s25 =	smov.u32 s24;
	vm9 =	vmand vm9, vm10;
	v28, _, _ =	vpop (xrf0);
	[tilespmem:v22+s30+$0x0] =	vst.idx.msk vm2, v18;
	v29 =	vld [tilespmem:s0+$0xFFFFFFF0];
	vm6 =	vmand vm6, vm7;
	vm7 =	vlt.s32 v35, v16  }
0x1b1: {  	s10 =	simm.s32 $0x8;
	p4 =	por $0x1, $0x1;
	vm10 =	vlt.s32 v34, v16;
	s9 =	simm.s32 $0xF890;
	v31 =	vadd.s32 v28, v31;
	v28 =	vld [tilespmem:s0+$0x0];
	vm7 =	vmand vm7, vm6  }
.LBB2_46:
0x1b2: {  	vm11 =	vmmov vm8;
	vm8 =	vmmov vm7;
	v32 =	vsel vm7, $0x1, v3  }
0x1b3: {  	s10 =	sadd.s32 $0x2, s10;
	v33 =	vmpcnt.ones.xlane vm7;
	vm7 =	vmand vm10, vm9;
	vm6 =	vmmov vm11  }
0x1b4: {  	p5 =	slt.s32 s10, s6;
	v36 =	vsel vm8, $0xFFFFFFFF, v3;
	v37 =	vsel vm7, $0x1, v3;
	v38 =	vmpcnt.ones.xlane vm7;
	(xrf0) =	vadd.scan.msk.s32 $0xffff, v32  }
0x1b5: {  	v32 =	vadd.s32 v36, v25;
	v25 =	vadd.s32 v25, v33;
	v33 =	vsel vm7, $0xFFFFFFFF, v3;
	(xrf0) =	vadd.scan.msk.s32 $0xffff, v37  }
0x1b6: {  	vm9 =	vlt.s32 v30, $0x4FF;
	v33 =	vadd.s32 v33, v25;
	v25 =	vadd.s32 v25, v38;
	[tilespmem:v23+s31+$0x0] =	vst.idx.msk vm3, v29  }
0x1b7: {  	s5 =	sadd.s32 $0x20, s5;
	v23 =	vnsel vm9, $0x4FF, v30;
	vm3 =	vlt.s32 v31, $0x4FF;
	[tilespmem:v22+s31+$0x0] =	vst.idx.msk vm1, v28;
	vm1 =	vmmov vm4  }
0x1b8: {  	v22 =	vnsel vm3, $0x4FF, v31;
	vm4 =	vmmov vm7;
	vm3 =	vmmov vm5;
	v28 =	vld [tilespmem:s5+$0xFFFFFFF0]  }
0x1b9: {  	vm5 =	vmmov vm8;
	v36 =	vld [tilespmem:s5+$0x0]  }
0x1ba: {  	s2 =	sadd.s32 $0xFFFFFFE0, s2;
	v29, _, _ =	vpop (xrf0)  }
.Ltmp17:
0x1bb: {  	s24 =	sadd.s32 $0x10, s2;
	v30 =	vadd.s32 v29, v32;
	v29, _, _ =	vpop (xrf0);
	(pc) =	sbr.rel @p5 .LBB2_46-.Ltmp17, $4  }
0x1bc: {  	s9 =	sadd.s32 $0x20, s9;
	v37 =	vmov s2;
	v32 =	vmov s24;
	v31 =	vadd.s32 v29, v33;
	[tilespmem:v23+s30+$0x0] =	vst.idx.msk vm11, v20;
	v20 =	vmovc v35  }
0x1bd: {  	vm9 =	vgt.s32 v37, v4;
	vm6 =	vgt.s32 v32, v4;
	vm7 =	vge.s32 v28, v17;
	v29 =	vld [tilespmem:s9+$0xFFFFFFF0];
	v35 =	vmovc v28  }
0x1be: {  	vm6 =	vmand vm6, vm7;
	vm7 =	vlt.s32 v35, v16;
	vm10 =	vge.s32 v36, v17;
	[tilespmem:v22+s30+$0x0] =	vst.idx.msk vm1, v21  }
0x1bf: {  	v21 =	vmovc v34;
	v34 =	vmovc v36;
	vm7 =	vmand vm7, vm6;
	vm9 =	vmand vm9, vm10;
	vm10 =	vlt.s32 v36, v16;
	v28 =	vld [tilespmem:s9+$0x0]  }
0x1c0: {  	v32 =	vmovc v20;
	v33 =	vmovc v21;
	vm6 =	vmmov vm8;
	v20 =	vmov v35;
	v21 =	vmov v34;
	s24 =	smov.u32 s25;
	s25 =	smov.u32 s1;
	s1 =	rddreg [dreg:$0x7]  }
.LBB2_48:
0x1c1: {  	s5 =	sadd.s32 @p2 $0x20, s5  }
0x1c2: {  	v34 =	vsel @p2 vm7, $0x1, v3;
	v36 =	vmpcnt.ones.xlane @p2 vm7;
	s18 =	smov.u32 @p2 s5  }
0x1c3: {  	vm10 =	vmand @p2 vm10, vm9;
	v37 =	vsel @p2 vm7, $0xFFFFFFFF, v3;
	vm8 =	vlt.s32 @p3 v30, $0x4FF;
	v35 =	vld [tilespmem:s18+$0xFFFFFFF0]  }
0x1c4: {  	s2 =	sadd.s32 @p2 $0xFFFFFFE0, s2;
	vm9 =	vlt.s32 @p3 v31, $0x4FF;
	vm4 =	vmmov @p3 vm4;
	v19 =	vpsel p2, v20, v19;
	s5 =	smov.u32 s7;
	v40 =	vld [tilespmem:s18+$0x0]  }
0x1c5: {  	v18 =	vpsel p2, v21, v18;
	v38 =	vsel @p2 vm10, $0x1, v3;
	v39 =	vmpcnt.ones.xlane @p2 vm10;
	s5 =	smov.u32 @p2 s2  }
0x1c6: {  	v37 =	vadd.s32 @p2 v37, v25;
	(xrf0) =	vadd.scan.msk.s32 @p2 $0xffff, v34;
	v30 =	vnsel @p3 vm8, $0x4FF, v30;
	v31 =	vnsel @p3 vm9, $0x4FF, v31;
	s2 =	sadd.s32 $0x10, s5  }
0x1c7: {  	v34 =	vsel @p2 vm10, $0xFFFFFFFF, v3;
	v53 =	vmov s5;
	v52 =	vmov s2  }
0x1c8: {  	v25 =	vadd.s32 @p2 v25, v36;
	(xrf0) =	vadd.scan.msk.s32 @p2 $0xffff, v38;
	vm11 =	vgt.s32 v53, v4;
	vm15 =	vgt.s32 v52, v4  }
0x1c9: {  	vm12 =	vge.s32 v35, v17;
	vm13 =	vlt.s32 v35, v16;
	vm14 =	vge.s32 v40, v17  }
0x1ca: {  	v17 =	vadd.s32 @p2 v34, v25;
	vm8 =	vmand vm15, vm12;
	vm15 =	vlt.s32 v40, v16  }
0x1cb: {  	v16 =	vadd.s32 @p2 v25, v39;
	vm9 =	vmand vm13, vm8;
	vm8 =	vmand vm11, vm14  }
0x1cc: {  	v25, _, _ =	vpop @p2 (xrf0);
	vm11 =	vmmov @p3 vm6;
	vm8 =	vmand vm15, vm8;
	v54 =	vsel vm9, $0x1, v3  }
0x1cd: {  	v25 =	vadd.s32 @p2 v25, v37;
	vm6 =	vmmov @p2 vm10;
	v55 =	vsel vm8, $0x1, v3;
	(xrf0) =	vadd.scan.msk.s32 $0xffff, v54  }
0x1ce: {  	v34, _, _ =	vpop @p2 (xrf0);
	vm10 =	vmmov @p3 vm5;
	vm5 =	vmmov @p2 vm7;
	v16 =	vpsel p2, v16, v24;
	(xrf0) =	vadd.scan.msk.s32 $0xffff, v55  }
0x1cf: {  	v17 =	vadd.s32 @p2 v34, v17;
	v24 =	vpsel p2, v25, v26;
	v56 =	vmpcnt.ones.xlane vm9  }
0x1d0: {  	v57 =	vsel vm9, $0xFFFFFFFF, v3;
	vm2 =	vmmov @p2 vm6;
	vm14 =	vmmov vm9  }
0x1d1: {  	v17 =	vpsel p2, v17, v27;
	v26 =	vadd.s32 v57, v16;
	vm6 =	vlt.s32 @p2 v24, $0x4FF  }
0x1d2: {  	v24 =	vnsel @p2 vm6, $0x4FF, v24;
	vm7 =	vlt.s32 @p2 v17, $0x4FF;
	vm6 =	vmmov @p2 vm2  }
0x1d3: {  	v58 =	vsel vm8, $0xFFFFFFFF, v3;
	v16 =	vadd.s32 v16, v56;
	v17 =	vnsel @p2 vm7, $0x4FF, v17;
	v59, _, _ =	vpop (xrf0)  }
0x1d4: {  	s5 =	simm.s32 $0xF890;
	s2 =	sadd.s32 @p4 $0x20, s9;
	vm0 =	vmmov @p2 vm5;
	v25 =	vadd.s32 v58, v16;
	v26 =	vadd.s32 v59, v26;
	v60, _, _ =	vpop (xrf0)  }
0x1d5: {  	[tilespmem:v22+s31+$0x0] =	vst.idx.msk @p4 vm1, v28;
	s5 =	smov.u32 @p4 s2;
	vm12 =	vmmov vm8;
	v25 =	vadd.s32 v60, v25;
	vm13 =	vlt.s32 v26, $0x4FF  }
0x1d6: {  	s9 =	simm.s32 $0xF890;
	[tilespmem:v31+s30+$0x0] =	vst.idx.msk @p3 vm4, v33;
	s2 =	sadd.s32 @p3 $0x20, s5;
	vm2 =	vmmov vm12;
	v61 =	vnsel vm13, $0x4FF, v26;
	vm7 =	vlt.s32 v25, $0x4FF  }
0x1d7: {  	vm4 =	vmmov @p3 vm4;
	v20 =	vld @p3 [tilespmem:s5+$0x0];
	s9 =	smov.u32 @p3 s2;
	vm0 =	vmmov @p2 vm0;
	[tilespmem:v24+s30+$0x0] =	vst.idx.msk @p2 vm5, v19;
	v25 =	vnsel vm7, $0x4FF, v25  }
0x1d8: {  	vm0 =	vmmov @p2 vm0;
	v19 =	vpsel p3, v31, v0;
	v21 =	vld @p2 [tilespmem:s9+$0xFFFFFFF0];
	[tilespmem:v17+s30+$0x0] =	vst.idx.msk @p2 vm6, v18  }
0x1d9: {  	v22 =	vpsel p2, v24, v0;
	[tilespmem:v30+s30+$0x0] =	vst.idx.msk @p3 vm11, v32;
	vm5 =	vmmov @p2 vm6;
	v18 =	vld @p2 [tilespmem:s9+$0x0]  }
0x1da: {  	[tilespmem:v23+s31+$0x0] =	vst.idx.msk @p4 vm3, v29;
	s2 =	sadd.s32 @p2 $0x20, s9;
	vm15 =	vmmov vm9;
	v17 =	vpsel p2, v17, v0;
	v26 =	vld @p3 [tilespmem:s5+$0xFFFFFFF0];
	vm7 =	vmmov @p3 vm10  }
0x1db: {  	s0 =	smov.u32 @p2 s2;
	v27 =	vpsel p3, v30, v0;
	vm1 =	vmmov vm15;
	[tilespmem:v61+s30+$0x0] =	vst.idx.msk vm14, v35  }
0x1dc: {  	v20 =	vpsel p3, v20, v0;
	v62 =	vld [tilespmem:s0+$0xFFFFFFF0];
	[tilespmem:v25+s30+$0x0] =	vst.idx.msk vm2, v40  }
0x1dd: {  	[tilespmem:v19+s31+$0x0] =	vst.idx.msk @p3 vm4, v20;
	v19 =	vpsel p2, v21, v0;
	v63 =	vld [tilespmem:s0+$0x0]  }
.Ltmp18:
0x1de: {  	v18 =	vpsel p2, v18, v0;
	[tilespmem:v22+s31+$0x0] =	vst.idx.msk @p2 vm0, v19;
	(pc) =	sbr.rel .LBB2_17-.Ltmp18, $4  }
0x1df: {  	v24 =	vpsel p3, v26, v0;
	[tilespmem:v17+s31+$0x0] =	vst.idx.msk @p2 vm5, v18  }
0x1e0: {  	v19 =	vmpcnt.ones.xlane vm8;
	[tilespmem:v27+s31+$0x0] =	vst.idx.msk @p3 vm7, v24  }
0x1e1: {  	[tilespmem:v61+s31+$0x0] =	vst.idx.msk vm1, v62  }
0x1e2: {  	v16 =	vadd.s32 v16, v19;
	[tilespmem:v25+s31+$0x0] =	vst.idx.msk vm2, v63  }
.LBB2_16:
0x1e3: {  	v16 =	vimm.s32 $0x0  }
.LBB2_17:
0x1e4: {  	s2 =	rddreg [dreg:$0xb]  }
0x1e5: {  	v17 =	vld @!p1 [tilespmem:s2+$0xF380];
	_ =	sdelay $0x4  }
0x1e6: {  	v18 =	vlaneseq.u32 @!p1;
	vm0 =	vge.s32 @!p1 v17, s15;
	vm1 =	vlt.s32 @!p1 v17, s8  }
0x1e7: {  	vm2 =	vgt.s32 @!p1 v15, v18;
	vm0 =	vmand @!p1 vm0, vm1  }
0x1e8: {  	v18 =	vimm.s32 @!p1 $0x0;
	vm0 =	vmand @!p1 vm0, vm2  }
0x1e9: {  	v19 =	vsel @!p1 vm0, $0x1, v18  }
0x1ea: {  	(xrf0) =	vadd.scan.msk.s32 @!p1 $0xffff, v19;
	_ =	sdelay $0x4  }
0x1eb: {  	v18 =	vsel @!p1 vm0, $0xFFFFFFFF, v18  }
0x1ec: {  	v18 =	vadd.s32 @!p1 v18, v16;
	v19, _, _ =	vpop @!p1 (xrf0)  }
0x1ed: {  	v18 =	vadd.s32 @!p1 v19, v18;
	v19 =	vmpcnt.ones.xlane @!p1 vm0;
	_ =	sdelay $0x1  }
0x1ee: {  	v19 =	vadd.s32 @!p1 v16, v19  }
0x1ef: {  	v16 =	vpsel p1, v16, v19  }
0x1f0: {  	v16 =	vxor.u32 $0x80000000, v16  }
0x1f1: {  	(xrf0) =	vmax.scan.msk.u32 $0xffff, v16;
	_ =	sdelay $0x5  }
0x1f2: {  	v16, _, _ =	vpop (xrf0)  }
0x1f3: {  	(v2sf) =	vpush v16, $0xF;
	_ =	sdelay $0xc  }
0x1f4: {  	vm1 =	vlt.s32 @!p1 v18, $0x4FF  }
0x1f5: {  	v18 =	vnsel @!p1 vm1, $0x4FF, v18  }
0x1f6: {  	s10 =	spop (v2sf)  }
0x1f7: {  	s15 =	sadd.s32 $0x8000000F, s10  }
0x1f8: {  	s0 =	simm.s32 @!p1 $0x10780;
	s5 =	sand.u32 $0xF, s15  }
0x1f9: {  	s18 =	sshra.s32 s15, $0x1F;
	p3 =	slt.s32 s15, $0x1;
	p2 =	sne.s32 s5, $0x0  }
0x1fa: {  	[tilespmem:v18+s0+$0x0] =	vst.idx.msk @!p1 vm0, v17;
	s5 =	sshrl.u32 s18, $0x1C;
	p2 =	por !p3, !p2  }
0x1fb: {  	v17 =	vld @!p1 [tilespmem:s2+$0xF880];
	s2 =	sadd.s32 s5, s15;
	s5 =	simm.s32 $0x1;
	p2 =	por !p2, !p2  }
0x1fc: {  	s2 =	sshra.s32 s2, $0x4;
	s5 =	simm.s32 @!p2 $0x0  }
0x1fd: {  	s2 =	ssub.s32 s2, s5  }
0x1fe: {  	p2 =	slt.s32 s2, $0x1  }
.Ltmp19:
0x1ff: {  	_ = 	snop;
	(pc) =	sbr.rel @p2 .LBB2_21-.Ltmp19, $3  }
0x200: {  	_ =	sdelay $0x1  }
0x201: {  	s0 =	simm.s32 @!p1 $0xFD80;
	s8 =	sxor.u32 $0x80000000, s10  }
0x202: {  	[tilespmem:v18+s0+$0x0] =	vst.idx.msk @!p1 vm0, v17;
	[smem:$0x0] =	sst s8  }
0x203: {  	s15 =	simm.s32 $0x10780  }
0x204: {  	v17 =	vld [tilespmem:s15+$0x0];
	_ =	sdelay $0x3  }
0x205: {  	v16 =	vmov s4;
	s0 =	simm.s32 $0xFD80;
	v18 =	vmov s8  }
0x206: {  	v19 =	vld [tilespmem:s0+$0x0];
	vm3 =	vgt.s32 v18, v4;
	v18 =	vshrl.u32 v17, $0xB;
	v20 =	vand.u32 $0x7FF, v17  }
0x207: {  	v22 =	vshll.u32 v17, $0x2;
	vm5 =	vlt.u32 v17, $0x3FF800;
	v21 =	vsub.s32 v18, v16  }
0x208: {  	v17 =	vand.u32 $0x7F, v17;
	vm0 =	vne.s32 v20, $0x0;
	vm1 =	vlt.u32 v21, $0x4  }
0x209: {  	vm2 =	vne.s32 v20, $0x7FF;
	vm6 =	vne.s32 v18, $0x0;
	vm4 =	vmand vm3, vm1  }
0x20a: {  	v22 =	vand.u32 $0x1E00, v22;
	vm0 =	vmand vm0, vm2;
	v18 =	vnsel vm4, $0x0, v21  }
0x20b: {  	v17 =	vor.u32 v17, v22;
	v34 =	vadd.s32 $0xFFFFFFFF, v21;
	v23 =	vshll.u32 v18, $0xB  }
0x20c: {  	vm0 =	vmand vm6, vm0;
	v18 =	vshll.u32 v18, $0x7;
	v23 =	vand.u32 $0xFFFFE000, v23  }
0x20d: {  	vm0 =	vmand vm5, vm0;
	v18 =	vand.u32 $0x180, v18;
	v17 =	vor.u32 v23, v17  }
0x20e: {  	v35 =	vld.idx.msk [tilespmem:v19+s12+$0x0], vm3;
	vm2 =	vlt.u32 v34, $0x4;
	vm0 =	vmand vm3, vm0;
	v17 =	vor.u32 v18, v17  }
0x20f: {  	vm2 =	vmand vm2, vm0;
	v18 =	vadd.s32 $0xFFFFFFFF, v20  }
0x210: {  	v22 =	vnsel vm2, $0x0, v34;
	v24 =	vnsel vm2, $0x0, v18  }
0x211: {  	v25 =	vshll.u32 v22, $0xB;
	v26 =	vshll.u32 v24, $0x2  }
0x212: {  	v25 =	vand.u32 $0xFFFFE000, v25;
	v26 =	vand.u32 $0xFFFFFE00, v26  }
0x213: {  	v22 =	vshll.u32 v22, $0x7;
	v36 =	vand.u32 $0x7F, v24;
	v37 =	vadd.s32 v26, v25;
	[tilespmem:v17+s26+$0x0] =	vst.idx.msk vm4, v35  }
0x214: {  	v22 =	vand.u32 $0x180, v22;
	v23 =	vor.u32 v36, v37;
	v19 =	vld.idx.msk [tilespmem:v19+s13+$0x0], vm3  }
0x215: {  	v23 =	vor.u32 v22, v23;
	_ =	sdelay $0x1  }
0x216: {  	v38 =	vnsel vm2, $0x0, v20  }
0x217: {  	v39 =	vshll.u32 v38, $0x2  }
0x218: {  	v24 =	vand.u32 $0x7F, v38;
	v26 =	vand.u32 $0x1E00, v39;
	[tilespmem:v17+s28+$0x0] =	vst.idx.msk vm4, v19  }
0x219: {  	v17 =	vor.u32 v24, v26;
	v19 =	vld.idx.msk [tilespmem:v23+s29+$0x0], vm2  }
0x21a: {  	v17 =	vor.u32 v25, v17  }
0x21b: {  	v17 =	vor.u32 v22, v17  }
0x21c: {  	v40 =	vadd.s32 $0x1, v20  }
0x21d: {  	v41 =	vnsel vm2, $0x0, v40  }
0x21e: {  	v27 =	vshll.u32 v41, $0x2;
	v19 =	vmax.f32 v19, v6  }
0x21f: {  	v27 =	vand.u32 $0x3E00, v27;
	[tilespmem:v23+s29+$0x0] =	vst.idx.msk vm2, v19  }
0x220: {  	v42 =	vadd.s32 v27, v25;
	v19 =	vand.u32 $0x7F, v41;
	v43 =	vld.idx.msk [tilespmem:v17+s29+$0x0], vm2  }
0x221: {  	v19 =	vor.u32 v19, v42  }
0x222: {  	v19 =	vor.u32 v22, v19  }
0x223: {  	vm1 =	vmand vm1, vm0  }
0x224: {  	v44 =	vnsel vm1, $0x0, v21;
	v45 =	vnsel vm1, $0x0, v18  }
0x225: {  	v46 =	vshll.u32 v44, $0xB;
	v47 =	vshll.u32 v45, $0x2;
	v25 =	vmax.f32 v43, v7  }
0x226: {  	v48 =	vand.u32 $0xFFFFFE00, v47;
	[tilespmem:v17+s29+$0x0] =	vst.idx.msk vm2, v25;
	v17 =	vand.u32 $0xFFFFE000, v46  }
0x227: {  	v23 =	vand.u32 $0x7F, v45;
	v22 =	vshll.u32 v44, $0x7;
	v49 =	vld.idx.msk [tilespmem:v19+s29+$0x0], vm2;
	v25 =	vadd.s32 v48, v17  }
0x228: {  	v22 =	vand.u32 $0x180, v22;
	v23 =	vor.u32 v23, v25  }
0x229: {  	v23 =	vor.u32 v22, v23;
	_ =	sdelay $0x1  }
0x22a: {  	v50 =	vnsel vm1, $0x0, v20  }
0x22b: {  	v51 =	vshll.u32 v50, $0x2;
	v26 =	vmax.f32 v49, v8  }
0x22c: {  	v27 =	vand.u32 $0x1E00, v51;
	v25 =	vand.u32 $0x7F, v50;
	[tilespmem:v19+s29+$0x0] =	vst.idx.msk vm2, v26  }
0x22d: {  	v19 =	vor.u32 v25, v27;
	v52 =	vld.idx.msk [tilespmem:v23+s29+$0x0], vm1  }
0x22e: {  	v19 =	vor.u32 v17, v19  }
0x22f: {  	v19 =	vor.u32 v22, v19;
	_ =	sdelay $0x1  }
0x230: {  	v53 =	vnsel vm1, $0x0, v40  }
0x231: {  	v54 =	vshll.u32 v53, $0x2;
	v25 =	vmax.f32 v52, v9  }
0x232: {  	v27 =	vand.u32 $0x3E00, v54;
	[tilespmem:v23+s29+$0x0] =	vst.idx.msk vm1, v25  }
0x233: {  	v55 =	vand.u32 $0x7F, v53;
	v17 =	vadd.s32 v27, v17;
	v25 =	vld.idx.msk [tilespmem:v19+s29+$0x0], vm1  }
0x234: {  	v21 =	vadd.s32 $0x1, v21;
	v17 =	vor.u32 v55, v17  }
0x235: {  	vm2 =	vlt.u32 v21, $0x4;
	v17 =	vor.u32 v22, v17  }
0x236: {  	vm0 =	vmand vm2, vm0  }
0x237: {  	v21 =	vnsel vm0, $0x0, v21;
	v18 =	vnsel vm0, $0x0, v18  }
0x238: {  	v57 =	vshll.u32 v21, $0xB;
	v58 =	vshll.u32 v18, $0x2;
	v56 =	vmax.f32 v25, v10  }
0x239: {  	v59 =	vand.u32 $0xFFFFFE00, v58;
	[tilespmem:v19+s29+$0x0] =	vst.idx.msk vm1, v56;
	v19 =	vand.u32 $0xFFFFE000, v57  }
0x23a: {  	v21 =	vshll.u32 v21, $0x7;
	v18 =	vand.u32 $0x7F, v18;
	v60 =	vld.idx.msk [tilespmem:v17+s29+$0x0], vm1;
	v22 =	vadd.s32 v59, v19  }
0x23b: {  	v21 =	vand.u32 $0x180, v21;
	v18 =	vor.u32 v18, v22  }
0x23c: {  	v18 =	vor.u32 v21, v18;
	_ =	sdelay $0x1  }
0x23d: {  	v20 =	vnsel vm0, $0x0, v20  }
0x23e: {  	v61 =	vshll.u32 v20, $0x2;
	v23 =	vmax.f32 v60, v11  }
0x23f: {  	v20 =	vand.u32 $0x7F, v20;
	v22 =	vand.u32 $0x1E00, v61;
	[tilespmem:v17+s29+$0x0] =	vst.idx.msk vm1, v23  }
0x240: {  	v17 =	vor.u32 v20, v22;
	v20 =	vld.idx.msk [tilespmem:v18+s29+$0x0], vm0  }
0x241: {  	v17 =	vor.u32 v19, v17  }
0x242: {  	v62 =	vor.u32 v21, v17;
	_ =	sdelay $0x1  }
0x243: {  	v17 =	vnsel vm0, $0x0, v40  }
0x244: {  	v63 =	vshll.u32 v17, $0x2;
	v20 =	vmax.f32 v20, v12  }
0x245: {  	v23 =	vand.u32 $0x3E00, v63;
	[tilespmem:v18+s29+$0x0] =	vst.idx.msk vm0, v20  }
0x246: {  	v17 =	vand.u32 $0x7F, v17;
	v18 =	vadd.s32 v23, v19;
	v19 =	vld.idx.msk [tilespmem:v62+s29+$0x0], vm0  }
0x247: {  	v17 =	vor.u32 v17, v18  }
0x248: {  	p2 =	sne.s32 s2, $0x1;
	v17 =	vor.u32 v21, v17  }
.Ltmp20:
0x249: {  	_ = 	snop;
	(pc) =	sbr.rel @!p2 .LBB2_20-.Ltmp20, $4  }
0x24a: {  	_ = 	snop  }
0x24b: {  	v18 =	vmax.f32 v19, v13  }
0x24c: {  	[tilespmem:v62+s29+$0x0] =	vst.idx.msk vm0, v18  }
0x24d: {  	s18 =	sadd.s32 $0xFFFFFFFF, s2;
	v18 =	vld.idx.msk [tilespmem:v17+s29+$0x0], vm0  }
.LBB2_19:
0x24e: {  	_ =	sdelay $0x2  }
0x24f: {  	s15 =	sadd.s32 $0x10, s15;
	s0 =	sadd.s32 $0x10, s0;
	s8 =	sadd.s32 $0xFFFFFFF0, s8  }
0x250: {  	p2 =	sne.s32 s18, $0x1;
	s18 =	sadd.s32 $0xFFFFFFFF, s18;
	v18 =	vmax.f32 v18, v14  }
0x251: {  	[tilespmem:v17+s29+$0x0] =	vst.idx.msk vm0, v18  }
0x252: {  	v19 =	vld [tilespmem:s15+$0x0];
	_ =	sdelay $0x1  }
0x253: {  	v17 =	vmov s8;
	v20 =	vld [tilespmem:s0+$0x0];
	_ =	sdelay $0x2  }
0x254: {  	vm4 =	vgt.s32 v17, v4;
	v21 =	vshrl.u32 v19, $0xB;
	v17 =	vand.u32 $0x7FF, v19  }
0x255: {  	v22 =	vshll.u32 v19, $0x2;
	v18 =	vsub.s32 v21, v16;
	vm0 =	vne.s32 v17, $0x0  }
0x256: {  	vm5 =	vlt.u32 v19, $0x3FF800;
	vm2 =	vne.s32 v17, $0x7FF;
	vm1 =	vlt.u32 v18, $0x4  }
0x257: {  	v19 =	vand.u32 $0x7F, v19;
	vm6 =	vne.s32 v21, $0x0;
	vm3 =	vmand vm4, vm1  }
0x258: {  	v22 =	vand.u32 $0x1E00, v22;
	vm0 =	vmand vm0, vm2;
	v21 =	vnsel vm3, $0x0, v18  }
0x259: {  	vm0 =	vmand vm6, vm0;
	v23 =	vshll.u32 v21, $0xB;
	v21 =	vshll.u32 v21, $0x7  }
0x25a: {  	v19 =	vor.u32 v19, v22;
	v24 =	vld.idx.msk [tilespmem:v20+s12+$0x0], vm4;
	v23 =	vand.u32 $0xFFFFE000, v23;
	v21 =	vand.u32 $0x180, v21  }
0x25b: {  	v22 =	vadd.s32 $0xFFFFFFFF, v18;
	vm0 =	vmand vm5, vm0;
	v19 =	vor.u32 v23, v19  }
0x25c: {  	vm2 =	vlt.u32 v22, $0x4;
	v21 =	vor.u32 v21, v19;
	v19 =	vadd.s32 $0x1, v17  }
0x25d: {  	vm0 =	vmand vm4, vm0;
	v23 =	vadd.s32 $0xFFFFFFFF, v17  }
0x25e: {  	vm2 =	vmand vm2, vm0  }
0x25f: {  	v22 =	vnsel vm2, $0x0, v22;
	v26 =	vnsel vm2, $0x0, v17;
	v25 =	vnsel vm2, $0x0, v23  }
0x260: {  	v27 =	vshll.u32 v22, $0xB;
	v22 =	vshll.u32 v22, $0x7;
	v28 =	vshll.u32 v25, $0x2  }
0x261: {  	[tilespmem:v21+s26+$0x0] =	vst.idx.msk vm3, v24;
	v24 =	vand.u32 $0xFFFFE000, v27;
	v27 =	vand.u32 $0xFFFFFE00, v28;
	v28 =	vshll.u32 v26, $0x2  }
0x262: {  	v25 =	vand.u32 $0x7F, v25;
	v20 =	vld.idx.msk [tilespmem:v20+s13+$0x0], vm4;
	v27 =	vadd.s32 v27, v24;
	v28 =	vand.u32 $0x1E00, v28  }
0x263: {  	v22 =	vand.u32 $0x180, v22;
	v26 =	vand.u32 $0x7F, v26;
	v25 =	vor.u32 v25, v27  }
0x264: {  	v26 =	vor.u32 v26, v28;
	v27 =	vnsel vm2, $0x0, v19;
	v25 =	vor.u32 v22, v25  }
0x265: {  	v26 =	vor.u32 v24, v26;
	v28 =	vshll.u32 v27, $0x2  }
0x266: {  	v28 =	vand.u32 $0x3E00, v28  }
0x267: {  	v27 =	vand.u32 $0x7F, v27;
	v24 =	vadd.s32 v28, v24  }
0x268: {  	[tilespmem:v21+s28+$0x0] =	vst.idx.msk vm3, v20;
	v20 =	vor.u32 v27, v24  }
0x269: {  	v21 =	vld.idx.msk [tilespmem:v25+s29+$0x0], vm2;
	_ =	sdelay $0x2  }
0x26a: {  	v24 =	vor.u32 v22, v26;
	_ =	sdelay $0x2  }
0x26b: {  	v21 =	vmax.f32 v21, v6  }
0x26c: {  	[tilespmem:v25+s29+$0x0] =	vst.idx.msk vm2, v21  }
0x26d: {  	v21 =	vld.idx.msk [tilespmem:v24+s29+$0x0], vm2;
	_ =	sdelay $0x2  }
0x26e: {  	v20 =	vor.u32 v22, v20;
	_ =	sdelay $0x1  }
0x26f: {  	vm1 =	vmand vm1, vm0  }
0x270: {  	v22 =	vnsel vm1, $0x0, v18;
	v25 =	vnsel vm1, $0x0, v23;
	v21 =	vmax.f32 v21, v7  }
0x271: {  	[tilespmem:v24+s29+$0x0] =	vst.idx.msk vm2, v21;
	v21 =	vshll.u32 v22, $0xB;
	v24 =	vshll.u32 v25, $0x2;
	v22 =	vshll.u32 v22, $0x7  }
0x272: {  	v27 =	vnsel vm1, $0x0, v17;
	v26 =	vld.idx.msk [tilespmem:v20+s29+$0x0], vm2;
	v21 =	vand.u32 $0xFFFFE000, v21;
	v24 =	vand.u32 $0xFFFFFE00, v24  }
0x273: {  	v28 =	vshll.u32 v27, $0x2;
	v25 =	vand.u32 $0x7F, v25;
	v24 =	vadd.s32 v24, v21  }
0x274: {  	v22 =	vand.u32 $0x180, v22;
	v24 =	vor.u32 v25, v24;
	v25 =	vand.u32 $0x1E00, v28  }
0x275: {  	v27 =	vand.u32 $0x7F, v27;
	v28 =	vnsel vm1, $0x0, v19;
	v24 =	vor.u32 v22, v24  }
0x276: {  	v25 =	vor.u32 v27, v25;
	v27 =	vshll.u32 v28, $0x2  }
0x277: {  	v25 =	vor.u32 v21, v25;
	v27 =	vand.u32 $0x3E00, v27  }
0x278: {  	v28 =	vand.u32 $0x7F, v28;
	v26 =	vmax.f32 v26, v8;
	v21 =	vadd.s32 v27, v21  }
0x279: {  	[tilespmem:v20+s29+$0x0] =	vst.idx.msk vm2, v26;
	v20 =	vor.u32 v28, v21  }
0x27a: {  	v21 =	vld.idx.msk [tilespmem:v24+s29+$0x0], vm1;
	_ =	sdelay $0x2  }
0x27b: {  	v25 =	vor.u32 v22, v25;
	_ =	sdelay $0x2  }
0x27c: {  	v21 =	vmax.f32 v21, v9  }
0x27d: {  	[tilespmem:v24+s29+$0x0] =	vst.idx.msk vm1, v21  }
0x27e: {  	v21 =	vld.idx.msk [tilespmem:v25+s29+$0x0], vm1;
	_ =	sdelay $0x2  }
0x27f: {  	v18 =	vadd.s32 $0x1, v18;
	v20 =	vor.u32 v22, v20  }
0x280: {  	vm2 =	vlt.u32 v18, $0x4  }
0x281: {  	vm0 =	vmand vm2, vm0  }
0x282: {  	v18 =	vnsel vm0, $0x0, v18;
	v22 =	vnsel vm0, $0x0, v23;
	v21 =	vmax.f32 v21, v10  }
0x283: {  	v23 =	vshll.u32 v22, $0x2;
	[tilespmem:v25+s29+$0x0] =	vst.idx.msk vm1, v21;
	v21 =	vshll.u32 v18, $0xB;
	v18 =	vshll.u32 v18, $0x7  }
0x284: {  	v17 =	vnsel vm0, $0x0, v17;
	v23 =	vand.u32 $0xFFFFFE00, v23;
	v24 =	vld.idx.msk [tilespmem:v20+s29+$0x0], vm1;
	v21 =	vand.u32 $0xFFFFE000, v21  }
0x285: {  	v22 =	vand.u32 $0x7F, v22;
	v25 =	vshll.u32 v17, $0x2;
	v23 =	vadd.s32 v23, v21  }
0x286: {  	v18 =	vand.u32 $0x180, v18;
	v22 =	vor.u32 v22, v23;
	v23 =	vand.u32 $0x1E00, v25  }
0x287: {  	v19 =	vnsel vm0, $0x0, v19;
	v17 =	vand.u32 $0x7F, v17;
	v22 =	vor.u32 v18, v22  }
0x288: {  	v17 =	vor.u32 v17, v23;
	v23 =	vshll.u32 v19, $0x2  }
0x289: {  	v17 =	vor.u32 v21, v17;
	v23 =	vand.u32 $0x3E00, v23  }
0x28a: {  	v19 =	vand.u32 $0x7F, v19;
	v24 =	vmax.f32 v24, v11;
	v21 =	vadd.s32 v23, v21  }
0x28b: {  	v19 =	vor.u32 v19, v21;
	[tilespmem:v20+s29+$0x0] =	vst.idx.msk vm1, v24  }
0x28c: {  	v20 =	vld.idx.msk [tilespmem:v22+s29+$0x0], vm0;
	_ =	sdelay $0x2  }
0x28d: {  	v21 =	vor.u32 v18, v17;
	_ =	sdelay $0x2  }
0x28e: {  	v17 =	vmax.f32 v20, v12  }
0x28f: {  	[tilespmem:v22+s29+$0x0] =	vst.idx.msk vm0, v17  }
0x290: {  	v20 =	vld.idx.msk [tilespmem:v21+s29+$0x0], vm0;
	_ =	sdelay $0x2  }
0x291: {  	v17 =	vor.u32 v18, v19  }
.Ltmp21:
0x292: {  	(pc) =	sbr.rel @p2 .LBB2_19-.Ltmp21, $4  }
0x293: {  	_ = 	snop  }
0x294: {  	v18 =	vmax.f32 v20, v13  }
0x295: {  	[tilespmem:v21+s29+$0x0] =	vst.idx.msk vm0, v18  }
0x296: {  	v18 =	vld.idx.msk [tilespmem:v17+s29+$0x0], vm0  }
.LBB2_20:
0x297: {  	_ =	sdelay $0x3  }
0x298: {  	v16 =	vmax.f32 v18, v14  }
0x299: {  	[tilespmem:v17+s29+$0x0] =	vst.idx.msk vm0, v16  }
.LBB2_21:
0x29a: {  	s0 =	sshll.u32 s4, $0x8;
	s5 =	simm.s32 $0x200  }
0x29b: {  	s8 =	simm.s32 $0x400;
	p2 =	seq.s32 s11, $0x0;
	s2 =	sadd.s32 s24, s0  }
0x29c: {  	[hbm4b:s2+s5] =	stream.strided.scatter [tilespmem:s29], [sflag:$0x1], $0x2000, s8, s5, $0x38;
	[tilespmem:$0x1D180] =	vst v63  }
.Ltmp22:
0x29d: {  	_ = 	snop;
	(pc) =	sbr.rel @p2 .LBB2_35-.Ltmp22, $4  }
0x29e: {  	s18 =	rddreg [dreg:$0x8];
	s15 =	sadd.s32 s25, s0  }
0x29f: {  	[hbm4b:s15+s5] =	stream.strided.scatter [tilespmem:s26], [sflag:$0x1], $0x2000, s8, s5, $0x38;
	[tilespmem:$0x1D180] =	vst v63  }
0x2a0: {  	s0 =	sadd.s32 s0, s18  }
0x2a1: {  	[hbm4b:s0+s5] =	stream.strided.scatter [tilespmem:s28], [sflag:$0x1], $0x2000, s8, s5, $0x38;
	[tilespmem:$0x1D180] =	vst v63  }
.LBB2_22:
0x2a2: {  	p2 =	slt.u32 s3, $0x2  }
0x2a3: {  	s0 =	simm.s32 @!p2 $0x1  }
0x2a4: {  	_ =	swait.ge @!p2 [sflag:s0], $0x2000  }
0x2a5: {  	[sflag:s0] =	ssyncset.done @!p2 $0x0  }
0x2a6: {  	[sflag:s0] =	ssyncadd.s32 @!p2 $0xFFFFE000  }
0x2a7: {  	_ =	swait.ge @!p2 [sflag:s0], $0x2000  }
0x2a8: {  	[sflag:s0] =	ssyncset.done @!p2 $0x0  }
0x2a9: {  	[sflag:s0] =	ssyncadd.s32 @!p2 $0xFFFFE000  }
0x2aa: {  	_ =	swait.ge @!p2 [sflag:s0], $0x2000  }
0x2ab: {  	[sflag:s0] =	ssyncset.done @!p2 $0x0  }
0x2ac: {  	[sflag:s0] =	ssyncadd.s32 @!p2 $0xFFFFE000  }
0x2ad: {  	s8 =	sld [smem:$0x1];
	_ =	sdelay $0x2  }
0x2ae: {  	s15 =	sadd.s32 $0xF, s8  }
0x2af: {  	s2 =	sand.u32 $0xF, s15  }
0x2b0: {  	s18 =	sshra.s32 s15, $0x1F;
	p3 =	slt.s32 s15, $0x1;
	p6 =	sne.s32 s2, $0x0  }
0x2b1: {  	s2 =	sshrl.u32 s18, $0x1C;
	p2 =	por !p3, !p6  }
0x2b2: {  	s0 =	sadd.s32 s2, s15;
	s2 =	simm.s32 $0x1;
	p2 =	por !p2, !p2  }
0x2b3: {  	s0 =	sshra.s32 s0, $0x4;
	s2 =	simm.s32 @!p2 $0x0  }
0x2b4: {  	s11 =	ssub.s32 s0, s2  }
0x2b5: {  	s0 =	sshrl.u32 s11, $0x1F  }
0x2b6: {  	s0 =	sadd.s32 s0, s11  }
0x2b7: {  	s0 =	sand.u32 $0xFFFFFFFE, s0  }
0x2b8: {  	p2 =	slt.s32 s0, $0x1  }
.Ltmp23:
0x2b9: {  	_ = 	snop;
	(pc) =	sbr.rel @p2 .LBB2_26-.Ltmp23, $1  }
0x2ba: {  	_ =	sdelay $0x3  }
0x2bb: {  	s2 =	simm.s32 $0x10C90  }
0x2bc: {  	v17 =	vld [tilespmem:s2+$0x0]  }
0x2bd: {  	v20 =	vld [tilespmem:s2+$0xFFFFFFF0];
	_ =	sdelay $0x1  }
0x2be: {  	s15 =	sadd.s32 $0xFFFFFFF0, s8  }
0x2bf: {  	s18 =	sadd.s32 $0x10, s15;
	v19 =	vmov s15  }
0x2c0: {  	v16 =	vmov s14;
	v21 =	vmov s18;
	vm0 =	vgt.s32 v19, v4  }
0x2c1: {  	vm6 =	vgt.s32 v21, v4;
	v18 =	vshrl.u32 v17, $0xB;
	v23 =	vshrl.u32 v20, $0xB  }
0x2c2: {  	v21 =	vand.u32 $0x7FF, v17;
	v26 =	vand.u32 $0x7F, v17;
	v17 =	vshll.u32 v17, $0x2  }
0x2c3: {  	v62 =	vand.u32 $0x7F, v20;
	v18 =	vsub.s32 v18, v16;
	v23 =	vsub.s32 v23, v16  }
0x2c4: {  	v17 =	vand.u32 $0x1E00, v17;
	v27 =	vmax.u32 v21, $0x1;
	v21 =	vmin.u32 v21, $0x7FE  }
0x2c5: {  	vm1 =	vlt.u32 v18, $0x4;
	v19 =	vadd.s32 $0xFFFFFFFF, v18;
	v22 =	vadd.s32 $0x1, v18  }
0x2c6: {  	v24 =	vadd.s32 $0xFFFFFFFF, v23;
	v25 =	vadd.s32 $0x1, v23;
	v17 =	vor.u32 v26, v17  }
0x2c7: {  	v26 =	vsub.s32 v27, v5;
	v21 =	vadd.s32 $0x1, v21;
	vm4 =	vmand vm0, vm1  }
0x2c8: {  	vm1 =	vlt.u32 v19, $0x4;
	vm2 =	vlt.u32 v22, $0x4;
	vm7 =	vlt.u32 v25, $0x4  }
0x2c9: {  	v27 =	vand.u32 $0x7F, v21;
	v28 =	vand.u32 $0x7F, v26;
	v26 =	vshll.u32 v26, $0x2  }
0x2ca: {  	v21 =	vshll.u32 v21, $0x2;
	vm5 =	vmand vm0, vm1;
	vm3 =	vmand vm0, vm2  }
0x2cb: {  	vm0 =	vlt.u32 v23, $0x4;
	vm2 =	vlt.u32 v24, $0x4;
	v18 =	vnsel vm4, $0x0, v18  }
0x2cc: {  	v26 =	vand.u32 $0x1E00, v26;
	v21 =	vand.u32 $0x3E00, v21;
	vm1 =	vmand vm6, vm0  }
0x2cd: {  	vm2 =	vmand vm6, vm2;
	vm0 =	vmand vm6, vm7;
	v29 =	vshll.u32 v18, $0xB  }
0x2ce: {  	v26 =	vor.u32 v28, v26;
	v18 =	vshll.u32 v18, $0x7;
	v19 =	vnsel vm5, $0x0, v19  }
0x2cf: {  	v22 =	vnsel vm3, $0x0, v22;
	v28 =	vand.u32 $0xFFFFE000, v29;
	v18 =	vand.u32 $0x180, v18  }
0x2d0: {  	v30 =	vshll.u32 v19, $0xB;
	v19 =	vshll.u32 v19, $0x7;
	v33 =	vshll.u32 v22, $0xB  }
0x2d1: {  	v22 =	vshll.u32 v22, $0x7;
	v24 =	vnsel vm2, $0x0, v24;
	v25 =	vnsel vm0, $0x0, v25  }
0x2d2: {  	v23 =	vnsel vm1, $0x0, v23;
	v29 =	vor.u32 v28, v17;
	v30 =	vand.u32 $0xFFFFE000, v30  }
0x2d3: {  	v19 =	vand.u32 $0x180, v19;
	v60 =	vor.u32 v28, v26;
	v28 =	vadd.s32 v21, v28  }
0x2d4: {  	v33 =	vand.u32 $0xFFFFE000, v33;
	v29 =	vor.u32 v18, v29;
	v31 =	vor.u32 v30, v26  }
0x2d5: {  	v32 =	vadd.s32 v21, v30;
	v30 =	vor.u32 v30, v17;
	v26 =	vor.u32 v33, v26  }
0x2d6: {  	v31 =	vor.u32 v19, v31;
	v32 =	vor.u32 v19, v32;
	v19 =	vor.u32 v19, v30  }
0x2d7: {  	v30 =	vor.u32 v27, v32;
	v32 =	vor.u32 v18, v60;
	v18 =	vor.u32 v18, v28  }
0x2d8: {  	v17 =	vor.u32 v33, v17;
	v28 =	vor.u32 v27, v18;
	v18 =	vand.u32 $0x180, v22  }
0x2d9: {  	v21 =	vadd.s32 v21, v33;
	v22 =	vor.u32 v18, v26;
	v26 =	vand.u32 $0x7FF, v20  }
0x2da: {  	v21 =	vor.u32 v18, v21;
	v17 =	vor.u32 v18, v17;
	[tilespmem:v29+s19+$0x0] =	vst.idx.msk vm4, v2;
	v18 =	vmax.u32 v26, $0x1  }
0x2db: {  	v21 =	vor.u32 v27, v21;
	v26 =	vmin.u32 v26, $0x7FE;
	[tilespmem:v29+s20+$0x0] =	vst.idx.msk vm4, v2;
	v27 =	vsub.s32 v18, v5  }
0x2dc: {  	v18 =	vadd.s32 $0x1, v26;
	v26 =	vshll.u32 v24, $0xB;
	v24 =	vshll.u32 v24, $0x7;
	[tilespmem:v31+s21+$0x0] =	vst.idx.msk vm5, v2  }
0x2dd: {  	v31 =	vshll.u32 v25, $0xB;
	v61 =	vshll.u32 v27, $0x2;
	v34 =	vshll.u32 v18, $0x2;
	[tilespmem:v19+s21+$0x0] =	vst.idx.msk vm5, v2  }
0x2de: {  	v26 =	vand.u32 $0xFFFFE000, v26;
	v25 =	vshll.u32 v25, $0x7;
	v27 =	vand.u32 $0x7F, v27;
	[tilespmem:v30+s21+$0x0] =	vst.idx.msk vm5, v2  }
0x2df: {  	v19 =	vshll.u32 v23, $0xB;
	v31 =	vand.u32 $0xFFFFE000, v31;
	v30 =	vshll.u32 v20, $0x2;
	[tilespmem:v32+s21+$0x0] =	vst.idx.msk vm4, v2  }
0x2e0: {  	v23 =	vshll.u32 v23, $0x7;
	v19 =	vand.u32 $0xFFFFE000, v19;
	v30 =	vand.u32 $0x1E00, v30;
	[tilespmem:v29+s21+$0x0] =	vst.idx.msk vm4, v2  }
0x2e1: {  	p2 =	sgt.s32 s0, $0x2;
	v20 =	vand.u32 $0x180, v23;
	v29 =	vand.u32 $0x3E00, v34;
	v32 =	vor.u32 v62, v30;
	[tilespmem:v28+s21+$0x0] =	vst.idx.msk vm4, v2  }
.Ltmp24:
0x2e2: {  	v28 =	vand.u32 $0x1E00, v61;
	v63 =	vadd.s32 v29, v26;
	v34 =	vadd.s32 v29, v19;
	[tilespmem:v22+s21+$0x0] =	vst.idx.msk vm3, v2;
	(pc) =	sbr.rel @!p2 .LBB2_25-.Ltmp24, $4  }
0x2e3: {  	v29 =	vadd.s32 v29, v31;
	v22 =	vand.u32 $0x180, v24;
	[tilespmem:v17+s21+$0x0] =	vst.idx.msk vm3, v2;
	v17 =	vor.u32 v27, v28  }
0x2e4: {  	v24 =	vor.u32 v22, v63;
	v28 =	vor.u32 v19, v32;
	[tilespmem:v21+s21+$0x0] =	vst.idx.msk vm3, v2;
	v21 =	vand.u32 $0x180, v25  }
0x2e5: {  	v30 =	vor.u32 v26, v17;
	v25 =	vor.u32 v20, v34;
	v27 =	vor.u32 v31, v17  }
0x2e6: {  	s5 =	simm.s32 $0x2;
	s2 =	simm.s32 $0x10CB0;
	v23 =	vor.u32 v21, v29;
	v29 =	vor.u32 v26, v32;
	v26 =	vor.u32 v31, v32  }
.LBB2_24:
0x2e7: {  	v31 =	vld [tilespmem:s2+$0x0];
	v30 =	vor.u32 v22, v30;
	v18 =	vand.u32 $0x7F, v18;
	v19 =	vor.u32 v19, v17  }
0x2e8: {  	v22 =	vor.u32 v22, v29;
	v17 =	vld [tilespmem:s2+$0xFFFFFFF0];
	v24 =	vor.u32 v18, v24;
	v23 =	vor.u32 v18, v23  }
0x2e9: {  	s15 =	sadd.s32 $0xFFFFFFE0, s15;
	v18 =	vor.u32 v18, v25;
	v25 =	vor.u32 v21, v27;
	v21 =	vor.u32 v21, v26  }
0x2ea: {  	s9 =	sadd.s32 $0x10, s15;
	v26 =	vmov s15;
	v27 =	vor.u32 v20, v28;
	v19 =	vor.u32 v20, v19  }
0x2eb: {  	v20 =	vmov s9;
	vm4 =	vgt.s32 v26, v4  }
0x2ec: {  	v26 =	vand.u32 $0x7FF, v31;
	v28 =	vand.u32 $0x7F, v31;
	v29 =	vshll.u32 v31, $0x2  }
0x2ed: {  	v31 =	vshrl.u32 v31, $0xB;
	v29 =	vand.u32 $0x1E00, v29;
	v32 =	vmax.u32 v26, $0x1  }
0x2ee: {  	v31 =	vsub.s32 v31, v16;
	v26 =	vmin.u32 v26, $0x7FE;
	v28 =	vor.u32 v28, v29  }
0x2ef: {  	vm3 =	vlt.u32 v31, $0x4;
	v29 =	vsub.s32 v32, v5;
	v26 =	vadd.s32 $0x1, v26;
	[tilespmem:v27+s19+$0x0] =	vst.idx.msk vm1, v2  }
0x2f0: {  	v32 =	vadd.s32 $0xFFFFFFFF, v31;
	v34 =	vadd.s32 $0x1, v31;
	v33 =	vand.u32 $0x7F, v26;
	[tilespmem:v27+s20+$0x0] =	vst.idx.msk vm1, v2  }
0x2f1: {  	v35 =	vand.u32 $0x7F, v29;
	v29 =	vshll.u32 v29, $0x2;
	v26 =	vshll.u32 v26, $0x2;
	[tilespmem:v30+s21+$0x0] =	vst.idx.msk vm2, v2  }
0x2f2: {  	s5 =	sadd.s32 $0x2, s5;
	vm3 =	vmand vm4, vm3;
	vm5 =	vlt.u32 v32, $0x4;
	vm6 =	vlt.u32 v34, $0x4;
	[tilespmem:v22+s21+$0x0] =	vst.idx.msk vm2, v2  }
0x2f3: {  	p2 =	slt.s32 s5, s0;
	v29 =	vand.u32 $0x1E00, v29;
	v26 =	vand.u32 $0x3E00, v26;
	v22 =	vnsel vm3, $0x0, v31;
	[tilespmem:v24+s21+$0x0] =	vst.idx.msk vm2, v2  }
0x2f4: {  	v29 =	vor.u32 v35, v29;
	v24 =	vshll.u32 v22, $0xB;
	vm2 =	vmand vm4, vm5;
	[tilespmem:v19+s21+$0x0] =	vst.idx.msk vm1, v2  }
0x2f5: {  	v22 =	vshll.u32 v22, $0x7;
	v19 =	vand.u32 $0xFFFFE000, v24;
	v24 =	vnsel vm2, $0x0, v32;
	[tilespmem:v27+s21+$0x0] =	vst.idx.msk vm1, v2  }
0x2f6: {  	v22 =	vand.u32 $0x180, v22;
	v27 =	vor.u32 v19, v28;
	v30 =	vshll.u32 v24, $0xB;
	[tilespmem:v18+s21+$0x0] =	vst.idx.msk vm1, v2  }
0x2f7: {  	v24 =	vshll.u32 v24, $0x7;
	v18 =	vor.u32 v22, v27;
	v27 =	vand.u32 $0xFFFFE000, v30;
	[tilespmem:v25+s21+$0x0] =	vst.idx.msk vm0, v2  }
0x2f8: {  	vm4 =	vmand vm4, vm6;
	v24 =	vand.u32 $0x180, v24;
	v25 =	vor.u32 v27, v29;
	[tilespmem:v21+s21+$0x0] =	vst.idx.msk vm0, v2  }
0x2f9: {  	v21 =	vor.u32 v24, v25;
	v25 =	vor.u32 v27, v28;
	v27 =	vadd.s32 v26, v27  }
0x2fa: {  	v25 =	vor.u32 v24, v25;
	v24 =	vor.u32 v24, v27;
	v27 =	vnsel vm4, $0x0, v34;
	[tilespmem:v23+s21+$0x0] =	vst.idx.msk vm0, v2  }
0x2fb: {  	v23 =	vor.u32 v33, v24;
	v24 =	vor.u32 v19, v29;
	v30 =	vshll.u32 v27, $0xB  }
0x2fc: {  	v19 =	vadd.s32 v26, v19;
	v24 =	vor.u32 v22, v24;
	v30 =	vand.u32 $0xFFFFE000, v30;
	[tilespmem:v18+s19+$0x0] =	vst.idx.msk vm3, v2  }
0x2fd: {  	v19 =	vor.u32 v22, v19;
	v22 =	vshll.u32 v27, $0x7;
	v27 =	vor.u32 v30, v29;
	[tilespmem:v18+s20+$0x0] =	vst.idx.msk vm3, v2  }
0x2fe: {  	v19 =	vor.u32 v33, v19;
	[tilespmem:v21+s21+$0x0] =	vst.idx.msk vm2, v2;
	v21 =	vand.u32 $0x180, v22;
	v22 =	vor.u32 v30, v28  }
0x2ff: {  	v26 =	vadd.s32 v26, v30;
	v28 =	vshrl.u32 v17, $0xB;
	[tilespmem:v25+s21+$0x0] =	vst.idx.msk vm2, v2;
	v25 =	vor.u32 v21, v27  }
0x300: {  	v27 =	vand.u32 $0x7FF, v17;
	v22 =	vor.u32 v21, v22;
	v21 =	vor.u32 v21, v26;
	[tilespmem:v23+s21+$0x0] =	vst.idx.msk vm2, v2  }
0x301: {  	v23 =	vsub.s32 v28, v16;
	v26 =	vmax.u32 v27, $0x1;
	v21 =	vor.u32 v33, v21;
	[tilespmem:v24+s21+$0x0] =	vst.idx.msk vm3, v2  }
0x302: {  	vm0 =	vlt.u32 v23, $0x4;
	v24 =	vadd.s32 $0xFFFFFFFF, v23;
	v28 =	vadd.s32 $0x1, v23;
	[tilespmem:v18+s21+$0x0] =	vst.idx.msk vm3, v2  }
0x303: {  	vm5 =	vgt.s32 v20, v4;
	vm2 =	vlt.u32 v24, $0x4;
	vm6 =	vlt.u32 v28, $0x4;
	[tilespmem:v19+s21+$0x0] =	vst.idx.msk vm3, v2  }
0x304: {  	vm1 =	vmand vm5, vm0;
	vm2 =	vmand vm5, vm2;
	vm0 =	vmand vm5, vm6;
	[tilespmem:v25+s21+$0x0] =	vst.idx.msk vm4, v2  }
0x305: {  	v18 =	vmin.u32 v27, $0x7FE;
	v20 =	vnsel vm2, $0x0, v24;
	v24 =	vnsel vm0, $0x0, v28;
	[tilespmem:v22+s21+$0x0] =	vst.idx.msk vm4, v2  }
0x306: {  	v18 =	vadd.s32 $0x1, v18;
	v22 =	vnsel vm1, $0x0, v23;
	v23 =	vsub.s32 v26, v5;
	[tilespmem:v21+s21+$0x0] =	vst.idx.msk vm4, v2  }
0x307: {  	v25 =	vshll.u32 v24, $0xB;
	v19 =	vshll.u32 v22, $0xB;
	v21 =	vshll.u32 v20, $0xB  }
0x308: {  	v28 =	vshll.u32 v18, $0x2;
	v26 =	vshll.u32 v17, $0x2;
	v27 =	vshll.u32 v23, $0x2  }
0x309: {  	v31 =	vand.u32 $0xFFFFE000, v25;
	v19 =	vand.u32 $0xFFFFE000, v19;
	v29 =	vand.u32 $0xFFFFE000, v21  }
0x30a: {  	v24 =	vshll.u32 v24, $0x7;
	v20 =	vshll.u32 v20, $0x7;
	v21 =	vshll.u32 v22, $0x7  }
0x30b: {  	v23 =	vand.u32 $0x7F, v23;
	v25 =	vand.u32 $0x1E00, v27;
	v27 =	vand.u32 $0x3E00, v28  }
0x30c: {  	v26 =	vand.u32 $0x1E00, v26;
	v28 =	vand.u32 $0x7F, v17;
	v30 =	vadd.s32 v27, v29  }
.Ltmp25:
0x30d: {  	v22 =	vand.u32 $0x180, v20;
	v32 =	vadd.s32 v27, v19;
	v27 =	vadd.s32 v27, v31;
	(pc) =	sbr.rel @p2 .LBB2_24-.Ltmp25, $4  }
0x30e: {  	v20 =	vand.u32 $0x180, v21;
	v17 =	vor.u32 v23, v25;
	v21 =	vand.u32 $0x180, v24  }
0x30f: {  	v26 =	vor.u32 v28, v26;
	v24 =	vor.u32 v22, v30;
	v23 =	vor.u32 v21, v27  }
0x310: {  	v30 =	vor.u32 v29, v17;
	v29 =	vor.u32 v29, v26;
	v25 =	vor.u32 v20, v32  }
0x311: {  	s2 =	sadd.s32 $0x20, s2;
	v28 =	vor.u32 v19, v26;
	v27 =	vor.u32 v31, v17;
	v26 =	vor.u32 v31, v26  }
.LBB2_25:
0x312: {  	v16 =	vor.u32 v20, v28;
	_ =	sdelay $0x1  }
0x313: {  	v58 =	vor.u32 v22, v30  }
0x314: {  	v18 =	vand.u32 $0x7F, v18;
	v59 =	vor.u32 v22, v29  }
0x315: {  	v17 =	vor.u32 v19, v17;
	v60 =	vor.u32 v18, v24  }
0x316: {  	v17 =	vor.u32 v20, v17;
	[tilespmem:v16+s19+$0x0] =	vst.idx.msk vm1, v2  }
0x317: {  	[tilespmem:v16+s20+$0x0] =	vst.idx.msk vm1, v2  }
0x318: {  	v61 =	vor.u32 v18, v25;
	[tilespmem:v58+s21+$0x0] =	vst.idx.msk vm2, v2  }
0x319: {  	v62 =	vor.u32 v21, v27;
	[tilespmem:v59+s21+$0x0] =	vst.idx.msk vm2, v2  }
0x31a: {  	v63 =	vor.u32 v21, v26;
	[tilespmem:v60+s21+$0x0] =	vst.idx.msk vm2, v2  }
0x31b: {  	v18 =	vor.u32 v18, v23;
	[tilespmem:v17+s21+$0x0] =	vst.idx.msk vm1, v2  }
0x31c: {  	[tilespmem:v16+s21+$0x0] =	vst.idx.msk vm1, v2  }
0x31d: {  	[tilespmem:v61+s21+$0x0] =	vst.idx.msk vm1, v2  }
0x31e: {  	[tilespmem:v62+s21+$0x0] =	vst.idx.msk vm0, v2  }
0x31f: {  	[tilespmem:v63+s21+$0x0] =	vst.idx.msk vm0, v2  }
0x320: {  	[tilespmem:v18+s21+$0x0] =	vst.idx.msk vm0, v2  }
.LBB2_26:
0x321: {  	s2 =	ssub.s32 s11, s0  }
0x322: {  	p2 =	slt.s32 s2, $0x1  }
.Ltmp26:
0x323: {  	_ = 	snop;
	(pc) =	sbr.rel @p2 .LBB2_28-.Ltmp26, $1  }
0x324: {  	_ =	sdelay $0x3  }
0x325: {  	s0 =	sshll.u32 s0, $0x4  }
0x326: {  	v16 =	vld [tilespmem:s0+$0x10C80];
	_ =	sdelay $0x3  }
0x327: {  	s0 =	ssub.s32 s8, s0  }
0x328: {  	v17 =	vmov s14;
	v19 =	vmov s0;
	v18 =	vshrl.u32 v16, $0xB  }
0x329: {  	v20 =	vand.u32 $0x7FF, v16;
	v21 =	vand.u32 $0x7F, v16;
	v16 =	vshll.u32 v16, $0x2  }
0x32a: {  	vm2 =	vgt.s32 v19, v4;
	v17 =	vsub.s32 v18, v17;
	v16 =	vand.u32 $0x1E00, v16  }
0x32b: {  	v61 =	vmax.u32 v20, $0x1;
	v20 =	vmin.u32 v20, $0x7FE;
	vm0 =	vlt.u32 v17, $0x4  }
0x32c: {  	v22 =	vadd.s32 $0xFFFFFFFF, v17;
	v16 =	vor.u32 v21, v16;
	v21 =	vsub.s32 v61, v5  }
0x32d: {  	v20 =	vadd.s32 $0x1, v20;
	vm0 =	vmand vm2, vm0;
	vm1 =	vlt.u32 v22, $0x4  }
0x32e: {  	v25 =	vshll.u32 v21, $0x2;
	v21 =	vand.u32 $0x7F, v21;
	v26 =	vshll.u32 v20, $0x2  }
0x32f: {  	v20 =	vand.u32 $0x7F, v20;
	v18 =	vnsel vm0, $0x0, v17;
	vm1 =	vmand vm2, vm1  }
0x330: {  	v25 =	vand.u32 $0x1E00, v25;
	v26 =	vand.u32 $0x3E00, v26;
	v17 =	vadd.s32 $0x1, v17  }
0x331: {  	v60 =	vshll.u32 v18, $0xB;
	v18 =	vshll.u32 v18, $0x7;
	v22 =	vnsel vm1, $0x0, v22  }
0x332: {  	v21 =	vor.u32 v21, v25;
	vm3 =	vlt.u32 v17, $0x4;
	v19 =	vand.u32 $0xFFFFE000, v60  }
0x333: {  	v18 =	vand.u32 $0x180, v18;
	v24 =	vshll.u32 v22, $0xB;
	v23 =	vor.u32 v19, v16  }
0x334: {  	v22 =	vshll.u32 v22, $0x7;
	v24 =	vand.u32 $0xFFFFE000, v24;
	v23 =	vor.u32 v18, v23  }
0x335: {  	vm2 =	vmand vm2, vm3;
	v22 =	vand.u32 $0x180, v22;
	v25 =	vor.u32 v24, v21  }
0x336: {  	v27 =	vor.u32 v24, v16;
	v24 =	vadd.s32 v26, v24;
	v25 =	vor.u32 v22, v25  }
0x337: {  	v62 =	vor.u32 v19, v21;
	v27 =	vor.u32 v22, v27;
	v22 =	vor.u32 v22, v24  }
0x338: {  	v17 =	vnsel vm2, $0x0, v17;
	v19 =	vadd.s32 v26, v19;
	v22 =	vor.u32 v20, v22  }
0x339: {  	v28 =	vshll.u32 v17, $0xB;
	v24 =	vor.u32 v18, v62;
	v18 =	vor.u32 v18, v19;
	[tilespmem:v23+s19+$0x0] =	vst.idx.msk vm0, v2  }
0x33a: {  	v17 =	vshll.u32 v17, $0x7;
	v63 =	vand.u32 $0xFFFFE000, v28;
	v18 =	vor.u32 v20, v18;
	[tilespmem:v23+s20+$0x0] =	vst.idx.msk vm0, v2  }
0x33b: {  	v17 =	vand.u32 $0x180, v17;
	v21 =	vor.u32 v63, v21;
	v16 =	vor.u32 v63, v16;
	[tilespmem:v25+s21+$0x0] =	vst.idx.msk vm1, v2  }
0x33c: {  	v19 =	vadd.s32 v26, v63;
	v21 =	vor.u32 v17, v21;
	[tilespmem:v27+s21+$0x0] =	vst.idx.msk vm1, v2  }
0x33d: {  	v16 =	vor.u32 v17, v16;
	v17 =	vor.u32 v17, v19;
	[tilespmem:v22+s21+$0x0] =	vst.idx.msk vm1, v2  }
0x33e: {  	v17 =	vor.u32 v20, v17;
	[tilespmem:v24+s21+$0x0] =	vst.idx.msk vm0, v2  }
0x33f: {  	[tilespmem:v23+s21+$0x0] =	vst.idx.msk vm0, v2  }
0x340: {  	[tilespmem:v18+s21+$0x0] =	vst.idx.msk vm0, v2  }
0x341: {  	[tilespmem:v21+s21+$0x0] =	vst.idx.msk vm2, v2  }
0x342: {  	[tilespmem:v16+s21+$0x0] =	vst.idx.msk vm2, v2  }
0x343: {  	[tilespmem:v17+s21+$0x0] =	vst.idx.msk vm2, v2  }
.LBB2_28:
.Ltmp27:
0x344: {  	(pc) =	sbr.rel @p0 .LBB2_29-.Ltmp27, $3  }
0x345: {  	_ =	sdelay $0x1  }
0x346: {  	s11 =	sshll.u32 s4, $0xB  }
0x347: {  	s8 =	sadd.s32 $0xFFFFF800, s11;
	s14 =	sadd.s32 $0x2800, s11  }
0x348: {  	p5 =	sgt.s32 s6, $0x2  }
.Ltmp28:
0x349: {  	_ = 	snop;
	(pc) =	sbr.rel @!p5 .LBB2_50-.Ltmp28, $3  }
0x34a: {  	_ =	sdelay $0x1  }
0x34b: {  	s15 =	simm.s32 $0xF390;
	s0 =	simm.s32 $0xF890  }
0x34c: {  	v17 =	vmov s8;
	v16 =	vmov s14;
	v25 =	vimm.s32 $0x0;
	p2 =	por $0x0, $0x0;
	p3 =	por $0x0, $0x0;
	p4 =	por $0x0, $0x0  }
0x34d: {  	v19 =	vld [tilespmem:s15+$0xFFFFFFF0]  }
0x34e: {  	v18 =	vld [tilespmem:s15+$0x0]  }
0x34f: {  	p5 =	sgt.s32 s6, $0x4  }
.Ltmp29:
0x350: {  	s2 =	sadd.s32 $0x10, s7;
	(pc) =	sbr.rel @!p5 .LBB2_52-.Ltmp29, $4  }
0x351: {  	v21 =	vmov s7;
	v20 =	vmov s2  }
0x352: {  	vm2 =	vgt.s32 v21, v4;
	vm0 =	vgt.s32 v20, v4;
	vm1 =	vge.s32 v19, v17  }
0x353: {  	vm15 =	vlt.s32 v19, v16;
	vm3 =	vge.s32 v18, v17;
	vm0 =	vmand vm0, vm1  }
0x354: {  	p2 =	por $0x1, $0x1;
	vm10 =	vlt.s32 v18, v16;
	vm9 =	vmand vm2, vm3;
	vm6 =	vmand vm15, vm0  }
0x355: {  	v20 =	vsel vm6, $0x1, v3;
	vm0 =	vmand vm10, vm9  }
0x356: {  	v21 =	vsel vm0, $0x1, v3;
	(xrf0) =	vadd.scan.msk.s32 $0xffff, v20  }
0x357: {  	(xrf0) =	vadd.scan.msk.s32 $0xffff, v21  }
0x358: {  	s5 =	simm.s32 $0xF3B0;
	v22 =	vmpcnt.ones.xlane vm0;
	v21 =	vmpcnt.ones.xlane vm6  }
0x359: {  	v20 =	vld [tilespmem:s5+$0xFFFFFFF0]  }
0x35a: {  	v23 =	vsel vm6, $0xFFFFFFFF, v3;
	v26 =	vsel vm0, $0xFFFFFFFF, v3;
	v24 =	vadd.s32 v25, v21;
	v21 =	vld [tilespmem:s5+$0x0]  }
0x35b: {  	s2 =	sadd.s32 $0xFFFFFFE0, s7;
	p5 =	sgt.s32 s6, $0x6;
	v23 =	vadd.s32 v23, v25;
	vm2 =	vmmov vm0;
	vm0 =	vmmov vm6  }
.Ltmp30:
0x35c: {  	s9 =	sadd.s32 $0x10, s2;
	v28 =	vmov s2;
	v25 =	vadd.s32 v26, v24;
	v24 =	vadd.s32 v24, v22;
	v22, _, _ =	vpop (xrf0);
	(pc) =	sbr.rel @!p5 .LBB2_54-.Ltmp30, $4  }
0x35d: {  	vm4 =	vgt.s32 v28, v4;
	v26 =	vadd.s32 v22, v23;
	v22, _, _ =	vpop (xrf0);
	v23 =	vmov s9  }
0x35e: {  	vm3 =	vge.s32 v20, v17;
	v27 =	vadd.s32 v22, v25;
	vm1 =	vgt.s32 v23, v4  }
0x35f: {  	vm5 =	vge.s32 v21, v17;
	vm1 =	vmand vm1, vm3;
	vm3 =	vlt.s32 v20, v16  }
0x360: {  	p3 =	por $0x1, $0x1;
	vm10 =	vlt.s32 v21, v16;
	vm9 =	vmand vm4, vm5;
	vm8 =	vmand vm3, vm1  }
0x361: {  	v22 =	vsel vm8, $0x1, v3  }
0x362: {  	vm3 =	vmand vm10, vm9;
	(xrf0) =	vadd.scan.msk.s32 $0xffff, v22  }
0x363: {  	vm1 =	vlt.s32 v26, $0x4FF;
	v25 =	vsel vm8, $0xFFFFFFFF, v3;
	s5 =	simm.s32 $0xF3D0;
	vm4 =	vlt.s32 v27, $0x4FF  }
0x364: {  	v23 =	vsel vm3, $0x1, v3;
	v22 =	vmpcnt.ones.xlane vm8;
	v28 =	vmpcnt.ones.xlane vm3;
	v35 =	vld [tilespmem:s5+$0xFFFFFFF0]  }
0x365: {  	s2 =	sadd.s32 $0xFFFFFFE0, s2;
	vm5 =	vmmov vm8;
	v29 =	vadd.s32 v25, v24;
	v34 =	vld [tilespmem:s5+$0x0];
	(xrf0) =	vadd.scan.msk.s32 $0xffff, v23;
	v23 =	vnsel vm1, $0x4FF, v26  }
0x366: {  	v32 =	vmov s2;
	v25 =	vadd.s32 v24, v22;
	v22 =	vnsel vm4, $0x4FF, v27  }
0x367: {  	p5 =	sgt.s32 s6, $0x8;
	v30 =	vsel vm3, $0xFFFFFFFF, v3;
	vm1 =	vmmov vm2;
	vm9 =	vgt.s32 v32, v4  }
.Ltmp31:
0x368: {  	s9 =	sadd.s32 $0x10, s2;
	vm4 =	vmmov vm3;
	v31 =	vadd.s32 v30, v25;
	v25 =	vadd.s32 v25, v28;
	v28, _, _ =	vpop (xrf0);
	(pc) =	sbr.rel @!p5 .LBB2_56-.Ltmp31, $4  }
0x369: {  	vm7 =	vge.s32 v35, v17;
	v30 =	vadd.s32 v28, v29;
	v29 =	vmov s9  }
0x36a: {  	vm3 =	vmmov vm0;
	vm10 =	vge.s32 v34, v17;
	[tilespmem:v23+s22+$0x0] =	vst.idx.msk vm0, v19;
	vm6 =	vgt.s32 v29, v4  }
0x36b: {  	vm9 =	vmand vm9, vm10;
	v28, _, _ =	vpop (xrf0);
	[tilespmem:v22+s22+$0x0] =	vst.idx.msk vm2, v18;
	v29 =	vld [tilespmem:s0+$0xFFFFFFF0];
	vm6 =	vmand vm6, vm7;
	vm7 =	vlt.s32 v35, v16  }
0x36c: {  	s10 =	simm.s32 $0x8;
	p4 =	por $0x1, $0x1;
	vm10 =	vlt.s32 v34, v16;
	s9 =	simm.s32 $0xF890;
	v31 =	vadd.s32 v28, v31;
	v28 =	vld [tilespmem:s0+$0x0];
	vm7 =	vmand vm7, vm6  }
.LBB2_57:
0x36d: {  	vm11 =	vmmov vm8;
	vm8 =	vmmov vm7;
	v32 =	vsel vm7, $0x1, v3  }
0x36e: {  	s10 =	sadd.s32 $0x2, s10;
	v33 =	vmpcnt.ones.xlane vm7;
	vm7 =	vmand vm10, vm9;
	vm6 =	vmmov vm11  }
0x36f: {  	p5 =	slt.s32 s10, s6;
	v36 =	vsel vm8, $0xFFFFFFFF, v3;
	v37 =	vsel vm7, $0x1, v3;
	v38 =	vmpcnt.ones.xlane vm7;
	(xrf0) =	vadd.scan.msk.s32 $0xffff, v32  }
0x370: {  	v32 =	vadd.s32 v36, v25;
	v25 =	vadd.s32 v25, v33;
	v33 =	vsel vm7, $0xFFFFFFFF, v3;
	(xrf0) =	vadd.scan.msk.s32 $0xffff, v37  }
0x371: {  	vm9 =	vlt.s32 v30, $0x4FF;
	v33 =	vadd.s32 v33, v25;
	v25 =	vadd.s32 v25, v38;
	[tilespmem:v23+s23+$0x0] =	vst.idx.msk vm3, v29  }
0x372: {  	s5 =	sadd.s32 $0x20, s5;
	v23 =	vnsel vm9, $0x4FF, v30;
	vm3 =	vlt.s32 v31, $0x4FF;
	[tilespmem:v22+s23+$0x0] =	vst.idx.msk vm1, v28;
	vm1 =	vmmov vm4  }
0x373: {  	v22 =	vnsel vm3, $0x4FF, v31;
	vm4 =	vmmov vm7;
	vm3 =	vmmov vm5;
	v28 =	vld [tilespmem:s5+$0xFFFFFFF0]  }
0x374: {  	vm5 =	vmmov vm8;
	v36 =	vld [tilespmem:s5+$0x0]  }
0x375: {  	s2 =	sadd.s32 $0xFFFFFFE0, s2;
	v29, _, _ =	vpop (xrf0)  }
.Ltmp32:
0x376: {  	s18 =	sadd.s32 $0x10, s2;
	v30 =	vadd.s32 v29, v32;
	v29, _, _ =	vpop (xrf0);
	(pc) =	sbr.rel @p5 .LBB2_57-.Ltmp32, $4  }
0x377: {  	s9 =	sadd.s32 $0x20, s9;
	v37 =	vmov s2;
	v32 =	vmov s18;
	v31 =	vadd.s32 v29, v33;
	[tilespmem:v23+s22+$0x0] =	vst.idx.msk vm11, v20;
	v20 =	vmovc v35  }
0x378: {  	vm9 =	vgt.s32 v37, v4;
	vm6 =	vgt.s32 v32, v4;
	vm7 =	vge.s32 v28, v17;
	v29 =	vld [tilespmem:s9+$0xFFFFFFF0];
	v35 =	vmovc v28  }
0x379: {  	vm6 =	vmand vm6, vm7;
	vm7 =	vlt.s32 v35, v16;
	vm10 =	vge.s32 v36, v17;
	[tilespmem:v22+s22+$0x0] =	vst.idx.msk vm1, v21  }
0x37a: {  	v21 =	vmovc v34;
	v34 =	vmovc v36;
	vm7 =	vmand vm7, vm6;
	vm9 =	vmand vm9, vm10;
	vm10 =	vlt.s32 v36, v16;
	v28 =	vld [tilespmem:s9+$0x0]  }
0x37b: {  	v32 =	vmovc v20;
	v33 =	vmovc v21;
	vm6 =	vmmov vm8;
	v20 =	vmov v35;
	v21 =	vmov v34  }
.LBB2_59:
0x37c: {  	s5 =	sadd.s32 @p2 $0x20, s5  }
0x37d: {  	v34 =	vsel @p2 vm7, $0x1, v3;
	v36 =	vmpcnt.ones.xlane @p2 vm7;
	s15 =	smov.u32 @p2 s5  }
0x37e: {  	vm10 =	vmand @p2 vm10, vm9;
	v37 =	vsel @p2 vm7, $0xFFFFFFFF, v3;
	vm8 =	vlt.s32 @p3 v30, $0x4FF;
	v35 =	vld [tilespmem:s15+$0xFFFFFFF0]  }
0x37f: {  	s2 =	sadd.s32 @p2 $0xFFFFFFE0, s2;
	vm9 =	vlt.s32 @p3 v31, $0x4FF;
	vm4 =	vmmov @p3 vm4;
	v19 =	vpsel p2, v20, v19;
	s5 =	smov.u32 s7;
	v40 =	vld [tilespmem:s15+$0x0]  }
0x380: {  	v18 =	vpsel p2, v21, v18;
	v38 =	vsel @p2 vm10, $0x1, v3;
	v39 =	vmpcnt.ones.xlane @p2 vm10;
	s5 =	smov.u32 @p2 s2  }
0x381: {  	v37 =	vadd.s32 @p2 v37, v25;
	(xrf0) =	vadd.scan.msk.s32 @p2 $0xffff, v34;
	v30 =	vnsel @p3 vm8, $0x4FF, v30;
	v31 =	vnsel @p3 vm9, $0x4FF, v31;
	s2 =	sadd.s32 $0x10, s5  }
0x382: {  	v34 =	vsel @p2 vm10, $0xFFFFFFFF, v3;
	v53 =	vmov s5;
	v52 =	vmov s2  }
0x383: {  	v25 =	vadd.s32 @p2 v25, v36;
	(xrf0) =	vadd.scan.msk.s32 @p2 $0xffff, v38;
	vm11 =	vgt.s32 v53, v4;
	vm15 =	vgt.s32 v52, v4  }
0x384: {  	vm12 =	vge.s32 v35, v17;
	vm13 =	vlt.s32 v35, v16;
	vm14 =	vge.s32 v40, v17  }
0x385: {  	v17 =	vadd.s32 @p2 v34, v25;
	vm8 =	vmand vm15, vm12;
	vm15 =	vlt.s32 v40, v16  }
0x386: {  	v16 =	vadd.s32 @p2 v25, v39;
	vm9 =	vmand vm13, vm8;
	vm8 =	vmand vm11, vm14  }
0x387: {  	v25, _, _ =	vpop @p2 (xrf0);
	vm11 =	vmmov @p3 vm6;
	vm8 =	vmand vm15, vm8;
	v54 =	vsel vm9, $0x1, v3  }
0x388: {  	v25 =	vadd.s32 @p2 v25, v37;
	vm6 =	vmmov @p2 vm10;
	v55 =	vsel vm8, $0x1, v3;
	(xrf0) =	vadd.scan.msk.s32 $0xffff, v54  }
0x389: {  	v34, _, _ =	vpop @p2 (xrf0);
	vm10 =	vmmov @p3 vm5;
	vm5 =	vmmov @p2 vm7;
	v16 =	vpsel p2, v16, v24;
	(xrf0) =	vadd.scan.msk.s32 $0xffff, v55  }
0x38a: {  	v17 =	vadd.s32 @p2 v34, v17;
	v24 =	vpsel p2, v25, v26;
	v56 =	vmpcnt.ones.xlane vm9  }
0x38b: {  	v57 =	vsel vm9, $0xFFFFFFFF, v3;
	vm2 =	vmmov @p2 vm6;
	vm14 =	vmmov vm9  }
0x38c: {  	v17 =	vpsel p2, v17, v27;
	v26 =	vadd.s32 v57, v16;
	vm6 =	vlt.s32 @p2 v24, $0x4FF  }
0x38d: {  	v24 =	vnsel @p2 vm6, $0x4FF, v24;
	vm7 =	vlt.s32 @p2 v17, $0x4FF;
	vm6 =	vmmov @p2 vm2  }
0x38e: {  	v58 =	vsel vm8, $0xFFFFFFFF, v3;
	v16 =	vadd.s32 v16, v56;
	v17 =	vnsel @p2 vm7, $0x4FF, v17;
	v59, _, _ =	vpop (xrf0)  }
0x38f: {  	s5 =	simm.s32 $0xF890;
	s2 =	sadd.s32 @p4 $0x20, s9;
	vm0 =	vmmov @p2 vm5;
	v25 =	vadd.s32 v58, v16;
	v26 =	vadd.s32 v59, v26;
	v60, _, _ =	vpop (xrf0)  }
0x390: {  	[tilespmem:v22+s23+$0x0] =	vst.idx.msk @p4 vm1, v28;
	s5 =	smov.u32 @p4 s2;
	vm12 =	vmmov vm8;
	v25 =	vadd.s32 v60, v25;
	vm13 =	vlt.s32 v26, $0x4FF  }
0x391: {  	s9 =	simm.s32 $0xF890;
	[tilespmem:v31+s22+$0x0] =	vst.idx.msk @p3 vm4, v33;
	s2 =	sadd.s32 @p3 $0x20, s5;
	vm2 =	vmmov vm12;
	v61 =	vnsel vm13, $0x4FF, v26;
	vm7 =	vlt.s32 v25, $0x4FF  }
0x392: {  	vm4 =	vmmov @p3 vm4;
	v20 =	vld @p3 [tilespmem:s5+$0x0];
	s9 =	smov.u32 @p3 s2;
	vm0 =	vmmov @p2 vm0;
	[tilespmem:v24+s22+$0x0] =	vst.idx.msk @p2 vm5, v19;
	v25 =	vnsel vm7, $0x4FF, v25  }
0x393: {  	vm0 =	vmmov @p2 vm0;
	v19 =	vpsel p3, v31, v0;
	v21 =	vld @p2 [tilespmem:s9+$0xFFFFFFF0];
	[tilespmem:v17+s22+$0x0] =	vst.idx.msk @p2 vm6, v18  }
0x394: {  	v22 =	vpsel p2, v24, v0;
	[tilespmem:v30+s22+$0x0] =	vst.idx.msk @p3 vm11, v32;
	vm5 =	vmmov @p2 vm6;
	v18 =	vld @p2 [tilespmem:s9+$0x0]  }
0x395: {  	[tilespmem:v23+s23+$0x0] =	vst.idx.msk @p4 vm3, v29;
	s2 =	sadd.s32 @p2 $0x20, s9;
	vm15 =	vmmov vm9;
	v17 =	vpsel p2, v17, v0;
	v26 =	vld @p3 [tilespmem:s5+$0xFFFFFFF0];
	vm7 =	vmmov @p3 vm10  }
0x396: {  	s0 =	smov.u32 @p2 s2;
	v27 =	vpsel p3, v30, v0;
	vm1 =	vmmov vm15;
	[tilespmem:v61+s22+$0x0] =	vst.idx.msk vm14, v35  }
0x397: {  	v20 =	vpsel p3, v20, v0;
	v62 =	vld [tilespmem:s0+$0xFFFFFFF0];
	[tilespmem:v25+s22+$0x0] =	vst.idx.msk vm2, v40  }
0x398: {  	[tilespmem:v19+s23+$0x0] =	vst.idx.msk @p3 vm4, v20;
	v19 =	vpsel p2, v21, v0;
	v63 =	vld [tilespmem:s0+$0x0]  }
.Ltmp33:
0x399: {  	v18 =	vpsel p2, v18, v0;
	[tilespmem:v22+s23+$0x0] =	vst.idx.msk @p2 vm0, v19;
	(pc) =	sbr.rel .LBB2_30-.Ltmp33, $4  }
0x39a: {  	v24 =	vpsel p3, v26, v0;
	[tilespmem:v17+s23+$0x0] =	vst.idx.msk @p2 vm5, v18  }
0x39b: {  	v19 =	vmpcnt.ones.xlane vm8;
	[tilespmem:v27+s23+$0x0] =	vst.idx.msk @p3 vm7, v24  }
0x39c: {  	[tilespmem:v61+s23+$0x0] =	vst.idx.msk vm1, v62  }
0x39d: {  	v16 =	vadd.s32 v16, v19;
	[tilespmem:v25+s23+$0x0] =	vst.idx.msk vm2, v63  }
.LBB2_29:
0x39e: {  	v16 =	vimm.s32 $0x0  }
.LBB2_30:
0x39f: {  	s2 =	rddreg [dreg:$0xb]  }
0x3a0: {  	v17 =	vld @!p1 [tilespmem:s2+$0xF380];
	_ =	sdelay $0x4  }
0x3a1: {  	v18 =	vlaneseq.u32 @!p1;
	vm0 =	vge.s32 @!p1 v17, s8;
	vm1 =	vlt.s32 @!p1 v17, s14  }
0x3a2: {  	vm2 =	vgt.s32 @!p1 v15, v18;
	vm0 =	vmand @!p1 vm0, vm1  }
0x3a3: {  	v18 =	vimm.s32 @!p1 $0x0;
	vm0 =	vmand @!p1 vm0, vm2  }
0x3a4: {  	v19 =	vsel @!p1 vm0, $0x1, v18  }
0x3a5: {  	(xrf0) =	vadd.scan.msk.s32 @!p1 $0xffff, v19;
	_ =	sdelay $0x4  }
0x3a6: {  	v18 =	vsel @!p1 vm0, $0xFFFFFFFF, v18  }
0x3a7: {  	v18 =	vadd.s32 @!p1 v18, v16;
	v19, _, _ =	vpop @!p1 (xrf0)  }
0x3a8: {  	v18 =	vadd.s32 @!p1 v19, v18;
	v19 =	vmpcnt.ones.xlane @!p1 vm0;
	_ =	sdelay $0x1  }
0x3a9: {  	v19 =	vadd.s32 @!p1 v16, v19  }
0x3aa: {  	v16 =	vpsel p1, v16, v19  }
0x3ab: {  	v16 =	vxor.u32 $0x80000000, v16  }
0x3ac: {  	(xrf0) =	vmax.scan.msk.u32 $0xffff, v16;
	_ =	sdelay $0x5  }
0x3ad: {  	v16, _, _ =	vpop (xrf0)  }
0x3ae: {  	(v2sf) =	vpush v16, $0xF;
	_ =	sdelay $0xc  }
0x3af: {  	vm1 =	vlt.s32 @!p1 v18, $0x4FF  }
0x3b0: {  	v18 =	vnsel @!p1 vm1, $0x4FF, v18  }
0x3b1: {  	s14 =	spop (v2sf)  }
0x3b2: {  	s15 =	sadd.s32 $0x8000000F, s14  }
0x3b3: {  	s0 =	simm.s32 @!p1 $0x10C80;
	s5 =	sand.u32 $0xF, s15  }
0x3b4: {  	s18 =	sshra.s32 s15, $0x1F;
	p3 =	slt.s32 s15, $0x1;
	p2 =	sne.s32 s5, $0x0  }
0x3b5: {  	[tilespmem:v18+s0+$0x0] =	vst.idx.msk @!p1 vm0, v17;
	s5 =	sshrl.u32 s18, $0x1C;
	p2 =	por !p3, !p2  }
0x3b6: {  	v17 =	vld @!p1 [tilespmem:s2+$0xF880];
	s2 =	sadd.s32 s5, s15;
	s5 =	simm.s32 $0x1;
	p2 =	por !p2, !p2  }
0x3b7: {  	s2 =	sshra.s32 s2, $0x4;
	s5 =	simm.s32 @!p2 $0x0  }
0x3b8: {  	s2 =	ssub.s32 s2, s5  }
0x3b9: {  	p2 =	slt.s32 s2, $0x1  }
.Ltmp34:
0x3ba: {  	_ = 	snop;
	(pc) =	sbr.rel @p2 .LBB2_34-.Ltmp34, $3  }
0x3bb: {  	_ =	sdelay $0x1  }
0x3bc: {  	s0 =	simm.s32 @!p1 $0x10280;
	s8 =	sxor.u32 $0x80000000, s14  }
0x3bd: {  	[tilespmem:v18+s0+$0x0] =	vst.idx.msk @!p1 vm0, v17;
	[smem:$0x1] =	sst s8  }
0x3be: {  	s14 =	simm.s32 $0x10C80  }
0x3bf: {  	v17 =	vld [tilespmem:s14+$0x0];
	_ =	sdelay $0x3  }
0x3c0: {  	v16 =	vmov s4;
	s0 =	simm.s32 $0x10280;
	v18 =	vmov s8  }
0x3c1: {  	v19 =	vld [tilespmem:s0+$0x0];
	vm3 =	vgt.s32 v18, v4;
	v18 =	vshrl.u32 v17, $0xB;
	v20 =	vand.u32 $0x7FF, v17  }
0x3c2: {  	v22 =	vshll.u32 v17, $0x2;
	vm5 =	vlt.u32 v17, $0x3FF800;
	v21 =	vsub.s32 v18, v16  }
0x3c3: {  	v17 =	vand.u32 $0x7F, v17;
	vm0 =	vne.s32 v20, $0x0;
	vm1 =	vlt.u32 v21, $0x4  }
0x3c4: {  	vm2 =	vne.s32 v20, $0x7FF;
	vm6 =	vne.s32 v18, $0x0;
	vm4 =	vmand vm3, vm1  }
0x3c5: {  	v22 =	vand.u32 $0x1E00, v22;
	vm0 =	vmand vm0, vm2;
	v18 =	vnsel vm4, $0x0, v21  }
0x3c6: {  	v17 =	vor.u32 v17, v22;
	v34 =	vadd.s32 $0xFFFFFFFF, v21;
	v23 =	vshll.u32 v18, $0xB  }
0x3c7: {  	vm0 =	vmand vm6, vm0;
	v18 =	vshll.u32 v18, $0x7;
	v23 =	vand.u32 $0xFFFFE000, v23  }
0x3c8: {  	vm0 =	vmand vm5, vm0;
	v18 =	vand.u32 $0x180, v18;
	v17 =	vor.u32 v23, v17  }
0x3c9: {  	v35 =	vld.idx.msk [tilespmem:v19+s12+$0x0], vm3;
	vm2 =	vlt.u32 v34, $0x4;
	vm0 =	vmand vm3, vm0;
	v17 =	vor.u32 v18, v17  }
0x3ca: {  	vm2 =	vmand vm2, vm0;
	v18 =	vadd.s32 $0xFFFFFFFF, v20  }
0x3cb: {  	v22 =	vnsel vm2, $0x0, v34;
	v24 =	vnsel vm2, $0x0, v18  }
0x3cc: {  	v25 =	vshll.u32 v22, $0xB;
	v26 =	vshll.u32 v24, $0x2  }
0x3cd: {  	v25 =	vand.u32 $0xFFFFE000, v25;
	v26 =	vand.u32 $0xFFFFFE00, v26  }
0x3ce: {  	v22 =	vshll.u32 v22, $0x7;
	v36 =	vand.u32 $0x7F, v24;
	v37 =	vadd.s32 v26, v25;
	[tilespmem:v17+s19+$0x0] =	vst.idx.msk vm4, v35  }
0x3cf: {  	v22 =	vand.u32 $0x180, v22;
	v23 =	vor.u32 v36, v37;
	v19 =	vld.idx.msk [tilespmem:v19+s13+$0x0], vm3  }
0x3d0: {  	v23 =	vor.u32 v22, v23;
	_ =	sdelay $0x1  }
0x3d1: {  	v38 =	vnsel vm2, $0x0, v20  }
0x3d2: {  	v39 =	vshll.u32 v38, $0x2  }
0x3d3: {  	v24 =	vand.u32 $0x7F, v38;
	v26 =	vand.u32 $0x1E00, v39;
	[tilespmem:v17+s20+$0x0] =	vst.idx.msk vm4, v19  }
0x3d4: {  	v17 =	vor.u32 v24, v26;
	v19 =	vld.idx.msk [tilespmem:v23+s21+$0x0], vm2  }
0x3d5: {  	v17 =	vor.u32 v25, v17  }
0x3d6: {  	v17 =	vor.u32 v22, v17  }
0x3d7: {  	v40 =	vadd.s32 $0x1, v20  }
0x3d8: {  	v41 =	vnsel vm2, $0x0, v40  }
0x3d9: {  	v27 =	vshll.u32 v41, $0x2;
	v19 =	vmax.f32 v19, v6  }
0x3da: {  	v27 =	vand.u32 $0x3E00, v27;
	[tilespmem:v23+s21+$0x0] =	vst.idx.msk vm2, v19  }
0x3db: {  	v42 =	vadd.s32 v27, v25;
	v19 =	vand.u32 $0x7F, v41;
	v43 =	vld.idx.msk [tilespmem:v17+s21+$0x0], vm2  }
0x3dc: {  	v19 =	vor.u32 v19, v42  }
0x3dd: {  	v19 =	vor.u32 v22, v19  }
0x3de: {  	vm1 =	vmand vm1, vm0  }
0x3df: {  	v44 =	vnsel vm1, $0x0, v21;
	v45 =	vnsel vm1, $0x0, v18  }
0x3e0: {  	v46 =	vshll.u32 v44, $0xB;
	v47 =	vshll.u32 v45, $0x2;
	v25 =	vmax.f32 v43, v7  }
0x3e1: {  	v48 =	vand.u32 $0xFFFFFE00, v47;
	[tilespmem:v17+s21+$0x0] =	vst.idx.msk vm2, v25;
	v17 =	vand.u32 $0xFFFFE000, v46  }
0x3e2: {  	v23 =	vand.u32 $0x7F, v45;
	v22 =	vshll.u32 v44, $0x7;
	v49 =	vld.idx.msk [tilespmem:v19+s21+$0x0], vm2;
	v25 =	vadd.s32 v48, v17  }
0x3e3: {  	v22 =	vand.u32 $0x180, v22;
	v23 =	vor.u32 v23, v25  }
0x3e4: {  	v23 =	vor.u32 v22, v23;
	_ =	sdelay $0x1  }
0x3e5: {  	v50 =	vnsel vm1, $0x0, v20  }
0x3e6: {  	v51 =	vshll.u32 v50, $0x2;
	v26 =	vmax.f32 v49, v8  }
0x3e7: {  	v27 =	vand.u32 $0x1E00, v51;
	v25 =	vand.u32 $0x7F, v50;
	[tilespmem:v19+s21+$0x0] =	vst.idx.msk vm2, v26  }
0x3e8: {  	v19 =	vor.u32 v25, v27;
	v52 =	vld.idx.msk [tilespmem:v23+s21+$0x0], vm1  }
0x3e9: {  	v19 =	vor.u32 v17, v19  }
0x3ea: {  	v19 =	vor.u32 v22, v19;
	_ =	sdelay $0x1  }
0x3eb: {  	v53 =	vnsel vm1, $0x0, v40  }
0x3ec: {  	v54 =	vshll.u32 v53, $0x2;
	v25 =	vmax.f32 v52, v9  }
0x3ed: {  	v27 =	vand.u32 $0x3E00, v54;
	[tilespmem:v23+s21+$0x0] =	vst.idx.msk vm1, v25  }
0x3ee: {  	v55 =	vand.u32 $0x7F, v53;
	v17 =	vadd.s32 v27, v17;
	v25 =	vld.idx.msk [tilespmem:v19+s21+$0x0], vm1  }
0x3ef: {  	v21 =	vadd.s32 $0x1, v21;
	v17 =	vor.u32 v55, v17  }
0x3f0: {  	vm2 =	vlt.u32 v21, $0x4;
	v17 =	vor.u32 v22, v17  }
0x3f1: {  	vm0 =	vmand vm2, vm0  }
0x3f2: {  	v21 =	vnsel vm0, $0x0, v21;
	v18 =	vnsel vm0, $0x0, v18  }
0x3f3: {  	v57 =	vshll.u32 v21, $0xB;
	v58 =	vshll.u32 v18, $0x2;
	v56 =	vmax.f32 v25, v10  }
0x3f4: {  	v59 =	vand.u32 $0xFFFFFE00, v58;
	[tilespmem:v19+s21+$0x0] =	vst.idx.msk vm1, v56;
	v19 =	vand.u32 $0xFFFFE000, v57  }
0x3f5: {  	v21 =	vshll.u32 v21, $0x7;
	v18 =	vand.u32 $0x7F, v18;
	v60 =	vld.idx.msk [tilespmem:v17+s21+$0x0], vm1;
	v22 =	vadd.s32 v59, v19  }
0x3f6: {  	v21 =	vand.u32 $0x180, v21;
	v18 =	vor.u32 v18, v22  }
0x3f7: {  	v18 =	vor.u32 v21, v18;
	_ =	sdelay $0x1  }
0x3f8: {  	v20 =	vnsel vm0, $0x0, v20  }
0x3f9: {  	v61 =	vshll.u32 v20, $0x2;
	v23 =	vmax.f32 v60, v11  }
0x3fa: {  	v20 =	vand.u32 $0x7F, v20;
	v22 =	vand.u32 $0x1E00, v61;
	[tilespmem:v17+s21+$0x0] =	vst.idx.msk vm1, v23  }
0x3fb: {  	v17 =	vor.u32 v20, v22;
	v20 =	vld.idx.msk [tilespmem:v18+s21+$0x0], vm0  }
0x3fc: {  	v17 =	vor.u32 v19, v17  }
0x3fd: {  	v62 =	vor.u32 v21, v17;
	_ =	sdelay $0x1  }
0x3fe: {  	v17 =	vnsel vm0, $0x0, v40  }
0x3ff: {  	v63 =	vshll.u32 v17, $0x2;
	v20 =	vmax.f32 v20, v12  }
0x400: {  	v23 =	vand.u32 $0x3E00, v63;
	[tilespmem:v18+s21+$0x0] =	vst.idx.msk vm0, v20  }
0x401: {  	v17 =	vand.u32 $0x7F, v17;
	v18 =	vadd.s32 v23, v19;
	v19 =	vld.idx.msk [tilespmem:v62+s21+$0x0], vm0  }
0x402: {  	v17 =	vor.u32 v17, v18  }
0x403: {  	v17 =	vor.u32 v21, v17;
	_ =	sdelay $0x2  }
0x404: {  	p2 =	sne.s32 s2, $0x1;
	v18 =	vmax.f32 v19, v13  }
.Ltmp35:
0x405: {  	[tilespmem:v62+s21+$0x0] =	vst.idx.msk vm0, v18;
	(pc) =	sbr.rel @!p2 .LBB2_33-.Ltmp35, $2  }
0x406: {  	v18 =	vld.idx.msk [tilespmem:v17+s21+$0x0], vm0;
	_ =	sdelay $0x2  }
0x407: {  	s4 =	sadd.s32 $0xFFFFFFFF, s2  }
.LBB2_32:
0x408: {  	s14 =	sadd.s32 $0x10, s14;
	s0 =	sadd.s32 $0x10, s0;
	s8 =	sadd.s32 $0xFFFFFFF0, s8  }
0x409: {  	p2 =	sne.s32 s4, $0x1;
	s4 =	sadd.s32 $0xFFFFFFFF, s4;
	v18 =	vmax.f32 v18, v14  }
0x40a: {  	[tilespmem:v17+s21+$0x0] =	vst.idx.msk vm0, v18  }
0x40b: {  	v19 =	vld [tilespmem:s14+$0x0];
	_ =	sdelay $0x1  }
0x40c: {  	v17 =	vmov s8;
	v20 =	vld [tilespmem:s0+$0x0];
	_ =	sdelay $0x2  }
0x40d: {  	vm4 =	vgt.s32 v17, v4;
	v21 =	vshrl.u32 v19, $0xB;
	v17 =	vand.u32 $0x7FF, v19  }
0x40e: {  	v22 =	vshll.u32 v19, $0x2;
	v18 =	vsub.s32 v21, v16;
	vm0 =	vne.s32 v17, $0x0  }
0x40f: {  	vm5 =	vlt.u32 v19, $0x3FF800;
	vm2 =	vne.s32 v17, $0x7FF;
	vm1 =	vlt.u32 v18, $0x4  }
0x410: {  	v19 =	vand.u32 $0x7F, v19;
	vm6 =	vne.s32 v21, $0x0;
	vm3 =	vmand vm4, vm1  }
0x411: {  	v22 =	vand.u32 $0x1E00, v22;
	vm0 =	vmand vm0, vm2;
	v21 =	vnsel vm3, $0x0, v18  }
0x412: {  	vm0 =	vmand vm6, vm0;
	v23 =	vshll.u32 v21, $0xB;
	v21 =	vshll.u32 v21, $0x7  }
0x413: {  	v19 =	vor.u32 v19, v22;
	v24 =	vld.idx.msk [tilespmem:v20+s12+$0x0], vm4;
	v23 =	vand.u32 $0xFFFFE000, v23;
	v21 =	vand.u32 $0x180, v21  }
0x414: {  	v22 =	vadd.s32 $0xFFFFFFFF, v18;
	vm0 =	vmand vm5, vm0;
	v19 =	vor.u32 v23, v19  }
0x415: {  	vm2 =	vlt.u32 v22, $0x4;
	v21 =	vor.u32 v21, v19;
	v19 =	vadd.s32 $0x1, v17  }
0x416: {  	vm0 =	vmand vm4, vm0;
	v23 =	vadd.s32 $0xFFFFFFFF, v17  }
0x417: {  	vm2 =	vmand vm2, vm0  }
0x418: {  	v22 =	vnsel vm2, $0x0, v22;
	v26 =	vnsel vm2, $0x0, v17;
	v25 =	vnsel vm2, $0x0, v23  }
0x419: {  	v27 =	vshll.u32 v22, $0xB;
	v22 =	vshll.u32 v22, $0x7;
	v28 =	vshll.u32 v25, $0x2  }
0x41a: {  	[tilespmem:v21+s19+$0x0] =	vst.idx.msk vm3, v24;
	v24 =	vand.u32 $0xFFFFE000, v27;
	v27 =	vand.u32 $0xFFFFFE00, v28;
	v28 =	vshll.u32 v26, $0x2  }
0x41b: {  	v25 =	vand.u32 $0x7F, v25;
	v20 =	vld.idx.msk [tilespmem:v20+s13+$0x0], vm4;
	v27 =	vadd.s32 v27, v24;
	v28 =	vand.u32 $0x1E00, v28  }
0x41c: {  	v22 =	vand.u32 $0x180, v22;
	v26 =	vand.u32 $0x7F, v26;
	v25 =	vor.u32 v25, v27  }
0x41d: {  	v26 =	vor.u32 v26, v28;
	v27 =	vnsel vm2, $0x0, v19;
	v25 =	vor.u32 v22, v25  }
0x41e: {  	v26 =	vor.u32 v24, v26;
	v28 =	vshll.u32 v27, $0x2  }
0x41f: {  	v28 =	vand.u32 $0x3E00, v28  }
0x420: {  	v27 =	vand.u32 $0x7F, v27;
	v24 =	vadd.s32 v28, v24  }
0x421: {  	[tilespmem:v21+s20+$0x0] =	vst.idx.msk vm3, v20;
	v20 =	vor.u32 v27, v24  }
0x422: {  	v21 =	vld.idx.msk [tilespmem:v25+s21+$0x0], vm2;
	_ =	sdelay $0x2  }
0x423: {  	v24 =	vor.u32 v22, v26;
	_ =	sdelay $0x2  }
0x424: {  	v21 =	vmax.f32 v21, v6  }
0x425: {  	[tilespmem:v25+s21+$0x0] =	vst.idx.msk vm2, v21  }
0x426: {  	v21 =	vld.idx.msk [tilespmem:v24+s21+$0x0], vm2;
	_ =	sdelay $0x2  }
0x427: {  	v20 =	vor.u32 v22, v20;
	_ =	sdelay $0x1  }
0x428: {  	vm1 =	vmand vm1, vm0  }
0x429: {  	v22 =	vnsel vm1, $0x0, v18;
	v25 =	vnsel vm1, $0x0, v23;
	v21 =	vmax.f32 v21, v7  }
0x42a: {  	[tilespmem:v24+s21+$0x0] =	vst.idx.msk vm2, v21;
	v21 =	vshll.u32 v22, $0xB;
	v24 =	vshll.u32 v25, $0x2;
	v22 =	vshll.u32 v22, $0x7  }
0x42b: {  	v27 =	vnsel vm1, $0x0, v17;
	v26 =	vld.idx.msk [tilespmem:v20+s21+$0x0], vm2;
	v21 =	vand.u32 $0xFFFFE000, v21;
	v24 =	vand.u32 $0xFFFFFE00, v24  }
0x42c: {  	v28 =	vshll.u32 v27, $0x2;
	v25 =	vand.u32 $0x7F, v25;
	v24 =	vadd.s32 v24, v21  }
0x42d: {  	v22 =	vand.u32 $0x180, v22;
	v24 =	vor.u32 v25, v24;
	v25 =	vand.u32 $0x1E00, v28  }
0x42e: {  	v27 =	vand.u32 $0x7F, v27;
	v28 =	vnsel vm1, $0x0, v19;
	v24 =	vor.u32 v22, v24  }
0x42f: {  	v25 =	vor.u32 v27, v25;
	v27 =	vshll.u32 v28, $0x2  }
0x430: {  	v25 =	vor.u32 v21, v25;
	v27 =	vand.u32 $0x3E00, v27  }
0x431: {  	v28 =	vand.u32 $0x7F, v28;
	v26 =	vmax.f32 v26, v8;
	v21 =	vadd.s32 v27, v21  }
0x432: {  	[tilespmem:v20+s21+$0x0] =	vst.idx.msk vm2, v26;
	v20 =	vor.u32 v28, v21  }
0x433: {  	v21 =	vld.idx.msk [tilespmem:v24+s21+$0x0], vm1;
	_ =	sdelay $0x2  }
0x434: {  	v25 =	vor.u32 v22, v25;
	_ =	sdelay $0x2  }
0x435: {  	v21 =	vmax.f32 v21, v9  }
0x436: {  	[tilespmem:v24+s21+$0x0] =	vst.idx.msk vm1, v21  }
0x437: {  	v21 =	vld.idx.msk [tilespmem:v25+s21+$0x0], vm1;
	_ =	sdelay $0x2  }
0x438: {  	v18 =	vadd.s32 $0x1, v18;
	v20 =	vor.u32 v22, v20  }
0x439: {  	vm2 =	vlt.u32 v18, $0x4  }
0x43a: {  	vm0 =	vmand vm2, vm0  }
0x43b: {  	v18 =	vnsel vm0, $0x0, v18;
	v22 =	vnsel vm0, $0x0, v23;
	v21 =	vmax.f32 v21, v10  }
0x43c: {  	v23 =	vshll.u32 v22, $0x2;
	[tilespmem:v25+s21+$0x0] =	vst.idx.msk vm1, v21;
	v21 =	vshll.u32 v18, $0xB;
	v18 =	vshll.u32 v18, $0x7  }
0x43d: {  	v17 =	vnsel vm0, $0x0, v17;
	v23 =	vand.u32 $0xFFFFFE00, v23;
	v24 =	vld.idx.msk [tilespmem:v20+s21+$0x0], vm1;
	v21 =	vand.u32 $0xFFFFE000, v21  }
0x43e: {  	v22 =	vand.u32 $0x7F, v22;
	v25 =	vshll.u32 v17, $0x2;
	v23 =	vadd.s32 v23, v21  }
0x43f: {  	v18 =	vand.u32 $0x180, v18;
	v22 =	vor.u32 v22, v23;
	v23 =	vand.u32 $0x1E00, v25  }
0x440: {  	v19 =	vnsel vm0, $0x0, v19;
	v17 =	vand.u32 $0x7F, v17;
	v22 =	vor.u32 v18, v22  }
0x441: {  	v17 =	vor.u32 v17, v23;
	v23 =	vshll.u32 v19, $0x2  }
0x442: {  	v17 =	vor.u32 v21, v17;
	v23 =	vand.u32 $0x3E00, v23  }
0x443: {  	v19 =	vand.u32 $0x7F, v19;
	v24 =	vmax.f32 v24, v11;
	v21 =	vadd.s32 v23, v21  }
0x444: {  	v19 =	vor.u32 v19, v21;
	[tilespmem:v20+s21+$0x0] =	vst.idx.msk vm1, v24  }
0x445: {  	v20 =	vld.idx.msk [tilespmem:v22+s21+$0x0], vm0;
	_ =	sdelay $0x2  }
0x446: {  	v21 =	vor.u32 v18, v17;
	_ =	sdelay $0x2  }
0x447: {  	v17 =	vmax.f32 v20, v12  }
0x448: {  	[tilespmem:v22+s21+$0x0] =	vst.idx.msk vm0, v17  }
0x449: {  	v20 =	vld.idx.msk [tilespmem:v21+s21+$0x0], vm0;
	_ =	sdelay $0x2  }
0x44a: {  	v17 =	vor.u32 v18, v19  }
.Ltmp36:
0x44b: {  	(pc) =	sbr.rel @p2 .LBB2_32-.Ltmp36, $4  }
0x44c: {  	_ = 	snop  }
0x44d: {  	v18 =	vmax.f32 v20, v13  }
0x44e: {  	[tilespmem:v21+s21+$0x0] =	vst.idx.msk vm0, v18  }
0x44f: {  	v18 =	vld.idx.msk [tilespmem:v17+s21+$0x0], vm0  }
.Ltmp37:
0x450: {  	_ = 	snop;
	(pc) =	sbr.rel .LBB2_33-.Ltmp37, $1  }
0x451: {  	_ =	sdelay $0x3  }
.LBB2_50:
.Ltmp38:
0x452: {  	(pc) =	sbr.rel .LBB2_59-.Ltmp38, $2  }
0x453: {  	_ =	sdelay $0x2  }
0x454: {  	s5 =	simm.s32 $0xF390;
	s2 =	smov.u32 s7;
	s9 =	simm.s32 $0xF890;
	v24 =	vimm.s32 $0x0  }
.LBB2_52:
.Ltmp39:
0x455: {  	(pc) =	sbr.rel .LBB2_59-.Ltmp39, $2  }
0x456: {  	_ =	sdelay $0x2  }
0x457: {  	vm7 =	vmmov vm6;
	v20 =	vmovc v19;
	v21 =	vmov v18;
	s5 =	simm.s32 $0xF390;
	s2 =	smov.u32 s7;
	s9 =	simm.s32 $0xF890;
	v24 =	vimm.s32 $0x0  }
.LBB2_54:
.Ltmp40:
0x458: {  	(pc) =	sbr.rel .LBB2_59-.Ltmp40, $3  }
0x459: {  	_ =	sdelay $0x1  }
0x45a: {  	vm7 =	vmmov vm8;
	v25 =	vmov v24;
	v30 =	vmov v26  }
0x45b: {  	v31 =	vmovc v27;
	vm4 =	vmmov vm2;
	vm5 =	vmmov vm0;
	v32 =	vmovc v19;
	s9 =	simm.s32 $0xF890;
	v33 =	vmov v18  }
.LBB2_56:
.Ltmp41:
0x45c: {  	(pc) =	sbr.rel .LBB2_59-.Ltmp41, $2  }
0x45d: {  	_ =	sdelay $0x2  }
0x45e: {  	v32 =	vmovc v20;
	v33 =	vmovc v21;
	vm6 =	vmmov vm8;
	s9 =	simm.s32 $0xF890;
	v20 =	vmov v35;
	v21 =	vmov v34  }
.LBB2_39:
.Ltmp42:
0x45f: {  	(pc) =	sbr.rel .LBB2_48-.Ltmp42, $2  }
0x460: {  	_ =	sdelay $0x2  }
0x461: {  	s5 =	simm.s32 $0xF390;
	s2 =	smov.u32 s7;
	s9 =	simm.s32 $0xF890;
	v24 =	vimm.s32 $0x0  }
.LBB2_41:
.Ltmp43:
0x462: {  	(pc) =	sbr.rel .LBB2_48-.Ltmp43, $2  }
0x463: {  	_ =	sdelay $0x2  }
0x464: {  	vm7 =	vmmov vm6;
	v20 =	vmovc v19;
	v21 =	vmov v18;
	s5 =	simm.s32 $0xF390;
	s2 =	smov.u32 s7;
	s9 =	simm.s32 $0xF890;
	v24 =	vimm.s32 $0x0  }
.LBB2_43:
.Ltmp44:
0x465: {  	(pc) =	sbr.rel .LBB2_48-.Ltmp44, $3  }
0x466: {  	_ =	sdelay $0x1  }
0x467: {  	vm7 =	vmmov vm8;
	v25 =	vmov v24;
	v30 =	vmov v26  }
0x468: {  	v31 =	vmovc v27;
	vm4 =	vmmov vm2;
	vm5 =	vmmov vm0;
	v32 =	vmovc v19;
	s9 =	simm.s32 $0xF890;
	v33 =	vmov v18  }
.LBB2_45:
.Ltmp45:
0x469: {  	(pc) =	sbr.rel .LBB2_48-.Ltmp45, $3  }
0x46a: {  	_ =	sdelay $0x1  }
0x46b: {  	s9 =	simm.s32 $0xF890  }
0x46c: {  	v32 =	vmovc v20;
	v33 =	vmovc v21;
	vm6 =	vmmov vm8;
	v20 =	vmov v35;
	v21 =	vmov v34;
	s24 =	smov.u32 s25;
	s25 =	smov.u32 s1;
	s1 =	rddreg [dreg:$0x7]  }
.LBB2_37:
0x46d: {  	_ =	sfence.sel $0x180000  }
0x46e: {  	[bflag:$0x0] =	sbarrier.arrive $0xFFFF  }
0x46f: {  	_ =	strace $0x90000047  }
0x470: {  	s0 =	stileid.u32;
	[bflag:$0x2] =	sbarrier.arrive $0xFFFF  }
0x471: {  	p0 =	sne.s32 s0, $0x0;
	s0 =	rddreg [dreg:$0x6]  }
0x472: {  	s0 =	sadd.s32 @!p0 $0x100000, s0  }
0x473: {  	[sflag:s0] =	ssyncadd.tile.s32 @!p0 $0x1;
	_ =	shalt  }
.Lfunc_end2:
_tile_overlayer_lowered:
.L_overlay_start_2:
0x474: {  	(tag) =	ssettag $0x2  }
0x475: {  	s0 =	rddreg [dreg:$0x0];
	s2 =	stileid.u32  }
0x476: {  	s1 =	rddreg [dreg:$0x1];
	p0 =	sne.s32 s2, $0x0  }
0x477: {  	s3 =	rddreg [dreg:$0x2];
	[bflag:$0x3] =	sbarrier.arrive $0xFFFF;
	s2 =	simm.s32 @!p0 $0x1C03  }
0x478: {  	[timem:s3], [sflag:s2] =	dma.local @!p0 [hbm:s0], s1  }
0x479: {  	s0 =	simm.s32 @!p0 $0x3  }
0x47a: {  	_ =	swait.ge @!p0 [sflag:s0], s1  }
0x47b: {  	s1 =	ssub.s32 @!p0 $0x0, s1;
	[sflag:s0] =	ssyncset.done @!p0 $0x0  }
0x47c: {  	[sflag:s0] =	ssyncadd.s32 @!p0 s1  }
0x47d: {  	[bflag:$0x3] =	sbarrier.arrive $0xFFFF  }
0x47e: {  	_ =	shalt  }

</sc_bundles>
